<compile_context>
chip_gen: v7x
topology: tpu7x:2x2x1
jax: 0.10.2.dev20260603
libtpu: 0.0.44.dev20260713+nightly
codegen_flags: <defaults>
</compile_context>

<pallas_src>
import functools
import jax
import jax.numpy as jnp
from jax import lax
from jax.experimental import pallas as pl
from jax.experimental.pallas import tpu as pltpu
from jax.experimental.pallas import tpu_sc as plsc
from math import sqrt

B = 16
N_PER = 4096
M = 3 * N_PER
D = 256
H = 8
DH = D // H
NNZ = 196608
NORM = 1.0 / sqrt(DH)

NC = 2
NS = 16
NW = NC * NS
LANE = 128
E_PER_W = NNZ // 2
CHUNK = 8192
LOC_E = 2048
S_ROWS = (CHUNK - LOC_E) // LANE
N_CHUNKS = E_PER_W // CHUNK
W_WORDS = 3 * N_PER


def _sc_weights(d_rows, d_cols, d_vals, d_index, gbase=0, ngraphs=B):
    mesh = plsc.VectorSubcoreMesh(core_axis_name="c", subcore_axis_name="s")
    wpg = NW // ngraphs
    epw = NNZ // wpg
    nchunks = epw // CHUNK
    q2 = wpg // NC

    @functools.partial(
        pl.kernel,
        mesh=mesh,
        compiler_params=pltpu.CompilerParams(needs_layout_passes=False),
        out_type=jax.ShapeDtypeStruct((NW, W_WORDS), jnp.float32),
        scratch_types=[
            pltpu.VMEM((M,), jnp.int32),
            pltpu.VMEM((2, CHUNK), jnp.int32),
            pltpu.VMEM((2, CHUNK), jnp.int32),
            pltpu.VMEM((2, CHUNK), jnp.float32),
            pltpu.VMEM((W_WORDS,), jnp.float32),
            pltpu.VMEM((W_WORDS,), jnp.float32),
            pltpu.VMEM((2 * (CHUNK - LOC_E) // LANE, LANE), jnp.int32),
            pltpu.VMEM_SHARED((NS * W_WORDS,), jnp.float32),
            pltpu.SemaphoreType.DMA,
            pltpu.SemaphoreType.DMA,
        ],
    )
    def k(rows_hbm, cols_hbm, vals_hbm, dindex_hbm, out_hbm,
          dindex_v, rows_v, cols_v, vals_v, w_a, wl_v, idx_v, w_sh,
          sem_in, sem_sc):
        cid = lax.axis_index("c")
        sid = lax.axis_index("s")
        glocal = sid // q2
        part = lax.rem(sid, q2) * NC + cid
        wid = glocal * wpg + part
        g = gbase + glocal
        ebase = part * epw

        def start_in(c, b):
            off = ebase + c * CHUNK
            pltpu.async_copy(rows_hbm.at[g, pl.ds(off, CHUNK)],
                             rows_v.at[b], sem_in)
            pltpu.async_copy(cols_hbm.at[g, pl.ds(off, CHUNK)],
                             cols_v.at[b], sem_in)
            pltpu.async_copy(vals_hbm.at[g, pl.ds(off, CHUNK)],
                             vals_v.at[b], sem_in)

        def wait_in(c, b):
            off = ebase + c * CHUNK
            pltpu.make_async_copy(rows_hbm.at[g, pl.ds(off, CHUNK)],
                                  rows_v.at[b], sem_in).wait()
            pltpu.make_async_copy(cols_hbm.at[g, pl.ds(off, CHUNK)],
                                  cols_v.at[b], sem_in).wait()
            pltpu.make_async_copy(vals_hbm.at[g, pl.ds(off, CHUNK)],
                                  vals_v.at[b], sem_in).wait()

        wbase = sid * W_WORDS

        start_in(0, 0)

        @plsc.parallel_loop(0, W_WORDS // 16)
        def _(i):
            w_a[pl.ds(i * 16, 16)] = jnp.zeros((16,), jnp.float32)
        pltpu.sync_copy(w_a, w_sh.at[pl.ds(wbase, W_WORDS)])
        pltpu.sync_copy(dindex_hbm.at[g], dindex_v)

        @plsc.parallel_loop(0, M // 16)
        def _(i):
            dindex_v[pl.ds(i * 16, 16)] = dindex_v[pl.ds(i * 16, 16)] * N_PER

        def fire_scatter(b):
            def fire(j, carry):
                pltpu.async_copy(vals_v.at[b, pl.ds(LOC_E + j * LANE, LANE)],
                                 w_sh.at[idx_v.at[b * S_ROWS + j]],
                                 sem_sc, add=True)
                return carry
            lax.fori_loop(0, S_ROWS, fire, 0)

        def drain_scatter(b):
            def drain(j, carry):
                pltpu.make_async_copy(
                    vals_v.at[b, pl.ds(LOC_E + j * LANE, LANE)],
                    w_sh.at[idx_v.at[b * S_ROWS + j]], sem_sc).wait()
                return carry
            lax.fori_loop(0, S_ROWS, drain, 0)

        def chunk_body(c, carry):
            b = lax.rem(c, 2)
            wait_in(c, b)

            @pl.when(c > 0)
            def _():
                drain_scatter(1 - b)

            @pl.when(c + 1 < nchunks)
            def _():
                start_in(c + 1, 1 - b)

            def sbody(j, carry2):
                for t in range(LANE // 16):
                    o = LOC_E + j * LANE + t * 16
                    rows = rows_v[b, pl.ds(o, 16)]
                    cols = cols_v[b, pl.ds(o, 16)]
                    s = plsc.load_gather(dindex_v, [rows])
                    idx_v[b * S_ROWS + j, pl.ds(t * 16, 16)] = \
                        wbase + s + cols
                return carry2
            lax.fori_loop(0, S_ROWS, sbody, 0)
            fire_scatter(b)

            def body(j, carry2):
                for t in range(16):
                    o = j * 256 + t * 16
                    rows = rows_v[b, pl.ds(o, 16)]
                    cols = cols_v[b, pl.ds(o, 16)]
                    vals = vals_v[b, pl.ds(o, 16)]
                    s = plsc.load_gather(dindex_v, [rows])
                    plsc.addupdate_scatter(w_a, [s + cols], vals)
                return carry2
            lax.fori_loop(0, LOC_E // 256, body, 0)
            return carry
        lax.fori_loop(0, nchunks, chunk_body, 0)

        drain_scatter(lax.rem(nchunks - 1, 2))

        pltpu.sync_copy(w_sh.at[pl.ds(wbase, W_WORDS)], wl_v)

        @plsc.parallel_loop(0, W_WORDS // 16)
        def _(i):
            sl = pl.ds(i * 16, 16)
            w_a[sl] = w_a[sl] + wl_v[sl]
        pltpu.sync_copy(w_a, out_hbm.at[wid])

    return k(d_rows, d_cols, d_vals, d_index)


def _tc_body(x_ref, wp_ref, wqkv_ref, o_ref):
    w = wp_ref[0]
    for p in range(1, wp_ref.shape[0]):
        w = w + wp_ref[p]
    xd = jnp.dot(w, x_ref[...], preferred_element_type=jnp.float32,
                 precision=lax.Precision.HIGHEST)

    tdot = lambda a, b: lax.dot_general(
        a, b, (((1,), (1,)), ((), ())), preferred_element_type=jnp.float32)
    qkv = tdot(xd, wqkv_ref[...])
    q = qkv[:, 0:D]
    k = qkv[:, D:2 * D]
    v = qkv[:, 2 * D:3 * D]

    row_head = lax.broadcasted_iota(jnp.int32, (3 * H, D), 0) // 3
    col_head = lax.broadcasted_iota(jnp.int32, (3 * H, D), 1) // DH
    hsel = row_head == col_head
    kx = jnp.where(hsel, jnp.broadcast_to(k[None], (H, 3, D)).reshape(3 * H, D), 0.0)
    vx = jnp.where(hsel, jnp.broadcast_to(v[None], (H, 3, D)).reshape(3 * H, D), 0.0)

    dist = tdot(q, kx) * NORM
    dist = jax.nn.softmax(dist.reshape(3, H, 3), axis=-1).reshape(3, 3 * H)
    o_ref[0] = jnp.dot(dist, vx, preferred_element_type=jnp.float32)


def _tc_attention(x, wp, wqkv, gbase, ngraphs):
    npart = NW // ngraphs
    return pl.pallas_call(
        _tc_body,
        grid=(ngraphs,),
        in_specs=[
            pl.BlockSpec((N_PER, D), lambda g: (g + gbase, 0)),
            pl.BlockSpec((npart, 3, N_PER), lambda g: (g, 0, 0)),
            pl.BlockSpec((3 * D, D), lambda g: (0, 0)),
        ],
        out_specs=pl.BlockSpec((1, 3, D), lambda g: (g, 0, 0)),
        out_shape=jax.ShapeDtypeStruct((ngraphs, 3, D), jnp.float32),
    )(x, wp, wqkv)


def kernel(x, batch, batch_size, d_rows, d_cols, d_vals, d_index, Wq, Wk, Wv):
    wqkv = jnp.concatenate([Wq, Wk, Wv], axis=0)
    half = B // 2
    outs = []
    for ph in range(2):
        gbase = ph * half
        wp = _sc_weights(d_rows, d_cols, d_vals, d_index,
                         gbase=gbase, ngraphs=half)
        wp = wp.reshape(NW, 3, N_PER)
        outs.append(_tc_attention(x, wp, wqkv, gbase, half))
    return jnp.concatenate(outs, axis=0).reshape(B, 3 * D)

# --- scband reference (transcript-rebuilt; emitter-appended) ---
"""Pipeline reference for scband-decom-layer-50611894616605 (READ-ONLY COPY).

The authoritative reference and input builder live on the scoring server;
editing this copy changes nothing except your own understanding.
"""

import jax, jax.numpy as jnp
import numpy as np
from math import sqrt

B = 16          # batch_size (number of graphs)
N_PER = 4096    # nodes per graph
M = 3 * N_PER   # framelet operator rows (3 scales)
D = 256         # hidden_dim
H = 8           # num_heads
NNZ = 196608    # nonzeros per graph operator (16 per row)
NORM = 1.0 / sqrt(D // H)


def setup_inputs(seed: int = 0) -> dict:
    key = jax.random.key(seed)
    ks = jax.random.split(key, 8)
    x = jax.random.normal(ks[0], (B * N_PER, D), dtype=jnp.float32)
    # contiguous sorted batch assignment: graph i owns rows [i*N_PER, (i+1)*N_PER)
    batch = jnp.repeat(jnp.arange(B, dtype=jnp.int32), N_PER)
    d_rows = jax.random.randint(ks[1], (B, NNZ), 0, M, dtype=jnp.int32)
    d_cols = jax.random.randint(ks[2], (B, NNZ), 0, N_PER, dtype=jnp.int32)
    d_vals = jax.random.normal(ks[3], (B, NNZ), dtype=jnp.float32)
    d_index = jax.random.randint(ks[4], (B, M), 0, 3, dtype=jnp.int32)
    Wq = jax.random.normal(ks[5], (D, D), dtype=jnp.float32) / sqrt(D)
    Wk = jax.random.normal(ks[6], (D, D), dtype=jnp.float32) / sqrt(D)
    Wv = jax.random.normal(ks[7], (D, D), dtype=jnp.float32) / sqrt(D)
    return {"x": x, "batch": batch, "batch_size": B,
            "d_rows": d_rows, "d_cols": d_cols, "d_vals": d_vals,
            "d_index": d_index, "Wq": Wq, "Wk": Wk, "Wv": Wv}


def _calculate_att(x_dec, Wq, Wk, Wv):
    dh = D // H
    Q = (x_dec @ Wq.T).reshape(3, H, dh).transpose(1, 0, 2)
    K = (x_dec @ Wk.T).reshape(3, H, dh).transpose(1, 0, 2)
    V = (x_dec @ Wv.T).reshape(3, H, dh).transpose(1, 0, 2)
    dist = jnp.matmul(Q, jnp.swapaxes(K, 1, 2)) * NORM
    dist = jax.nn.softmax(dist, axis=-1)
    att = jnp.matmul(dist, V)
    return att.transpose(1, 0, 2).reshape(3, D)


def reference(x, batch, batch_size, d_rows, d_cols, d_vals, d_index, Wq, Wk, Wv):
    # aggre_mode='sum' -> global_add_pool == segment_sum
    n_graphs = d_rows.shape[0]
    start_zero = batch_size * 0
    outs = []
    for i in range(n_graphs):
        # batch == i is the contiguous slice [i*N_PER, (i+1)*N_PER)
        xi = jax.lax.dynamic_slice_in_dim(x, i * N_PER + start_zero, N_PER, axis=0)
        # spmm: coefs = D_i @ xi, D_i given as COO (d_rows, d_cols, d_vals)
        gathered = d_vals[i][:, None] * jnp.take(xi, d_cols[i], axis=0)
        coefs = jnp.zeros((M, D), dtype=x.dtype).at[d_rows[i]].add(gathered)
        # global_add_pool over framelet scales -> [3, D]
        x_dec = jax.ops.segment_sum(coefs, d_index[i], num_segments=3)
        # attention over the 3 scale tokens
        x_dec = _calculate_att(x_dec, Wq, Wk, Wv)
        outs.append(x_dec.reshape(-1))
    return jnp.stack(outs, axis=0)  # [B, 3*D]

if __name__ == "__main__":
    import jax
    _d = setup_inputs()
    print(jax.jit(kernel)(*tuple(_d.values())))

</pallas_src>

<mosaic_0001>
#map = affine_map<(d0, d1) -> (0, 0)>
module attributes {stable_mosaic.version = 14 : i64} {
  func.func @k(%arg0: i32, %arg1: i32, %arg2: memref<16x196608xi32, #tpu.memory_space<hbm>>, %arg3: memref<16x196608xi32, #tpu.memory_space<hbm>>, %arg4: memref<16x196608xf32, #tpu.memory_space<hbm>>, %arg5: memref<16x12288xi32, #tpu.memory_space<hbm>>, %arg6: memref<32x12288xf32, #tpu.memory_space<hbm>>, %arg7: memref<12288xi32, #tpu.memory_space<vmem>>, %arg8: memref<2x8192xi32, #tpu.memory_space<vmem>>, %arg9: memref<2x8192xi32, #tpu.memory_space<vmem>>, %arg10: memref<2x8192xf32, #tpu.memory_space<vmem>>, %arg11: memref<12288xf32, #tpu.memory_space<vmem>>, %arg12: memref<12288xf32, #tpu.memory_space<vmem>>, %arg13: memref<96x128xi32, #tpu.memory_space<vmem>>, %arg14: memref<196608xf32, #tpu.memory_space<vmem_shared>>, %arg15: memref<!tpu.dma_semaphore, #tpu.memory_space<semaphore_mem>>, %arg16: memref<!tpu.dma_semaphore, #tpu.memory_space<semaphore_mem>>) attributes {dimension_semantics = [#tpu.dimension_semantics<core_parallel>, #tpu.dimension_semantics<subcore_parallel>], iteration_bounds = array<i64: 2, 16>, scalar_prefetch = 0 : i64, scratch_operands = 10 : i64, tpu.core_type = #tpu.core_type<sc_vector_subcore>, window_params = [{transform_indices = #map}, {transform_indices = #map}, {transform_indices = #map}, {transform_indices = #map}, {transform_indices = #map}]} {
    %jit3A = arith.constant 2 : i32
    %div3A = arith.divsi %arg1, %jit3A : i32
    %sign3A = arith.constant 0 : i32
    %sign3A_0 = arith.cmpi sgt, %arg1, %sign3A : i32
    %sign3A_1 = arith.extui %sign3A_0 : i1 to i32
    %sign3A_2 = arith.constant 0 : i32
    %sign3A_3 = arith.cmpi slt, %arg1, %sign3A_2 : i32
    %sign3A_4 = arith.extui %sign3A_3 : i1 to i32
    %sign3A_5 = arith.subi %sign3A_1, %sign3A_4 : i32
    %sign3A_6 = arith.constant 0 : i32
    %sign3A_7 = arith.cmpi sgt, %jit3A, %sign3A_6 : i32
    %sign3A_8 = arith.extui %sign3A_7 : i1 to i32
    %sign3A_9 = arith.constant 0 : i32
    %sign3A_10 = arith.cmpi slt, %jit3A, %sign3A_9 : i32
    %sign3A_11 = arith.extui %sign3A_10 : i1 to i32
    %sign3A_12 = arith.subi %sign3A_8, %sign3A_11 : i32
    %ne3A = arith.cmpi ne, %sign3A_5, %sign3A_12 : i32
    %rem3A = arith.remsi %arg1, %jit3A : i32
    %ne3A_13 = arith.constant 0 : i32
    %ne3A_14 = arith.cmpi ne, %rem3A, %ne3A_13 : i32
    %and3A = arith.andi %ne3A, %ne3A_14 : i1
    %sub3A = arith.constant 1 : i32
    %sub3A_15 = arith.subi %div3A, %sub3A : i32
    %select_n3A = arith.select %and3A, %sub3A_15, %div3A : i32
    %rem3A_16 = arith.constant 2 : i32
    %rem3A_17 = arith.remsi %arg1, %rem3A_16 : i32
    %mul3A = arith.constant 2 : i32
    %mul3A_18 = arith.muli %rem3A_17, %mul3A : i32
    %add3A = arith.addi %mul3A_18, %arg0 : i32
    %mul3A_19 = arith.constant 4 : i32
    %mul3A_20 = arith.muli %select_n3A, %mul3A_19 : i32
    %add3A_21 = arith.addi %mul3A_20, %add3A : i32
    %add3A_22 = arith.constant 8 : i32
    %add3A_23 = arith.addi %add3A_22, %select_n3A : i32
    %mul3A_24 = arith.constant 49152 : i32
    %mul3A_25 = arith.muli %add3A, %mul3A_24 : i32
    %mul3A_26 = arith.constant 12288 : i32
    %mul3A_27 = arith.muli %arg1, %mul3A_26 : i32
    %add3A_28 = arith.constant 0 : i32
    %add3A_29 = arith.addi %mul3A_25, %add3A_28 : i32
    %dma_start3A = arith.constant 0 : i32
    %dma_start3A_30 = arith.constant 0 : i32
    %dma_start3A_31 = tpu.memref_slice %arg8[%dma_start3A, %dma_start3A_30] : memref<2x8192xi32, #tpu.memory_space<vmem>> -> memref<1x8192xi32, #tpu.memory_space<vmem>>
    %dma_start3A_32 = tpu.memref_squeeze %dma_start3A_31 : memref<1x8192xi32, #tpu.memory_space<vmem>> -> memref<8192xi32, #tpu.memory_space<vmem>>
    %dma_start3A_33 = tpu.memref_slice %arg2[%add3A_23, %add3A_29] : memref<16x196608xi32, #tpu.memory_space<hbm>> -> memref<1x8192xi32, #tpu.memory_space<hbm>>
    %dma_start3A_34 = tpu.memref_squeeze %dma_start3A_33 : memref<1x8192xi32, #tpu.memory_space<hbm>> -> memref<8192xi32, #tpu.memory_space<hbm>>
    %dma_start3A_35 = arith.constant 0 : i32
    %dma_start3A_36 = tpu.memref_slice %arg8[%dma_start3A, %dma_start3A_35] : memref<2x8192xi32, #tpu.memory_space<vmem>> -> memref<1x8192xi32, #tpu.memory_space<vmem>>
    %dma_start3A_37 = tpu.memref_squeeze %dma_start3A_36 : memref<1x8192xi32, #tpu.memory_space<vmem>> -> memref<8192xi32, #tpu.memory_space<vmem>>
    %dma_start3A_38 = tpu.memref_slice %arg2[%add3A_23, %add3A_29] : memref<16x196608xi32, #tpu.memory_space<hbm>> -> memref<1x8192xi32, #tpu.memory_space<hbm>>
    %dma_start3A_39 = tpu.memref_squeeze %dma_start3A_38 : memref<1x8192xi32, #tpu.memory_space<hbm>> -> memref<8192xi32, #tpu.memory_space<hbm>>
    tpu.enqueue_dma source(%dma_start3A_39 : memref<8192xi32, #tpu.memory_space<hbm>>) target(%dma_start3A_37 : memref<8192xi32, #tpu.memory_space<vmem>>) target_semaphore(%arg15 : memref<!tpu.dma_semaphore, #tpu.memory_space<semaphore_mem>>)
    %dma_start3A_40 = arith.constant 0 : i32
    %dma_start3A_41 = arith.constant 0 : i32
    %dma_start3A_42 = tpu.memref_slice %arg9[%dma_start3A_40, %dma_start3A_41] : memref<2x8192xi32, #tpu.memory_space<vmem>> -> memref<1x8192xi32, #tpu.memory_space<vmem>>
    %dma_start3A_43 = tpu.memref_squeeze %dma_start3A_42 : memref<1x8192xi32, #tpu.memory_space<vmem>> -> memref<8192xi32, #tpu.memory_space<vmem>>
    %dma_start3A_44 = tpu.memref_slice %arg3[%add3A_23, %add3A_29] : memref<16x196608xi32, #tpu.memory_space<hbm>> -> memref<1x8192xi32, #tpu.memory_space<hbm>>
    %dma_start3A_45 = tpu.memref_squeeze %dma_start3A_44 : memref<1x8192xi32, #tpu.memory_space<hbm>> -> memref<8192xi32, #tpu.memory_space<hbm>>
    %dma_start3A_46 = arith.constant 0 : i32
    %dma_start3A_47 = tpu.memref_slice %arg9[%dma_start3A_40, %dma_start3A_46] : memref<2x8192xi32, #tpu.memory_space<vmem>> -> memref<1x8192xi32, #tpu.memory_space<vmem>>
    %dma_start3A_48 = tpu.memref_squeeze %dma_start3A_47 : memref<1x8192xi32, #tpu.memory_space<vmem>> -> memref<8192xi32, #tpu.memory_space<vmem>>
    %dma_start3A_49 = tpu.memref_slice %arg3[%add3A_23, %add3A_29] : memref<16x196608xi32, #tpu.memory_space<hbm>> -> memref<1x8192xi32, #tpu.memory_space<hbm>>
    %dma_start3A_50 = tpu.memref_squeeze %dma_start3A_49 : memref<1x8192xi32, #tpu.memory_space<hbm>> -> memref<8192xi32, #tpu.memory_space<hbm>>
    tpu.enqueue_dma source(%dma_start3A_50 : memref<8192xi32, #tpu.memory_space<hbm>>) target(%dma_start3A_48 : memref<8192xi32, #tpu.memory_space<vmem>>) target_semaphore(%arg15 : memref<!tpu.dma_semaphore, #tpu.memory_space<semaphore_mem>>)
    %dma_start3A_51 = arith.constant 0 : i32
    %dma_start3A_52 = arith.constant 0 : i32
    %dma_start3A_53 = tpu.memref_slice %arg10[%dma_start3A_51, %dma_start3A_52] : memref<2x8192xf32, #tpu.memory_space<vmem>> -> memref<1x8192xf32, #tpu.memory_space<vmem>>
    %dma_start3A_54 = tpu.memref_squeeze %dma_start3A_53 : memref<1x8192xf32, #tpu.memory_space<vmem>> -> memref<8192xf32, #tpu.memory_space<vmem>>
    %dma_start3A_55 = tpu.memref_slice %arg4[%add3A_23, %add3A_29] : memref<16x196608xf32, #tpu.memory_space<hbm>> -> memref<1x8192xf32, #tpu.memory_space<hbm>>
    %dma_start3A_56 = tpu.memref_squeeze %dma_start3A_55 : memref<1x8192xf32, #tpu.memory_space<hbm>> -> memref<8192xf32, #tpu.memory_space<hbm>>
    %dma_start3A_57 = arith.constant 0 : i32
    %dma_start3A_58 = tpu.memref_slice %arg10[%dma_start3A_51, %dma_start3A_57] : memref<2x8192xf32, #tpu.memory_space<vmem>> -> memref<1x8192xf32, #tpu.memory_space<vmem>>
    %dma_start3A_59 = tpu.memref_squeeze %dma_start3A_58 : memref<1x8192xf32, #tpu.memory_space<vmem>> -> memref<8192xf32, #tpu.memory_space<vmem>>
    %dma_start3A_60 = tpu.memref_slice %arg4[%add3A_23, %add3A_29] : memref<16x196608xf32, #tpu.memory_space<hbm>> -> memref<1x8192xf32, #tpu.memory_space<hbm>>
    %dma_start3A_61 = tpu.memref_squeeze %dma_start3A_60 : memref<1x8192xf32, #tpu.memory_space<hbm>> -> memref<8192xf32, #tpu.memory_space<hbm>>
    tpu.enqueue_dma source(%dma_start3A_61 : memref<8192xf32, #tpu.memory_space<hbm>>) target(%dma_start3A_59 : memref<8192xf32, #tpu.memory_space<vmem>>) target_semaphore(%arg15 : memref<!tpu.dma_semaphore, #tpu.memory_space<semaphore_mem>>)
    %parallel_loop3A = arith.constant 0 : i32
    %parallel_loop3A_62 = arith.constant 768 : i32
    %parallel_loop3A_63 = arith.constant 1 : i32
    scf.for %parallel_loop3A_84 = %parallel_loop3A to %parallel_loop3A_62 step %parallel_loop3A_63  : i32 {
      %parallel_loop3A_85 = arith.constant 0.000000e+00 : f32
      %parallel_loop3A_86 = vector.broadcast %parallel_loop3A_85 : f32 to vector<16xf32>
      %parallel_loop3A_87 = arith.constant 16 : i32
      %parallel_loop3A_88 = arith.muli %parallel_loop3A_84, %parallel_loop3A_87 : i32
      %parallel_loop3A_89 = arith.index_cast %parallel_loop3A_88 : i32 to index
      %parallel_loop3A_90 = tpu.vector_load %arg11[%parallel_loop3A_89] {strides = array<i32>} : memref<12288xf32, #tpu.memory_space<vmem>>, vector<16xf32>,
      tpu.vector_store %arg11[%parallel_loop3A_89], %parallel_loop3A_86 {strides = array<i32>} : memref<12288xf32, #tpu.memory_space<vmem>>, vector<16xf32>,
    } {sc.loop_unroll_factor = 1 : i64, sc.parallel_access}
    "tpu.region"() ({
      %run_scoped3A = tpu.sem_alloc : memref<!tpu.dma_semaphore, #tpu.memory_space<semaphore_mem>>
      %dma_start3A_84 = tpu.memref_slice %arg14[%mul3A_27] : memref<196608xf32, #tpu.memory_space<vmem_shared>> -> memref<12288xf32, #tpu.memory_space<vmem_shared>>
      %dma_start3A_85 = tpu.memref_slice %arg14[%mul3A_27] : memref<196608xf32, #tpu.memory_space<vmem_shared>> -> memref<12288xf32, #tpu.memory_space<vmem_shared>>
      tpu.enqueue_dma source(%arg11 : memref<12288xf32, #tpu.memory_space<vmem>>) target(%dma_start3A_85 : memref<12288xf32, #tpu.memory_space<vmem_shared>>) target_semaphore(%run_scoped3A : memref<!tpu.dma_semaphore, #tpu.memory_space<semaphore_mem>>)
      %dma_wait3A = tpu.memref_slice %arg14[%mul3A_27] : memref<196608xf32, #tpu.memory_space<vmem_shared>> -> memref<12288xf32, #tpu.memory_space<vmem_shared>>
      %dma_wait3A_86 = tpu.memref_slice %arg14[%mul3A_27] : memref<196608xf32, #tpu.memory_space<vmem_shared>> -> memref<12288xf32, #tpu.memory_space<vmem_shared>>
      tpu.wait_dma2 semaphore(%run_scoped3A : memref<!tpu.dma_semaphore, #tpu.memory_space<semaphore_mem>>) src(%arg11 : memref<12288xf32, #tpu.memory_space<vmem>>) dst(%dma_wait3A_86 : memref<12288xf32, #tpu.memory_space<vmem_shared>>)
      tpu.yield
    }) : () -> ()
    "tpu.region"() ({
      %run_scoped3A = tpu.sem_alloc : memref<!tpu.dma_semaphore, #tpu.memory_space<semaphore_mem>>
      %dma_start3A_84 = arith.constant 0 : i32
      %dma_start3A_85 = tpu.memref_slice %arg5[%add3A_23, %dma_start3A_84] : memref<16x12288xi32, #tpu.memory_space<hbm>> -> memref<1x12288xi32, #tpu.memory_space<hbm>>
      %dma_start3A_86 = tpu.memref_squeeze %dma_start3A_85 : memref<1x12288xi32, #tpu.memory_space<hbm>> -> memref<12288xi32, #tpu.memory_space<hbm>>
      %dma_start3A_87 = arith.constant 0 : i32
      %dma_start3A_88 = tpu.memref_slice %arg5[%add3A_23, %dma_start3A_87] : memref<16x12288xi32, #tpu.memory_space<hbm>> -> memref<1x12288xi32, #tpu.memory_space<hbm>>
      %dma_start3A_89 = tpu.memref_squeeze %dma_start3A_88 : memref<1x12288xi32, #tpu.memory_space<hbm>> -> memref<12288xi32, #tpu.memory_space<hbm>>
      tpu.enqueue_dma source(%dma_start3A_89 : memref<12288xi32, #tpu.memory_space<hbm>>) target(%arg7 : memref<12288xi32, #tpu.memory_space<vmem>>) target_semaphore(%run_scoped3A : memref<!tpu.dma_semaphore, #tpu.memory_space<semaphore_mem>>)
      %dma_wait3A = arith.constant 0 : i32
      %dma_wait3A_90 = tpu.memref_slice %arg5[%add3A_23, %dma_wait3A] : memref<16x12288xi32, #tpu.memory_space<hbm>> -> memref<1x12288xi32, #tpu.memory_space<hbm>>
      %dma_wait3A_91 = tpu.memref_squeeze %dma_wait3A_90 : memref<1x12288xi32, #tpu.memory_space<hbm>> -> memref<12288xi32, #tpu.memory_space<hbm>>
      %dma_wait3A_92 = arith.constant 0 : i32
      %dma_wait3A_93 = tpu.memref_slice %arg5[%add3A_23, %dma_wait3A_92] : memref<16x12288xi32, #tpu.memory_space<hbm>> -> memref<1x12288xi32, #tpu.memory_space<hbm>>
      %dma_wait3A_94 = tpu.memref_squeeze %dma_wait3A_93 : memref<1x12288xi32, #tpu.memory_space<hbm>> -> memref<12288xi32, #tpu.memory_space<hbm>>
      tpu.wait_dma2 semaphore(%run_scoped3A : memref<!tpu.dma_semaphore, #tpu.memory_space<semaphore_mem>>) src(%dma_wait3A_94 : memref<12288xi32, #tpu.memory_space<hbm>>) dst(%arg7 : memref<12288xi32, #tpu.memory_space<vmem>>)
      tpu.yield
    }) : () -> ()
    %parallel_loop3A_64 = arith.constant 0 : i32
    %parallel_loop3A_65 = arith.constant 768 : i32
    %parallel_loop3A_66 = arith.constant 1 : i32
    scf.for %parallel_loop3A_84 = %parallel_loop3A_64 to %parallel_loop3A_65 step %parallel_loop3A_66  : i32 {
      %parallel_loop3A_85 = arith.constant 16 : i32
      %parallel_loop3A_86 = arith.muli %parallel_loop3A_84, %parallel_loop3A_85 : i32
      %parallel_loop3A_87 = arith.index_cast %parallel_loop3A_86 : i32 to index
      %parallel_loop3A_88 = tpu.vector_load %arg7[%parallel_loop3A_87] {strides = array<i32>} : memref<12288xi32, #tpu.memory_space<vmem>>, vector<16xi32>,
      %parallel_loop3A_89 = arith.constant 4096 : i32
      %parallel_loop3A_90 = vector.broadcast %parallel_loop3A_89 : i32 to vector<16xi32>
      %parallel_loop3A_91 = arith.muli %parallel_loop3A_88, %parallel_loop3A_90 : vector<16xi32>
      %parallel_loop3A_92 = arith.constant 16 : i32
      %parallel_loop3A_93 = arith.muli %parallel_loop3A_84, %parallel_loop3A_92 : i32
      %parallel_loop3A_94 = arith.index_cast %parallel_loop3A_93 : i32 to index
      %parallel_loop3A_95 = tpu.vector_load %arg7[%parallel_loop3A_94] {strides = array<i32>} : memref<12288xi32, #tpu.memory_space<vmem>>, vector<16xi32>,
      tpu.vector_store %arg7[%parallel_loop3A_94], %parallel_loop3A_91 {strides = array<i32>} : memref<12288xi32, #tpu.memory_space<vmem>>, vector<16xi32>,
    } {sc.loop_unroll_factor = 1 : i64, sc.parallel_access}
    %scan3A = arith.constant 0 : i32
    %scan3A_67 = arith.constant 0 : i32
    %scan3A_68 = arith.constant 6 : i32
    %scan3A_69 = arith.addi %scan3A_67, %scan3A_68 : i32
    %scan3A_70 = arith.constant 1 : i32
    scf.for %scan3A_84 = %scan3A_67 to %scan3A_69 step %scan3A_70  : i32 {
      %rem3A_85 = arith.constant 2 : i32
      %rem3A_86 = arith.remsi %scan3A_84, %rem3A_85 : i32
      %mul3A_87 = arith.constant 8192 : i32
      %mul3A_88 = arith.muli %scan3A_84, %mul3A_87 : i32
      %add3A_89 = arith.addi %mul3A_25, %mul3A_88 : i32
      %dma_wait3A = arith.constant 0 : i32
      %dma_wait3A_90 = tpu.memref_slice %arg8[%rem3A_86, %dma_wait3A] : memref<2x8192xi32, #tpu.memory_space<vmem>> -> memref<1x8192xi32, #tpu.memory_space<vmem>>
      %dma_wait3A_91 = tpu.memref_squeeze %dma_wait3A_90 : memref<1x8192xi32, #tpu.memory_space<vmem>> -> memref<8192xi32, #tpu.memory_space<vmem>>
      %dma_wait3A_92 = tpu.memref_slice %arg2[%add3A_23, %add3A_89] : memref<16x196608xi32, #tpu.memory_space<hbm>> -> memref<1x8192xi32, #tpu.memory_space<hbm>>
      %dma_wait3A_93 = tpu.memref_squeeze %dma_wait3A_92 : memref<1x8192xi32, #tpu.memory_space<hbm>> -> memref<8192xi32, #tpu.memory_space<hbm>>
      %dma_wait3A_94 = arith.constant 0 : i32
      %dma_wait3A_95 = tpu.memref_slice %arg8[%rem3A_86, %dma_wait3A_94] : memref<2x8192xi32, #tpu.memory_space<vmem>> -> memref<1x8192xi32, #tpu.memory_space<vmem>>
      %dma_wait3A_96 = tpu.memref_squeeze %dma_wait3A_95 : memref<1x8192xi32, #tpu.memory_space<vmem>> -> memref<8192xi32, #tpu.memory_space<vmem>>
      %dma_wait3A_97 = tpu.memref_slice %arg2[%add3A_23, %add3A_89] : memref<16x196608xi32, #tpu.memory_space<hbm>> -> memref<1x8192xi32, #tpu.memory_space<hbm>>
      %dma_wait3A_98 = tpu.memref_squeeze %dma_wait3A_97 : memref<1x8192xi32, #tpu.memory_space<hbm>> -> memref<8192xi32, #tpu.memory_space<hbm>>
      tpu.wait_dma2 semaphore(%arg15 : memref<!tpu.dma_semaphore, #tpu.memory_space<semaphore_mem>>) src(%dma_wait3A_98 : memref<8192xi32, #tpu.memory_space<hbm>>) dst(%dma_wait3A_96 : memref<8192xi32, #tpu.memory_space<vmem>>)
      %dma_wait3A_99 = arith.constant 0 : i32
      %dma_wait3A_100 = tpu.memref_slice %arg9[%rem3A_86, %dma_wait3A_99] : memref<2x8192xi32, #tpu.memory_space<vmem>> -> memref<1x8192xi32, #tpu.memory_space<vmem>>
      %dma_wait3A_101 = tpu.memref_squeeze %dma_wait3A_100 : memref<1x8192xi32, #tpu.memory_space<vmem>> -> memref<8192xi32, #tpu.memory_space<vmem>>
      %dma_wait3A_102 = tpu.memref_slice %arg3[%add3A_23, %add3A_89] : memref<16x196608xi32, #tpu.memory_space<hbm>> -> memref<1x8192xi32, #tpu.memory_space<hbm>>
      %dma_wait3A_103 = tpu.memref_squeeze %dma_wait3A_102 : memref<1x8192xi32, #tpu.memory_space<hbm>> -> memref<8192xi32, #tpu.memory_space<hbm>>
      %dma_wait3A_104 = arith.constant 0 : i32
      %dma_wait3A_105 = tpu.memref_slice %arg9[%rem3A_86, %dma_wait3A_104] : memref<2x8192xi32, #tpu.memory_space<vmem>> -> memref<1x8192xi32, #tpu.memory_space<vmem>>
      %dma_wait3A_106 = tpu.memref_squeeze %dma_wait3A_105 : memref<1x8192xi32, #tpu.memory_space<vmem>> -> memref<8192xi32, #tpu.memory_space<vmem>>
      %dma_wait3A_107 = tpu.memref_slice %arg3[%add3A_23, %add3A_89] : memref<16x196608xi32, #tpu.memory_space<hbm>> -> memref<1x8192xi32, #tpu.memory_space<hbm>>
      %dma_wait3A_108 = tpu.memref_squeeze %dma_wait3A_107 : memref<1x8192xi32, #tpu.memory_space<hbm>> -> memref<8192xi32, #tpu.memory_space<hbm>>
      tpu.wait_dma2 semaphore(%arg15 : memref<!tpu.dma_semaphore, #tpu.memory_space<semaphore_mem>>) src(%dma_wait3A_108 : memref<8192xi32, #tpu.memory_space<hbm>>) dst(%dma_wait3A_106 : memref<8192xi32, #tpu.memory_space<vmem>>)
      %dma_wait3A_109 = arith.constant 0 : i32
      %dma_wait3A_110 = tpu.memref_slice %arg10[%rem3A_86, %dma_wait3A_109] : memref<2x8192xf32, #tpu.memory_space<vmem>> -> memref<1x8192xf32, #tpu.memory_space<vmem>>
      %dma_wait3A_111 = tpu.memref_squeeze %dma_wait3A_110 : memref<1x8192xf32, #tpu.memory_space<vmem>> -> memref<8192xf32, #tpu.memory_space<vmem>>
      %dma_wait3A_112 = tpu.memref_slice %arg4[%add3A_23, %add3A_89] : memref<16x196608xf32, #tpu.memory_space<hbm>> -> memref<1x8192xf32, #tpu.memory_space<hbm>>
      %dma_wait3A_113 = tpu.memref_squeeze %dma_wait3A_112 : memref<1x8192xf32, #tpu.memory_space<hbm>> -> memref<8192xf32, #tpu.memory_space<hbm>>
      %dma_wait3A_114 = arith.constant 0 : i32
      %dma_wait3A_115 = tpu.memref_slice %arg10[%rem3A_86, %dma_wait3A_114] : memref<2x8192xf32, #tpu.memory_space<vmem>> -> memref<1x8192xf32, #tpu.memory_space<vmem>>
      %dma_wait3A_116 = tpu.memref_squeeze %dma_wait3A_115 : memref<1x8192xf32, #tpu.memory_space<vmem>> -> memref<8192xf32, #tpu.memory_space<vmem>>
      %dma_wait3A_117 = tpu.memref_slice %arg4[%add3A_23, %add3A_89] : memref<16x196608xf32, #tpu.memory_space<hbm>> -> memref<1x8192xf32, #tpu.memory_space<hbm>>
      %dma_wait3A_118 = tpu.memref_squeeze %dma_wait3A_117 : memref<1x8192xf32, #tpu.memory_space<hbm>> -> memref<8192xf32, #tpu.memory_space<hbm>>
      tpu.wait_dma2 semaphore(%arg15 : memref<!tpu.dma_semaphore, #tpu.memory_space<semaphore_mem>>) src(%dma_wait3A_118 : memref<8192xf32, #tpu.memory_space<hbm>>) dst(%dma_wait3A_116 : memref<8192xf32, #tpu.memory_space<vmem>>)
      %gt3A = arith.constant 0 : i32
      %gt3A_119 = arith.cmpi sgt, %scan3A_84, %gt3A : i32
      %convert_element_type3A = arith.extui %gt3A_119 : i1 to i32
      %cond3A = arith.constant 0 : i32
      %cond3A_120 = arith.cmpi ne, %convert_element_type3A, %cond3A : i32
      scf.if %cond3A_120 {
        %sub3A_145 = arith.constant 1 : i32
        %sub3A_146 = arith.subi %sub3A_145, %rem3A_86 : i32
        %scan3A_147 = arith.constant 0 : i32
        %scan3A_148 = arith.constant 0 : i32
        %scan3A_149 = arith.constant 48 : i32
        %scan3A_150 = arith.addi %scan3A_148, %scan3A_149 : i32
        %scan3A_151 = arith.constant 1 : i32
        scf.for %scan3A_153 = %scan3A_148 to %scan3A_150 step %scan3A_151  : i32 {
          %mul3A_154 = arith.constant 128 : i32
          %mul3A_155 = arith.muli %scan3A_153, %mul3A_154 : i32
          %add3A_156 = arith.constant 2048 : i32
          %add3A_157 = arith.addi %add3A_156, %mul3A_155 : i32
          %mul3A_158 = arith.constant 48 : i32
          %mul3A_159 = arith.muli %sub3A_146, %mul3A_158 : i32
          %add3A_160 = arith.addi %mul3A_159, %scan3A_153 : i32
          %dma_wait3A_161 = tpu.memref_slice %arg10[%sub3A_146, %add3A_157] : memref<2x8192xf32, #tpu.memory_space<vmem>> -> memref<1x128xf32, #tpu.memory_space<vmem>>
          %dma_wait3A_162 = tpu.memref_squeeze %dma_wait3A_161 : memref<1x128xf32, #tpu.memory_space<vmem>> -> memref<128xf32, #tpu.memory_space<vmem>>
          %dma_wait3A_163 = arith.constant 0 : i32
          %dma_wait3A_164 = tpu.memref_slice %arg13[%add3A_160, %dma_wait3A_163] : memref<96x128xi32, #tpu.memory_space<vmem>> -> memref<1x128xi32, #tpu.memory_space<vmem>>
          %dma_wait3A_165 = tpu.memref_squeeze %dma_wait3A_164 : memref<1x128xi32, #tpu.memory_space<vmem>> -> memref<128xi32, #tpu.memory_space<vmem>>
          %dma_wait3A_166 = arith.constant 0 : i32
          %dma_wait3A_167 = tpu.memref_slice %arg14[%dma_wait3A_166] : memref<196608xf32, #tpu.memory_space<vmem_shared>> -> memref<196608xf32, #tpu.memory_space<vmem_shared>>
          tpu.wait_indirect_dma semaphore(%arg16 : memref<!tpu.dma_semaphore, #tpu.memory_space<semaphore_mem>>) src(%dma_wait3A_162 : memref<128xf32, #tpu.memory_space<vmem>>) dst(%dma_wait3A_167 : memref<196608xf32, #tpu.memory_space<vmem_shared>>)
        }
        %scan3A_152 = arith.constant 48 : i32
      } else {
      }
      %add3A_121 = arith.constant 1 : i32
      %add3A_122 = arith.addi %scan3A_84, %add3A_121 : i32
      %lt3A = arith.constant 6 : i32
      %lt3A_123 = arith.cmpi slt, %add3A_122, %lt3A : i32
      %convert_element_type3A_124 = arith.extui %lt3A_123 : i1 to i32
      %cond3A_125 = arith.constant 0 : i32
      %cond3A_126 = arith.cmpi ne, %convert_element_type3A_124, %cond3A_125 : i32
      scf.if %cond3A_126 {
        %add3A_145 = arith.constant 1 : i32
        %add3A_146 = arith.addi %scan3A_84, %add3A_145 : i32
        %sub3A_147 = arith.constant 1 : i32
        %sub3A_148 = arith.subi %sub3A_147, %rem3A_86 : i32
        %mul3A_149 = arith.constant 8192 : i32
        %mul3A_150 = arith.muli %add3A_146, %mul3A_149 : i32
        %add3A_151 = arith.addi %mul3A_25, %mul3A_150 : i32
        %dma_start3A_152 = arith.constant 0 : i32
        %dma_start3A_153 = tpu.memref_slice %arg8[%sub3A_148, %dma_start3A_152] : memref<2x8192xi32, #tpu.memory_space<vmem>> -> memref<1x8192xi32, #tpu.memory_space<vmem>>
        %dma_start3A_154 = tpu.memref_squeeze %dma_start3A_153 : memref<1x8192xi32, #tpu.memory_space<vmem>> -> memref<8192xi32, #tpu.memory_space<vmem>>
        %dma_start3A_155 = tpu.memref_slice %arg2[%add3A_23, %add3A_151] : memref<16x196608xi32, #tpu.memory_space<hbm>> -> memref<1x8192xi32, #tpu.memory_space<hbm>>
        %dma_start3A_156 = tpu.memref_squeeze %dma_start3A_155 : memref<1x8192xi32, #tpu.memory_space<hbm>> -> memref<8192xi32, #tpu.memory_space<hbm>>
        %dma_start3A_157 = arith.constant 0 : i32
        %dma_start3A_158 = tpu.memref_slice %arg8[%sub3A_148, %dma_start3A_157] : memref<2x8192xi32, #tpu.memory_space<vmem>> -> memref<1x8192xi32, #tpu.memory_space<vmem>>
        %dma_start3A_159 = tpu.memref_squeeze %dma_start3A_158 : memref<1x8192xi32, #tpu.memory_space<vmem>> -> memref<8192xi32, #tpu.memory_space<vmem>>
        %dma_start3A_160 = tpu.memref_slice %arg2[%add3A_23, %add3A_151] : memref<16x196608xi32, #tpu.memory_space<hbm>> -> memref<1x8192xi32, #tpu.memory_space<hbm>>
        %dma_start3A_161 = tpu.memref_squeeze %dma_start3A_160 : memref<1x8192xi32, #tpu.memory_space<hbm>> -> memref<8192xi32, #tpu.memory_space<hbm>>
        tpu.enqueue_dma source(%dma_start3A_161 : memref<8192xi32, #tpu.memory_space<hbm>>) target(%dma_start3A_159 : memref<8192xi32, #tpu.memory_space<vmem>>) target_semaphore(%arg15 : memref<!tpu.dma_semaphore, #tpu.memory_space<semaphore_mem>>)
        %dma_start3A_162 = arith.constant 0 : i32
        %dma_start3A_163 = tpu.memref_slice %arg9[%sub3A_148, %dma_start3A_162] : memref<2x8192xi32, #tpu.memory_space<vmem>> -> memref<1x8192xi32, #tpu.memory_space<vmem>>
        %dma_start3A_164 = tpu.memref_squeeze %dma_start3A_163 : memref<1x8192xi32, #tpu.memory_space<vmem>> -> memref<8192xi32, #tpu.memory_space<vmem>>
        %dma_start3A_165 = tpu.memref_slice %arg3[%add3A_23, %add3A_151] : memref<16x196608xi32, #tpu.memory_space<hbm>> -> memref<1x8192xi32, #tpu.memory_space<hbm>>
        %dma_start3A_166 = tpu.memref_squeeze %dma_start3A_165 : memref<1x8192xi32, #tpu.memory_space<hbm>> -> memref<8192xi32, #tpu.memory_space<hbm>>
        %dma_start3A_167 = arith.constant 0 : i32
        %dma_start3A_168 = tpu.memref_slice %arg9[%sub3A_148, %dma_start3A_167] : memref<2x8192xi32, #tpu.memory_space<vmem>> -> memref<1x8192xi32, #tpu.memory_space<vmem>>
        %dma_start3A_169 = tpu.memref_squeeze %dma_start3A_168 : memref<1x8192xi32, #tpu.memory_space<vmem>> -> memref<8192xi32, #tpu.memory_space<vmem>>
        %dma_start3A_170 = tpu.memref_slice %arg3[%add3A_23, %add3A_151] : memref<16x196608xi32, #tpu.memory_space<hbm>> -> memref<1x8192xi32, #tpu.memory_space<hbm>>
        %dma_start3A_171 = tpu.memref_squeeze %dma_start3A_170 : memref<1x8192xi32, #tpu.memory_space<hbm>> -> memref<8192xi32, #tpu.memory_space<hbm>>
        tpu.enqueue_dma source(%dma_start3A_171 : memref<8192xi32, #tpu.memory_space<hbm>>) target(%dma_start3A_169 : memref<8192xi32, #tpu.memory_space<vmem>>) target_semaphore(%arg15 : memref<!tpu.dma_semaphore, #tpu.memory_space<semaphore_mem>>)
        %dma_start3A_172 = arith.constant 0 : i32
        %dma_start3A_173 = tpu.memref_slice %arg10[%sub3A_148, %dma_start3A_172] : memref<2x8192xf32, #tpu.memory_space<vmem>> -> memref<1x8192xf32, #tpu.memory_space<vmem>>
        %dma_start3A_174 = tpu.memref_squeeze %dma_start3A_173 : memref<1x8192xf32, #tpu.memory_space<vmem>> -> memref<8192xf32, #tpu.memory_space<vmem>>
        %dma_start3A_175 = tpu.memref_slice %arg4[%add3A_23, %add3A_151] : memref<16x196608xf32, #tpu.memory_space<hbm>> -> memref<1x8192xf32, #tpu.memory_space<hbm>>
        %dma_start3A_176 = tpu.memref_squeeze %dma_start3A_175 : memref<1x8192xf32, #tpu.memory_space<hbm>> -> memref<8192xf32, #tpu.memory_space<hbm>>
        %dma_start3A_177 = arith.constant 0 : i32
        %dma_start3A_178 = tpu.memref_slice %arg10[%sub3A_148, %dma_start3A_177] : memref<2x8192xf32, #tpu.memory_space<vmem>> -> memref<1x8192xf32, #tpu.memory_space<vmem>>
        %dma_start3A_179 = tpu.memref_squeeze %dma_start3A_178 : memref<1x8192xf32, #tpu.memory_space<vmem>> -> memref<8192xf32, #tpu.memory_space<vmem>>
        %dma_start3A_180 = tpu.memref_slice %arg4[%add3A_23, %add3A_151] : memref<16x196608xf32, #tpu.memory_space<hbm>> -> memref<1x8192xf32, #tpu.memory_space<hbm>>
        %dma_start3A_181 = tpu.memref_squeeze %dma_start3A_180 : memref<1x8192xf32, #tpu.memory_space<hbm>> -> memref<8192xf32, #tpu.memory_space<hbm>>
        tpu.enqueue_dma source(%dma_start3A_181 : memref<8192xf32, #tpu.memory_space<hbm>>) target(%dma_start3A_179 : memref<8192xf32, #tpu.memory_space<vmem>>) target_semaphore(%arg15 : memref<!tpu.dma_semaphore, #tpu.memory_space<semaphore_mem>>)
      } else {
      }
      %scan3A_127 = arith.constant 0 : i32
      %scan3A_128 = arith.constant 0 : i32
      %scan3A_129 = arith.constant 48 : i32
      %scan3A_130 = arith.addi %scan3A_128, %scan3A_129 : i32
      %scan3A_131 = arith.constant 1 : i32
      scf.for %scan3A_145 = %scan3A_128 to %scan3A_130 step %scan3A_131  : i32 {
        %mul3A_146 = arith.constant 128 : i32
        %mul3A_147 = arith.muli %scan3A_145, %mul3A_146 : i32
        %add3A_148 = arith.constant 2048 : i32
        %add3A_149 = arith.addi %add3A_148, %mul3A_147 : i32
        %add3A_150 = arith.constant 0 : i32
        %add3A_151 = arith.addi %add3A_149, %add3A_150 : i32
        %get3A = arith.index_cast %rem3A_86 : i32 to index
        %get3A_152 = arith.index_cast %add3A_151 : i32 to index
        %get3A_153 = tpu.vector_load %arg8[%get3A, %get3A_152] {strides = array<i32>} : memref<2x8192xi32, #tpu.memory_space<vmem>>, vector<16xi32>,
        %get3A_154 = arith.index_cast %rem3A_86 : i32 to index
        %get3A_155 = arith.index_cast %add3A_151 : i32 to index
        %get3A_156 = tpu.vector_load %arg9[%get3A_154, %get3A_155] {strides = array<i32>} : memref<2x8192xi32, #tpu.memory_space<vmem>>, vector<16xi32>,
        %gather3A = tpu.vector_load_idx %arg7[%get3A_153] : memref<12288xi32, #tpu.memory_space<vmem>>[vector<16xi32>], vector<16xi32>,
        %add3A_157 = vector.broadcast %mul3A_27 : i32 to vector<16xi32>
        %add3A_158 = arith.addi %add3A_157, %gather3A : vector<16xi32>
        %add3A_159 = arith.addi %add3A_158, %get3A_156 : vector<16xi32>
        %mul3A_160 = arith.constant 48 : i32
        %mul3A_161 = arith.muli %rem3A_86, %mul3A_160 : i32
        %add3A_162 = arith.addi %mul3A_161, %scan3A_145 : i32
        %swap3A = arith.index_cast %add3A_162 : i32 to index
        %swap3A_163 = arith.constant 0 : index
        %swap3A_164 = tpu.vector_load %arg13[%swap3A, %swap3A_163] {strides = array<i32>} : memref<96x128xi32, #tpu.memory_space<vmem>>, vector<16xi32>,
        tpu.vector_store %arg13[%swap3A, %swap3A_163], %add3A_159 {strides = array<i32>} : memref<96x128xi32, #tpu.memory_space<vmem>>, vector<16xi32>,
        %mul3A_165 = arith.constant 128 : i32
        %mul3A_166 = arith.muli %scan3A_145, %mul3A_165 : i32
        %add3A_167 = arith.constant 2048 : i32
        %add3A_168 = arith.addi %add3A_167, %mul3A_166 : i32
        %add3A_169 = arith.constant 16 : i32
        %add3A_170 = arith.addi %add3A_168, %add3A_169 : i32
        %get3A_171 = arith.index_cast %rem3A_86 : i32 to index
        %get3A_172 = arith.index_cast %add3A_170 : i32 to index
        %get3A_173 = tpu.vector_load %arg8[%get3A_171, %get3A_172] {strides = array<i32>} : memref<2x8192xi32, #tpu.memory_space<vmem>>, vector<16xi32>,
        %get3A_174 = arith.index_cast %rem3A_86 : i32 to index
        %get3A_175 = arith.index_cast %add3A_170 : i32 to index
        %get3A_176 = tpu.vector_load %arg9[%get3A_174, %get3A_175] {strides = array<i32>} : memref<2x8192xi32, #tpu.memory_space<vmem>>, vector<16xi32>,
        %gather3A_177 = tpu.vector_load_idx %arg7[%get3A_173] : memref<12288xi32, #tpu.memory_space<vmem>>[vector<16xi32>], vector<16xi32>,
        %add3A_178 = vector.broadcast %mul3A_27 : i32 to vector<16xi32>
        %add3A_179 = arith.addi %add3A_178, %gather3A_177 : vector<16xi32>
        %add3A_180 = arith.addi %add3A_179, %get3A_176 : vector<16xi32>
        %mul3A_181 = arith.constant 48 : i32
        %mul3A_182 = arith.muli %rem3A_86, %mul3A_181 : i32
        %add3A_183 = arith.addi %mul3A_182, %scan3A_145 : i32
        %swap3A_184 = arith.index_cast %add3A_183 : i32 to index
        %swap3A_185 = arith.constant 16 : index
        %swap3A_186 = tpu.vector_load %arg13[%swap3A_184, %swap3A_185] {strides = array<i32>} : memref<96x128xi32, #tpu.memory_space<vmem>>, vector<16xi32>,
        tpu.vector_store %arg13[%swap3A_184, %swap3A_185], %add3A_180 {strides = array<i32>} : memref<96x128xi32, #tpu.memory_space<vmem>>, vector<16xi32>,
        %mul3A_187 = arith.constant 128 : i32
        %mul3A_188 = arith.muli %scan3A_145, %mul3A_187 : i32
        %add3A_189 = arith.constant 2048 : i32
        %add3A_190 = arith.addi %add3A_189, %mul3A_188 : i32
        %add3A_191 = arith.constant 32 : i32
        %add3A_192 = arith.addi %add3A_190, %add3A_191 : i32
        %get3A_193 = arith.index_cast %rem3A_86 : i32 to index
        %get3A_194 = arith.index_cast %add3A_192 : i32 to index
        %get3A_195 = tpu.vector_load %arg8[%get3A_193, %get3A_194] {strides = array<i32>} : memref<2x8192xi32, #tpu.memory_space<vmem>>, vector<16xi32>,
        %get3A_196 = arith.index_cast %rem3A_86 : i32 to index
        %get3A_197 = arith.index_cast %add3A_192 : i32 to index
        %get3A_198 = tpu.vector_load %arg9[%get3A_196, %get3A_197] {strides = array<i32>} : memref<2x8192xi32, #tpu.memory_space<vmem>>, vector<16xi32>,
        %gather3A_199 = tpu.vector_load_idx %arg7[%get3A_195] : memref<12288xi32, #tpu.memory_space<vmem>>[vector<16xi32>], vector<16xi32>,
        %add3A_200 = vector.broadcast %mul3A_27 : i32 to vector<16xi32>
        %add3A_201 = arith.addi %add3A_200, %gather3A_199 : vector<16xi32>
        %add3A_202 = arith.addi %add3A_201, %get3A_198 : vector<16xi32>
        %mul3A_203 = arith.constant 48 : i32
        %mul3A_204 = arith.muli %rem3A_86, %mul3A_203 : i32
        %add3A_205 = arith.addi %mul3A_204, %scan3A_145 : i32
        %swap3A_206 = arith.index_cast %add3A_205 : i32 to index
        %swap3A_207 = arith.constant 32 : index
        %swap3A_208 = tpu.vector_load %arg13[%swap3A_206, %swap3A_207] {strides = array<i32>} : memref<96x128xi32, #tpu.memory_space<vmem>>, vector<16xi32>,
        tpu.vector_store %arg13[%swap3A_206, %swap3A_207], %add3A_202 {strides = array<i32>} : memref<96x128xi32, #tpu.memory_space<vmem>>, vector<16xi32>,
        %mul3A_209 = arith.constant 128 : i32
        %mul3A_210 = arith.muli %scan3A_145, %mul3A_209 : i32
        %add3A_211 = arith.constant 2048 : i32
        %add3A_212 = arith.addi %add3A_211, %mul3A_210 : i32
        %add3A_213 = arith.constant 48 : i32
        %add3A_214 = arith.addi %add3A_212, %add3A_213 : i32
        %get3A_215 = arith.index_cast %rem3A_86 : i32 to index
        %get3A_216 = arith.index_cast %add3A_214 : i32 to index
        %get3A_217 = tpu.vector_load %arg8[%get3A_215, %get3A_216] {strides = array<i32>} : memref<2x8192xi32, #tpu.memory_space<vmem>>, vector<16xi32>,
        %get3A_218 = arith.index_cast %rem3A_86 : i32 to index
        %get3A_219 = arith.index_cast %add3A_214 : i32 to index
        %get3A_220 = tpu.vector_load %arg9[%get3A_218, %get3A_219] {strides = array<i32>} : memref<2x8192xi32, #tpu.memory_space<vmem>>, vector<16xi32>,
        %gather3A_221 = tpu.vector_load_idx %arg7[%get3A_217] : memref<12288xi32, #tpu.memory_space<vmem>>[vector<16xi32>], vector<16xi32>,
        %add3A_222 = vector.broadcast %mul3A_27 : i32 to vector<16xi32>
        %add3A_223 = arith.addi %add3A_222, %gather3A_221 : vector<16xi32>
        %add3A_224 = arith.addi %add3A_223, %get3A_220 : vector<16xi32>
        %mul3A_225 = arith.constant 48 : i32
        %mul3A_226 = arith.muli %rem3A_86, %mul3A_225 : i32
        %add3A_227 = arith.addi %mul3A_226, %scan3A_145 : i32
        %swap3A_228 = arith.index_cast %add3A_227 : i32 to index
        %swap3A_229 = arith.constant 48 : index
        %swap3A_230 = tpu.vector_load %arg13[%swap3A_228, %swap3A_229] {strides = array<i32>} : memref<96x128xi32, #tpu.memory_space<vmem>>, vector<16xi32>,
        tpu.vector_store %arg13[%swap3A_228, %swap3A_229], %add3A_224 {strides = array<i32>} : memref<96x128xi32, #tpu.memory_space<vmem>>, vector<16xi32>,
        %mul3A_231 = arith.constant 128 : i32
        %mul3A_232 = arith.muli %scan3A_145, %mul3A_231 : i32
        %add3A_233 = arith.constant 2048 : i32
        %add3A_234 = arith.addi %add3A_233, %mul3A_232 : i32
        %add3A_235 = arith.constant 64 : i32
        %add3A_236 = arith.addi %add3A_234, %add3A_235 : i32
        %get3A_237 = arith.index_cast %rem3A_86 : i32 to index
        %get3A_238 = arith.index_cast %add3A_236 : i32 to index
        %get3A_239 = tpu.vector_load %arg8[%get3A_237, %get3A_238] {strides = array<i32>} : memref<2x8192xi32, #tpu.memory_space<vmem>>, vector<16xi32>,
        %get3A_240 = arith.index_cast %rem3A_86 : i32 to index
        %get3A_241 = arith.index_cast %add3A_236 : i32 to index
        %get3A_242 = tpu.vector_load %arg9[%get3A_240, %get3A_241] {strides = array<i32>} : memref<2x8192xi32, #tpu.memory_space<vmem>>, vector<16xi32>,
        %gather3A_243 = tpu.vector_load_idx %arg7[%get3A_239] : memref<12288xi32, #tpu.memory_space<vmem>>[vector<16xi32>], vector<16xi32>,
        %add3A_244 = vector.broadcast %mul3A_27 : i32 to vector<16xi32>
        %add3A_245 = arith.addi %add3A_244, %gather3A_243 : vector<16xi32>
        %add3A_246 = arith.addi %add3A_245, %get3A_242 : vector<16xi32>
        %mul3A_247 = arith.constant 48 : i32
        %mul3A_248 = arith.muli %rem3A_86, %mul3A_247 : i32
        %add3A_249 = arith.addi %mul3A_248, %scan3A_145 : i32
        %swap3A_250 = arith.index_cast %add3A_249 : i32 to index
        %swap3A_251 = arith.constant 64 : index
        %swap3A_252 = tpu.vector_load %arg13[%swap3A_250, %swap3A_251] {strides = array<i32>} : memref<96x128xi32, #tpu.memory_space<vmem>>, vector<16xi32>,
        tpu.vector_store %arg13[%swap3A_250, %swap3A_251], %add3A_246 {strides = array<i32>} : memref<96x128xi32, #tpu.memory_space<vmem>>, vector<16xi32>,
        %mul3A_253 = arith.constant 128 : i32
        %mul3A_254 = arith.muli %scan3A_145, %mul3A_253 : i32
        %add3A_255 = arith.constant 2048 : i32
        %add3A_256 = arith.addi %add3A_255, %mul3A_254 : i32
        %add3A_257 = arith.constant 80 : i32
        %add3A_258 = arith.addi %add3A_256, %add3A_257 : i32
        %get3A_259 = arith.index_cast %rem3A_86 : i32 to index
        %get3A_260 = arith.index_cast %add3A_258 : i32 to index
        %get3A_261 = tpu.vector_load %arg8[%get3A_259, %get3A_260] {strides = array<i32>} : memref<2x8192xi32, #tpu.memory_space<vmem>>, vector<16xi32>,
        %get3A_262 = arith.index_cast %rem3A_86 : i32 to index
        %get3A_263 = arith.index_cast %add3A_258 : i32 to index
        %get3A_264 = tpu.vector_load %arg9[%get3A_262, %get3A_263] {strides = array<i32>} : memref<2x8192xi32, #tpu.memory_space<vmem>>, vector<16xi32>,
        %gather3A_265 = tpu.vector_load_idx %arg7[%get3A_261] : memref<12288xi32, #tpu.memory_space<vmem>>[vector<16xi32>], vector<16xi32>,
        %add3A_266 = vector.broadcast %mul3A_27 : i32 to vector<16xi32>
        %add3A_267 = arith.addi %add3A_266, %gather3A_265 : vector<16xi32>
        %add3A_268 = arith.addi %add3A_267, %get3A_264 : vector<16xi32>
        %mul3A_269 = arith.constant 48 : i32
        %mul3A_270 = arith.muli %rem3A_86, %mul3A_269 : i32
        %add3A_271 = arith.addi %mul3A_270, %scan3A_145 : i32
        %swap3A_272 = arith.index_cast %add3A_271 : i32 to index
        %swap3A_273 = arith.constant 80 : index
        %swap3A_274 = tpu.vector_load %arg13[%swap3A_272, %swap3A_273] {strides = array<i32>} : memref<96x128xi32, #tpu.memory_space<vmem>>, vector<16xi32>,
        tpu.vector_store %arg13[%swap3A_272, %swap3A_273], %add3A_268 {strides = array<i32>} : memref<96x128xi32, #tpu.memory_space<vmem>>, vector<16xi32>,
        %mul3A_275 = arith.constant 128 : i32
        %mul3A_276 = arith.muli %scan3A_145, %mul3A_275 : i32
        %add3A_277 = arith.constant 2048 : i32
        %add3A_278 = arith.addi %add3A_277, %mul3A_276 : i32
        %add3A_279 = arith.constant 96 : i32
        %add3A_280 = arith.addi %add3A_278, %add3A_279 : i32
        %get3A_281 = arith.index_cast %rem3A_86 : i32 to index
        %get3A_282 = arith.index_cast %add3A_280 : i32 to index
        %get3A_283 = tpu.vector_load %arg8[%get3A_281, %get3A_282] {strides = array<i32>} : memref<2x8192xi32, #tpu.memory_space<vmem>>, vector<16xi32>,
        %get3A_284 = arith.index_cast %rem3A_86 : i32 to index
        %get3A_285 = arith.index_cast %add3A_280 : i32 to index
        %get3A_286 = tpu.vector_load %arg9[%get3A_284, %get3A_285] {strides = array<i32>} : memref<2x8192xi32, #tpu.memory_space<vmem>>, vector<16xi32>,
        %gather3A_287 = tpu.vector_load_idx %arg7[%get3A_283] : memref<12288xi32, #tpu.memory_space<vmem>>[vector<16xi32>], vector<16xi32>,
        %add3A_288 = vector.broadcast %mul3A_27 : i32 to vector<16xi32>
        %add3A_289 = arith.addi %add3A_288, %gather3A_287 : vector<16xi32>
        %add3A_290 = arith.addi %add3A_289, %get3A_286 : vector<16xi32>
        %mul3A_291 = arith.constant 48 : i32
        %mul3A_292 = arith.muli %rem3A_86, %mul3A_291 : i32
        %add3A_293 = arith.addi %mul3A_292, %scan3A_145 : i32
        %swap3A_294 = arith.index_cast %add3A_293 : i32 to index
        %swap3A_295 = arith.constant 96 : index
        %swap3A_296 = tpu.vector_load %arg13[%swap3A_294, %swap3A_295] {strides = array<i32>} : memref<96x128xi32, #tpu.memory_space<vmem>>, vector<16xi32>,
        tpu.vector_store %arg13[%swap3A_294, %swap3A_295], %add3A_290 {strides = array<i32>} : memref<96x128xi32, #tpu.memory_space<vmem>>, vector<16xi32>,
        %mul3A_297 = arith.constant 128 : i32
        %mul3A_298 = arith.muli %scan3A_145, %mul3A_297 : i32
        %add3A_299 = arith.constant 2048 : i32
        %add3A_300 = arith.addi %add3A_299, %mul3A_298 : i32
        %add3A_301 = arith.constant 112 : i32
        %add3A_302 = arith.addi %add3A_300, %add3A_301 : i32
        %get3A_303 = arith.index_cast %rem3A_86 : i32 to index
        %get3A_304 = arith.index_cast %add3A_302 : i32 to index
        %get3A_305 = tpu.vector_load %arg8[%get3A_303, %get3A_304] {strides = array<i32>} : memref<2x8192xi32, #tpu.memory_space<vmem>>, vector<16xi32>,
        %get3A_306 = arith.index_cast %rem3A_86 : i32 to index
        %get3A_307 = arith.index_cast %add3A_302 : i32 to index
        %get3A_308 = tpu.vector_load %arg9[%get3A_306, %get3A_307] {strides = array<i32>} : memref<2x8192xi32, #tpu.memory_space<vmem>>, vector<16xi32>,
        %gather3A_309 = tpu.vector_load_idx %arg7[%get3A_305] : memref<12288xi32, #tpu.memory_space<vmem>>[vector<16xi32>], vector<16xi32>,
        %add3A_310 = vector.broadcast %mul3A_27 : i32 to vector<16xi32>
        %add3A_311 = arith.addi %add3A_310, %gather3A_309 : vector<16xi32>
        %add3A_312 = arith.addi %add3A_311, %get3A_308 : vector<16xi32>
        %mul3A_313 = arith.constant 48 : i32
        %mul3A_314 = arith.muli %rem3A_86, %mul3A_313 : i32
        %add3A_315 = arith.addi %mul3A_314, %scan3A_145 : i32
        %swap3A_316 = arith.index_cast %add3A_315 : i32 to index
        %swap3A_317 = arith.constant 112 : index
        %swap3A_318 = tpu.vector_load %arg13[%swap3A_316, %swap3A_317] {strides = array<i32>} : memref<96x128xi32, #tpu.memory_space<vmem>>, vector<16xi32>,
        tpu.vector_store %arg13[%swap3A_316, %swap3A_317], %add3A_312 {strides = array<i32>} : memref<96x128xi32, #tpu.memory_space<vmem>>, vector<16xi32>,
      }
      %scan3A_132 = arith.constant 48 : i32
      %scan3A_133 = arith.constant 0 : i32
      %scan3A_134 = arith.constant 0 : i32
      %scan3A_135 = arith.constant 48 : i32
      %scan3A_136 = arith.addi %scan3A_134, %scan3A_135 : i32
      %scan3A_137 = arith.constant 1 : i32
      scf.for %scan3A_145 = %scan3A_134 to %scan3A_136 step %scan3A_137  : i32 {
        %mul3A_146 = arith.constant 128 : i32
        %mul3A_147 = arith.muli %scan3A_145, %mul3A_146 : i32
        %add3A_148 = arith.constant 2048 : i32
        %add3A_149 = arith.addi %add3A_148, %mul3A_147 : i32
        %mul3A_150 = arith.constant 48 : i32
        %mul3A_151 = arith.muli %rem3A_86, %mul3A_150 : i32
        %add3A_152 = arith.addi %mul3A_151, %scan3A_145 : i32
        %dma_start3A_153 = tpu.memref_slice %arg10[%rem3A_86, %add3A_149] : memref<2x8192xf32, #tpu.memory_space<vmem>> -> memref<1x128xf32, #tpu.memory_space<vmem>>
        %dma_start3A_154 = tpu.memref_squeeze %dma_start3A_153 : memref<1x128xf32, #tpu.memory_space<vmem>> -> memref<128xf32, #tpu.memory_space<vmem>>
        %dma_start3A_155 = arith.constant 0 : i32
        %dma_start3A_156 = tpu.memref_slice %arg13[%add3A_152, %dma_start3A_155] : memref<96x128xi32, #tpu.memory_space<vmem>> -> memref<1x128xi32, #tpu.memory_space<vmem>>
        %dma_start3A_157 = tpu.memref_squeeze %dma_start3A_156 : memref<1x128xi32, #tpu.memory_space<vmem>> -> memref<128xi32, #tpu.memory_space<vmem>>
        %dma_start3A_158 = arith.constant 0 : i32
        %dma_start3A_159 = tpu.memref_slice %arg14[%dma_start3A_158] : memref<196608xf32, #tpu.memory_space<vmem_shared>> -> memref<196608xf32, #tpu.memory_space<vmem_shared>>
        tpu.enqueue_indirect_dma source(%dma_start3A_154 : memref<128xf32, #tpu.memory_space<vmem>>) target(%dma_start3A_159 : memref<196608xf32, #tpu.memory_space<vmem_shared>>) offsets(%dma_start3A_157 : memref<128xi32, #tpu.memory_space<vmem>>) semaphore(%arg16 : memref<!tpu.dma_semaphore, #tpu.memory_space<semaphore_mem>>) {add = true}
      }
      %scan3A_138 = arith.constant 48 : i32
      %scan3A_139 = arith.constant 0 : i32
      %scan3A_140 = arith.constant 0 : i32
      %scan3A_141 = arith.constant 8 : i32
      %scan3A_142 = arith.addi %scan3A_140, %scan3A_141 : i32
      %scan3A_143 = arith.constant 1 : i32
      scf.for %scan3A_145 = %scan3A_140 to %scan3A_142 step %scan3A_143  : i32 {
        %mul3A_146 = arith.constant 256 : i32
        %mul3A_147 = arith.muli %scan3A_145, %mul3A_146 : i32
        %add3A_148 = arith.constant 0 : i32
        %add3A_149 = arith.addi %mul3A_147, %add3A_148 : i32
        %get3A = arith.index_cast %rem3A_86 : i32 to index
        %get3A_150 = arith.index_cast %add3A_149 : i32 to index
        %get3A_151 = tpu.vector_load %arg8[%get3A, %get3A_150] {strides = array<i32>} : memref<2x8192xi32, #tpu.memory_space<vmem>>, vector<16xi32>,
        %get3A_152 = arith.index_cast %rem3A_86 : i32 to index
        %get3A_153 = arith.index_cast %add3A_149 : i32 to index
        %get3A_154 = tpu.vector_load %arg9[%get3A_152, %get3A_153] {strides = array<i32>} : memref<2x8192xi32, #tpu.memory_space<vmem>>, vector<16xi32>,
        %get3A_155 = arith.index_cast %rem3A_86 : i32 to index
        %get3A_156 = arith.index_cast %add3A_149 : i32 to index
        %get3A_157 = tpu.vector_load %arg10[%get3A_155, %get3A_156] {strides = array<i32>} : memref<2x8192xf32, #tpu.memory_space<vmem>>, vector<16xf32>,
        %gather3A = tpu.vector_load_idx %arg7[%get3A_151] : memref<12288xi32, #tpu.memory_space<vmem>>[vector<16xi32>], vector<16xi32>,
        %add3A_158 = arith.addi %gather3A, %get3A_154 : vector<16xi32>
        tpu.vector_store_idx %arg11[%add3A_158], %get3A_157 {add = true} : memref<12288xf32, #tpu.memory_space<vmem>>[vector<16xi32>], vector<16xf32>,
        %mul3A_159 = arith.constant 256 : i32
        %mul3A_160 = arith.muli %scan3A_145, %mul3A_159 : i32
        %add3A_161 = arith.constant 16 : i32
        %add3A_162 = arith.addi %mul3A_160, %add3A_161 : i32
        %get3A_163 = arith.index_cast %rem3A_86 : i32 to index
        %get3A_164 = arith.index_cast %add3A_162 : i32 to index
        %get3A_165 = tpu.vector_load %arg8[%get3A_163, %get3A_164] {strides = array<i32>} : memref<2x8192xi32, #tpu.memory_space<vmem>>, vector<16xi32>,
        %get3A_166 = arith.index_cast %rem3A_86 : i32 to index
        %get3A_167 = arith.index_cast %add3A_162 : i32 to index
        %get3A_168 = tpu.vector_load %arg9[%get3A_166, %get3A_167] {strides = array<i32>} : memref<2x8192xi32, #tpu.memory_space<vmem>>, vector<16xi32>,
        %get3A_169 = arith.index_cast %rem3A_86 : i32 to index
        %get3A_170 = arith.index_cast %add3A_162 : i32 to index
        %get3A_171 = tpu.vector_load %arg10[%get3A_169, %get3A_170] {strides = array<i32>} : memref<2x8192xf32, #tpu.memory_space<vmem>>, vector<16xf32>,
        %gather3A_172 = tpu.vector_load_idx %arg7[%get3A_165] : memref<12288xi32, #tpu.memory_space<vmem>>[vector<16xi32>], vector<16xi32>,
        %add3A_173 = arith.addi %gather3A_172, %get3A_168 : vector<16xi32>
        tpu.vector_store_idx %arg11[%add3A_173], %get3A_171 {add = true} : memref<12288xf32, #tpu.memory_space<vmem>>[vector<16xi32>], vector<16xf32>,
        %mul3A_174 = arith.constant 256 : i32
        %mul3A_175 = arith.muli %scan3A_145, %mul3A_174 : i32
        %add3A_176 = arith.constant 32 : i32
        %add3A_177 = arith.addi %mul3A_175, %add3A_176 : i32
        %get3A_178 = arith.index_cast %rem3A_86 : i32 to index
        %get3A_179 = arith.index_cast %add3A_177 : i32 to index
        %get3A_180 = tpu.vector_load %arg8[%get3A_178, %get3A_179] {strides = array<i32>} : memref<2x8192xi32, #tpu.memory_space<vmem>>, vector<16xi32>,
        %get3A_181 = arith.index_cast %rem3A_86 : i32 to index
        %get3A_182 = arith.index_cast %add3A_177 : i32 to index
        %get3A_183 = tpu.vector_load %arg9[%get3A_181, %get3A_182] {strides = array<i32>} : memref<2x8192xi32, #tpu.memory_space<vmem>>, vector<16xi32>,
        %get3A_184 = arith.index_cast %rem3A_86 : i32 to index
        %get3A_185 = arith.index_cast %add3A_177 : i32 to index
        %get3A_186 = tpu.vector_load %arg10[%get3A_184, %get3A_185] {strides = array<i32>} : memref<2x8192xf32, #tpu.memory_space<vmem>>, vector<16xf32>,
        %gather3A_187 = tpu.vector_load_idx %arg7[%get3A_180] : memref<12288xi32, #tpu.memory_space<vmem>>[vector<16xi32>], vector<16xi32>,
        %add3A_188 = arith.addi %gather3A_187, %get3A_183 : vector<16xi32>
        tpu.vector_store_idx %arg11[%add3A_188], %get3A_186 {add = true} : memref<12288xf32, #tpu.memory_space<vmem>>[vector<16xi32>], vector<16xf32>,
        %mul3A_189 = arith.constant 256 : i32
        %mul3A_190 = arith.muli %scan3A_145, %mul3A_189 : i32
        %add3A_191 = arith.constant 48 : i32
        %add3A_192 = arith.addi %mul3A_190, %add3A_191 : i32
        %get3A_193 = arith.index_cast %rem3A_86 : i32 to index
        %get3A_194 = arith.index_cast %add3A_192 : i32 to index
        %get3A_195 = tpu.vector_load %arg8[%get3A_193, %get3A_194] {strides = array<i32>} : memref<2x8192xi32, #tpu.memory_space<vmem>>, vector<16xi32>,
        %get3A_196 = arith.index_cast %rem3A_86 : i32 to index
        %get3A_197 = arith.index_cast %add3A_192 : i32 to index
        %get3A_198 = tpu.vector_load %arg9[%get3A_196, %get3A_197] {strides = array<i32>} : memref<2x8192xi32, #tpu.memory_space<vmem>>, vector<16xi32>,
        %get3A_199 = arith.index_cast %rem3A_86 : i32 to index
        %get3A_200 = arith.index_cast %add3A_192 : i32 to index
        %get3A_201 = tpu.vector_load %arg10[%get3A_199, %get3A_200] {strides = array<i32>} : memref<2x8192xf32, #tpu.memory_space<vmem>>, vector<16xf32>,
        %gather3A_202 = tpu.vector_load_idx %arg7[%get3A_195] : memref<12288xi32, #tpu.memory_space<vmem>>[vector<16xi32>], vector<16xi32>,
        %add3A_203 = arith.addi %gather3A_202, %get3A_198 : vector<16xi32>
        tpu.vector_store_idx %arg11[%add3A_203], %get3A_201 {add = true} : memref<12288xf32, #tpu.memory_space<vmem>>[vector<16xi32>], vector<16xf32>,
        %mul3A_204 = arith.constant 256 : i32
        %mul3A_205 = arith.muli %scan3A_145, %mul3A_204 : i32
        %add3A_206 = arith.constant 64 : i32
        %add3A_207 = arith.addi %mul3A_205, %add3A_206 : i32
        %get3A_208 = arith.index_cast %rem3A_86 : i32 to index
        %get3A_209 = arith.index_cast %add3A_207 : i32 to index
        %get3A_210 = tpu.vector_load %arg8[%get3A_208, %get3A_209] {strides = array<i32>} : memref<2x8192xi32, #tpu.memory_space<vmem>>, vector<16xi32>,
        %get3A_211 = arith.index_cast %rem3A_86 : i32 to index
        %get3A_212 = arith.index_cast %add3A_207 : i32 to index
        %get3A_213 = tpu.vector_load %arg9[%get3A_211, %get3A_212] {strides = array<i32>} : memref<2x8192xi32, #tpu.memory_space<vmem>>, vector<16xi32>,
        %get3A_214 = arith.index_cast %rem3A_86 : i32 to index
        %get3A_215 = arith.index_cast %add3A_207 : i32 to index
        %get3A_216 = tpu.vector_load %arg10[%get3A_214, %get3A_215] {strides = array<i32>} : memref<2x8192xf32, #tpu.memory_space<vmem>>, vector<16xf32>,
        %gather3A_217 = tpu.vector_load_idx %arg7[%get3A_210] : memref<12288xi32, #tpu.memory_space<vmem>>[vector<16xi32>], vector<16xi32>,
        %add3A_218 = arith.addi %gather3A_217, %get3A_213 : vector<16xi32>
        tpu.vector_store_idx %arg11[%add3A_218], %get3A_216 {add = true} : memref<12288xf32, #tpu.memory_space<vmem>>[vector<16xi32>], vector<16xf32>,
        %mul3A_219 = arith.constant 256 : i32
        %mul3A_220 = arith.muli %scan3A_145, %mul3A_219 : i32
        %add3A_221 = arith.constant 80 : i32
        %add3A_222 = arith.addi %mul3A_220, %add3A_221 : i32
        %get3A_223 = arith.index_cast %rem3A_86 : i32 to index
        %get3A_224 = arith.index_cast %add3A_222 : i32 to index
        %get3A_225 = tpu.vector_load %arg8[%get3A_223, %get3A_224] {strides = array<i32>} : memref<2x8192xi32, #tpu.memory_space<vmem>>, vector<16xi32>,
        %get3A_226 = arith.index_cast %rem3A_86 : i32 to index
        %get3A_227 = arith.index_cast %add3A_222 : i32 to index
        %get3A_228 = tpu.vector_load %arg9[%get3A_226, %get3A_227] {strides = array<i32>} : memref<2x8192xi32, #tpu.memory_space<vmem>>, vector<16xi32>,
        %get3A_229 = arith.index_cast %rem3A_86 : i32 to index
        %get3A_230 = arith.index_cast %add3A_222 : i32 to index
        %get3A_231 = tpu.vector_load %arg10[%get3A_229, %get3A_230] {strides = array<i32>} : memref<2x8192xf32, #tpu.memory_space<vmem>>, vector<16xf32>,
        %gather3A_232 = tpu.vector_load_idx %arg7[%get3A_225] : memref<12288xi32, #tpu.memory_space<vmem>>[vector<16xi32>], vector<16xi32>,
        %add3A_233 = arith.addi %gather3A_232, %get3A_228 : vector<16xi32>
        tpu.vector_store_idx %arg11[%add3A_233], %get3A_231 {add = true} : memref<12288xf32, #tpu.memory_space<vmem>>[vector<16xi32>], vector<16xf32>,
        %mul3A_234 = arith.constant 256 : i32
        %mul3A_235 = arith.muli %scan3A_145, %mul3A_234 : i32
        %add3A_236 = arith.constant 96 : i32
        %add3A_237 = arith.addi %mul3A_235, %add3A_236 : i32
        %get3A_238 = arith.index_cast %rem3A_86 : i32 to index
        %get3A_239 = arith.index_cast %add3A_237 : i32 to index
        %get3A_240 = tpu.vector_load %arg8[%get3A_238, %get3A_239] {strides = array<i32>} : memref<2x8192xi32, #tpu.memory_space<vmem>>, vector<16xi32>,
        %get3A_241 = arith.index_cast %rem3A_86 : i32 to index
        %get3A_242 = arith.index_cast %add3A_237 : i32 to index
        %get3A_243 = tpu.vector_load %arg9[%get3A_241, %get3A_242] {strides = array<i32>} : memref<2x8192xi32, #tpu.memory_space<vmem>>, vector<16xi32>,
        %get3A_244 = arith.index_cast %rem3A_86 : i32 to index
        %get3A_245 = arith.index_cast %add3A_237 : i32 to index
        %get3A_246 = tpu.vector_load %arg10[%get3A_244, %get3A_245] {strides = array<i32>} : memref<2x8192xf32, #tpu.memory_space<vmem>>, vector<16xf32>,
        %gather3A_247 = tpu.vector_load_idx %arg7[%get3A_240] : memref<12288xi32, #tpu.memory_space<vmem>>[vector<16xi32>], vector<16xi32>,
        %add3A_248 = arith.addi %gather3A_247, %get3A_243 : vector<16xi32>
        tpu.vector_store_idx %arg11[%add3A_248], %get3A_246 {add = true} : memref<12288xf32, #tpu.memory_space<vmem>>[vector<16xi32>], vector<16xf32>,
        %mul3A_249 = arith.constant 256 : i32
        %mul3A_250 = arith.muli %scan3A_145, %mul3A_249 : i32
        %add3A_251 = arith.constant 112 : i32
        %add3A_252 = arith.addi %mul3A_250, %add3A_251 : i32
        %get3A_253 = arith.index_cast %rem3A_86 : i32 to index
        %get3A_254 = arith.index_cast %add3A_252 : i32 to index
        %get3A_255 = tpu.vector_load %arg8[%get3A_253, %get3A_254] {strides = array<i32>} : memref<2x8192xi32, #tpu.memory_space<vmem>>, vector<16xi32>,
        %get3A_256 = arith.index_cast %rem3A_86 : i32 to index
        %get3A_257 = arith.index_cast %add3A_252 : i32 to index
        %get3A_258 = tpu.vector_load %arg9[%get3A_256, %get3A_257] {strides = array<i32>} : memref<2x8192xi32, #tpu.memory_space<vmem>>, vector<16xi32>,
        %get3A_259 = arith.index_cast %rem3A_86 : i32 to index
        %get3A_260 = arith.index_cast %add3A_252 : i32 to index
        %get3A_261 = tpu.vector_load %arg10[%get3A_259, %get3A_260] {strides = array<i32>} : memref<2x8192xf32, #tpu.memory_space<vmem>>, vector<16xf32>,
        %gather3A_262 = tpu.vector_load_idx %arg7[%get3A_255] : memref<12288xi32, #tpu.memory_space<vmem>>[vector<16xi32>], vector<16xi32>,
        %add3A_263 = arith.addi %gather3A_262, %get3A_258 : vector<16xi32>
        tpu.vector_store_idx %arg11[%add3A_263], %get3A_261 {add = true} : memref<12288xf32, #tpu.memory_space<vmem>>[vector<16xi32>], vector<16xf32>,
        %mul3A_264 = arith.constant 256 : i32
        %mul3A_265 = arith.muli %scan3A_145, %mul3A_264 : i32
        %add3A_266 = arith.constant 128 : i32
        %add3A_267 = arith.addi %mul3A_265, %add3A_266 : i32
        %get3A_268 = arith.index_cast %rem3A_86 : i32 to index
        %get3A_269 = arith.index_cast %add3A_267 : i32 to index
        %get3A_270 = tpu.vector_load %arg8[%get3A_268, %get3A_269] {strides = array<i32>} : memref<2x8192xi32, #tpu.memory_space<vmem>>, vector<16xi32>,
        %get3A_271 = arith.index_cast %rem3A_86 : i32 to index
        %get3A_272 = arith.index_cast %add3A_267 : i32 to index
        %get3A_273 = tpu.vector_load %arg9[%get3A_271, %get3A_272] {strides = array<i32>} : memref<2x8192xi32, #tpu.memory_space<vmem>>, vector<16xi32>,
        %get3A_274 = arith.index_cast %rem3A_86 : i32 to index
        %get3A_275 = arith.index_cast %add3A_267 : i32 to index
        %get3A_276 = tpu.vector_load %arg10[%get3A_274, %get3A_275] {strides = array<i32>} : memref<2x8192xf32, #tpu.memory_space<vmem>>, vector<16xf32>,
        %gather3A_277 = tpu.vector_load_idx %arg7[%get3A_270] : memref<12288xi32, #tpu.memory_space<vmem>>[vector<16xi32>], vector<16xi32>,
        %add3A_278 = arith.addi %gather3A_277, %get3A_273 : vector<16xi32>
        tpu.vector_store_idx %arg11[%add3A_278], %get3A_276 {add = true} : memref<12288xf32, #tpu.memory_space<vmem>>[vector<16xi32>], vector<16xf32>,
        %mul3A_279 = arith.constant 256 : i32
        %mul3A_280 = arith.muli %scan3A_145, %mul3A_279 : i32
        %add3A_281 = arith.constant 144 : i32
        %add3A_282 = arith.addi %mul3A_280, %add3A_281 : i32
        %get3A_283 = arith.index_cast %rem3A_86 : i32 to index
        %get3A_284 = arith.index_cast %add3A_282 : i32 to index
        %get3A_285 = tpu.vector_load %arg8[%get3A_283, %get3A_284] {strides = array<i32>} : memref<2x8192xi32, #tpu.memory_space<vmem>>, vector<16xi32>,
        %get3A_286 = arith.index_cast %rem3A_86 : i32 to index
        %get3A_287 = arith.index_cast %add3A_282 : i32 to index
        %get3A_288 = tpu.vector_load %arg9[%get3A_286, %get3A_287] {strides = array<i32>} : memref<2x8192xi32, #tpu.memory_space<vmem>>, vector<16xi32>,
        %get3A_289 = arith.index_cast %rem3A_86 : i32 to index
        %get3A_290 = arith.index_cast %add3A_282 : i32 to index
        %get3A_291 = tpu.vector_load %arg10[%get3A_289, %get3A_290] {strides = array<i32>} : memref<2x8192xf32, #tpu.memory_space<vmem>>, vector<16xf32>,
        %gather3A_292 = tpu.vector_load_idx %arg7[%get3A_285] : memref<12288xi32, #tpu.memory_space<vmem>>[vector<16xi32>], vector<16xi32>,
        %add3A_293 = arith.addi %gather3A_292, %get3A_288 : vector<16xi32>
        tpu.vector_store_idx %arg11[%add3A_293], %get3A_291 {add = true} : memref<12288xf32, #tpu.memory_space<vmem>>[vector<16xi32>], vector<16xf32>,
        %mul3A_294 = arith.constant 256 : i32
        %mul3A_295 = arith.muli %scan3A_145, %mul3A_294 : i32
        %add3A_296 = arith.constant 160 : i32
        %add3A_297 = arith.addi %mul3A_295, %add3A_296 : i32
        %get3A_298 = arith.index_cast %rem3A_86 : i32 to index
        %get3A_299 = arith.index_cast %add3A_297 : i32 to index
        %get3A_300 = tpu.vector_load %arg8[%get3A_298, %get3A_299] {strides = array<i32>} : memref<2x8192xi32, #tpu.memory_space<vmem>>, vector<16xi32>,
        %get3A_301 = arith.index_cast %rem3A_86 : i32 to index
        %get3A_302 = arith.index_cast %add3A_297 : i32 to index
        %get3A_303 = tpu.vector_load %arg9[%get3A_301, %get3A_302] {strides = array<i32>} : memref<2x8192xi32, #tpu.memory_space<vmem>>, vector<16xi32>,
        %get3A_304 = arith.index_cast %rem3A_86 : i32 to index
        %get3A_305 = arith.index_cast %add3A_297 : i32 to index
        %get3A_306 = tpu.vector_load %arg10[%get3A_304, %get3A_305] {strides = array<i32>} : memref<2x8192xf32, #tpu.memory_space<vmem>>, vector<16xf32>,
        %gather3A_307 = tpu.vector_load_idx %arg7[%get3A_300] : memref<12288xi32, #tpu.memory_space<vmem>>[vector<16xi32>], vector<16xi32>,
        %add3A_308 = arith.addi %gather3A_307, %get3A_303 : vector<16xi32>
        tpu.vector_store_idx %arg11[%add3A_308], %get3A_306 {add = true} : memref<12288xf32, #tpu.memory_space<vmem>>[vector<16xi32>], vector<16xf32>,
        %mul3A_309 = arith.constant 256 : i32
        %mul3A_310 = arith.muli %scan3A_145, %mul3A_309 : i32
        %add3A_311 = arith.constant 176 : i32
        %add3A_312 = arith.addi %mul3A_310, %add3A_311 : i32
        %get3A_313 = arith.index_cast %rem3A_86 : i32 to index
        %get3A_314 = arith.index_cast %add3A_312 : i32 to index
        %get3A_315 = tpu.vector_load %arg8[%get3A_313, %get3A_314] {strides = array<i32>} : memref<2x8192xi32, #tpu.memory_space<vmem>>, vector<16xi32>,
        %get3A_316 = arith.index_cast %rem3A_86 : i32 to index
        %get3A_317 = arith.index_cast %add3A_312 : i32 to index
        %get3A_318 = tpu.vector_load %arg9[%get3A_316, %get3A_317] {strides = array<i32>} : memref<2x8192xi32, #tpu.memory_space<vmem>>, vector<16xi32>,
        %get3A_319 = arith.index_cast %rem3A_86 : i32 to index
        %get3A_320 = arith.index_cast %add3A_312 : i32 to index
        %get3A_321 = tpu.vector_load %arg10[%get3A_319, %get3A_320] {strides = array<i32>} : memref<2x8192xf32, #tpu.memory_space<vmem>>, vector<16xf32>,
        %gather3A_322 = tpu.vector_load_idx %arg7[%get3A_315] : memref<12288xi32, #tpu.memory_space<vmem>>[vector<16xi32>], vector<16xi32>,
        %add3A_323 = arith.addi %gather3A_322, %get3A_318 : vector<16xi32>
        tpu.vector_store_idx %arg11[%add3A_323], %get3A_321 {add = true} : memref<12288xf32, #tpu.memory_space<vmem>>[vector<16xi32>], vector<16xf32>,
        %mul3A_324 = arith.constant 256 : i32
        %mul3A_325 = arith.muli %scan3A_145, %mul3A_324 : i32
        %add3A_326 = arith.constant 192 : i32
        %add3A_327 = arith.addi %mul3A_325, %add3A_326 : i32
        %get3A_328 = arith.index_cast %rem3A_86 : i32 to index
        %get3A_329 = arith.index_cast %add3A_327 : i32 to index
        %get3A_330 = tpu.vector_load %arg8[%get3A_328, %get3A_329] {strides = array<i32>} : memref<2x8192xi32, #tpu.memory_space<vmem>>, vector<16xi32>,
        %get3A_331 = arith.index_cast %rem3A_86 : i32 to index
        %get3A_332 = arith.index_cast %add3A_327 : i32 to index
        %get3A_333 = tpu.vector_load %arg9[%get3A_331, %get3A_332] {strides = array<i32>} : memref<2x8192xi32, #tpu.memory_space<vmem>>, vector<16xi32>,
        %get3A_334 = arith.index_cast %rem3A_86 : i32 to index
        %get3A_335 = arith.index_cast %add3A_327 : i32 to index
        %get3A_336 = tpu.vector_load %arg10[%get3A_334, %get3A_335] {strides = array<i32>} : memref<2x8192xf32, #tpu.memory_space<vmem>>, vector<16xf32>,
        %gather3A_337 = tpu.vector_load_idx %arg7[%get3A_330] : memref<12288xi32, #tpu.memory_space<vmem>>[vector<16xi32>], vector<16xi32>,
        %add3A_338 = arith.addi %gather3A_337, %get3A_333 : vector<16xi32>
        tpu.vector_store_idx %arg11[%add3A_338], %get3A_336 {add = true} : memref<12288xf32, #tpu.memory_space<vmem>>[vector<16xi32>], vector<16xf32>,
        %mul3A_339 = arith.constant 256 : i32
        %mul3A_340 = arith.muli %scan3A_145, %mul3A_339 : i32
        %add3A_341 = arith.constant 208 : i32
        %add3A_342 = arith.addi %mul3A_340, %add3A_341 : i32
        %get3A_343 = arith.index_cast %rem3A_86 : i32 to index
        %get3A_344 = arith.index_cast %add3A_342 : i32 to index
        %get3A_345 = tpu.vector_load %arg8[%get3A_343, %get3A_344] {strides = array<i32>} : memref<2x8192xi32, #tpu.memory_space<vmem>>, vector<16xi32>,
        %get3A_346 = arith.index_cast %rem3A_86 : i32 to index
        %get3A_347 = arith.index_cast %add3A_342 : i32 to index
        %get3A_348 = tpu.vector_load %arg9[%get3A_346, %get3A_347] {strides = array<i32>} : memref<2x8192xi32, #tpu.memory_space<vmem>>, vector<16xi32>,
        %get3A_349 = arith.index_cast %rem3A_86 : i32 to index
        %get3A_350 = arith.index_cast %add3A_342 : i32 to index
        %get3A_351 = tpu.vector_load %arg10[%get3A_349, %get3A_350] {strides = array<i32>} : memref<2x8192xf32, #tpu.memory_space<vmem>>, vector<16xf32>,
        %gather3A_352 = tpu.vector_load_idx %arg7[%get3A_345] : memref<12288xi32, #tpu.memory_space<vmem>>[vector<16xi32>], vector<16xi32>,
        %add3A_353 = arith.addi %gather3A_352, %get3A_348 : vector<16xi32>
        tpu.vector_store_idx %arg11[%add3A_353], %get3A_351 {add = true} : memref<12288xf32, #tpu.memory_space<vmem>>[vector<16xi32>], vector<16xf32>,
        %mul3A_354 = arith.constant 256 : i32
        %mul3A_355 = arith.muli %scan3A_145, %mul3A_354 : i32
        %add3A_356 = arith.constant 224 : i32
        %add3A_357 = arith.addi %mul3A_355, %add3A_356 : i32
        %get3A_358 = arith.index_cast %rem3A_86 : i32 to index
        %get3A_359 = arith.index_cast %add3A_357 : i32 to index
        %get3A_360 = tpu.vector_load %arg8[%get3A_358, %get3A_359] {strides = array<i32>} : memref<2x8192xi32, #tpu.memory_space<vmem>>, vector<16xi32>,
        %get3A_361 = arith.index_cast %rem3A_86 : i32 to index
        %get3A_362 = arith.index_cast %add3A_357 : i32 to index
        %get3A_363 = tpu.vector_load %arg9[%get3A_361, %get3A_362] {strides = array<i32>} : memref<2x8192xi32, #tpu.memory_space<vmem>>, vector<16xi32>,
        %get3A_364 = arith.index_cast %rem3A_86 : i32 to index
        %get3A_365 = arith.index_cast %add3A_357 : i32 to index
        %get3A_366 = tpu.vector_load %arg10[%get3A_364, %get3A_365] {strides = array<i32>} : memref<2x8192xf32, #tpu.memory_space<vmem>>, vector<16xf32>,
        %gather3A_367 = tpu.vector_load_idx %arg7[%get3A_360] : memref<12288xi32, #tpu.memory_space<vmem>>[vector<16xi32>], vector<16xi32>,
        %add3A_368 = arith.addi %gather3A_367, %get3A_363 : vector<16xi32>
        tpu.vector_store_idx %arg11[%add3A_368], %get3A_366 {add = true} : memref<12288xf32, #tpu.memory_space<vmem>>[vector<16xi32>], vector<16xf32>,
        %mul3A_369 = arith.constant 256 : i32
        %mul3A_370 = arith.muli %scan3A_145, %mul3A_369 : i32
        %add3A_371 = arith.constant 240 : i32
        %add3A_372 = arith.addi %mul3A_370, %add3A_371 : i32
        %get3A_373 = arith.index_cast %rem3A_86 : i32 to index
        %get3A_374 = arith.index_cast %add3A_372 : i32 to index
        %get3A_375 = tpu.vector_load %arg8[%get3A_373, %get3A_374] {strides = array<i32>} : memref<2x8192xi32, #tpu.memory_space<vmem>>, vector<16xi32>,
        %get3A_376 = arith.index_cast %rem3A_86 : i32 to index
        %get3A_377 = arith.index_cast %add3A_372 : i32 to index
        %get3A_378 = tpu.vector_load %arg9[%get3A_376, %get3A_377] {strides = array<i32>} : memref<2x8192xi32, #tpu.memory_space<vmem>>, vector<16xi32>,
        %get3A_379 = arith.index_cast %rem3A_86 : i32 to index
        %get3A_380 = arith.index_cast %add3A_372 : i32 to index
        %get3A_381 = tpu.vector_load %arg10[%get3A_379, %get3A_380] {strides = array<i32>} : memref<2x8192xf32, #tpu.memory_space<vmem>>, vector<16xf32>,
        %gather3A_382 = tpu.vector_load_idx %arg7[%get3A_375] : memref<12288xi32, #tpu.memory_space<vmem>>[vector<16xi32>], vector<16xi32>,
        %add3A_383 = arith.addi %gather3A_382, %get3A_378 : vector<16xi32>
        tpu.vector_store_idx %arg11[%add3A_383], %get3A_381 {add = true} : memref<12288xf32, #tpu.memory_space<vmem>>[vector<16xi32>], vector<16xf32>,
      }
      %scan3A_144 = arith.constant 8 : i32
    }
    %scan3A_71 = arith.constant 6 : i32
    %rem3A_72 = arith.constant 5 : i32
    %rem3A_73 = arith.constant 2 : i32
    %rem3A_74 = arith.remsi %rem3A_72, %rem3A_73 : i32
    %scan3A_75 = arith.constant 0 : i32
    %scan3A_76 = arith.constant 0 : i32
    %scan3A_77 = arith.constant 48 : i32
    %scan3A_78 = arith.addi %scan3A_76, %scan3A_77 : i32
    %scan3A_79 = arith.constant 1 : i32
    scf.for %scan3A_84 = %scan3A_76 to %scan3A_78 step %scan3A_79  : i32 {
      %mul3A_85 = arith.constant 128 : i32
      %mul3A_86 = arith.muli %scan3A_84, %mul3A_85 : i32
      %add3A_87 = arith.constant 2048 : i32
      %add3A_88 = arith.addi %add3A_87, %mul3A_86 : i32
      %mul3A_89 = arith.constant 48 : i32
      %mul3A_90 = arith.muli %rem3A_74, %mul3A_89 : i32
      %add3A_91 = arith.addi %mul3A_90, %scan3A_84 : i32
      %dma_wait3A = tpu.memref_slice %arg10[%rem3A_74, %add3A_88] : memref<2x8192xf32, #tpu.memory_space<vmem>> -> memref<1x128xf32, #tpu.memory_space<vmem>>
      %dma_wait3A_92 = tpu.memref_squeeze %dma_wait3A : memref<1x128xf32, #tpu.memory_space<vmem>> -> memref<128xf32, #tpu.memory_space<vmem>>
      %dma_wait3A_93 = arith.constant 0 : i32
      %dma_wait3A_94 = tpu.memref_slice %arg13[%add3A_91, %dma_wait3A_93] : memref<96x128xi32, #tpu.memory_space<vmem>> -> memref<1x128xi32, #tpu.memory_space<vmem>>
      %dma_wait3A_95 = tpu.memref_squeeze %dma_wait3A_94 : memref<1x128xi32, #tpu.memory_space<vmem>> -> memref<128xi32, #tpu.memory_space<vmem>>
      %dma_wait3A_96 = arith.constant 0 : i32
      %dma_wait3A_97 = tpu.memref_slice %arg14[%dma_wait3A_96] : memref<196608xf32, #tpu.memory_space<vmem_shared>> -> memref<196608xf32, #tpu.memory_space<vmem_shared>>
      tpu.wait_indirect_dma semaphore(%arg16 : memref<!tpu.dma_semaphore, #tpu.memory_space<semaphore_mem>>) src(%dma_wait3A_92 : memref<128xf32, #tpu.memory_space<vmem>>) dst(%dma_wait3A_97 : memref<196608xf32, #tpu.memory_space<vmem_shared>>)
    }
    %scan3A_80 = arith.constant 48 : i32
    "tpu.region"() ({
      %run_scoped3A = tpu.sem_alloc : memref<!tpu.dma_semaphore, #tpu.memory_space<semaphore_mem>>
      %dma_start3A_84 = tpu.memref_slice %arg14[%mul3A_27] : memref<196608xf32, #tpu.memory_space<vmem_shared>> -> memref<12288xf32, #tpu.memory_space<vmem_shared>>
      %dma_start3A_85 = tpu.memref_slice %arg14[%mul3A_27] : memref<196608xf32, #tpu.memory_space<vmem_shared>> -> memref<12288xf32, #tpu.memory_space<vmem_shared>>
      tpu.enqueue_dma source(%dma_start3A_85 : memref<12288xf32, #tpu.memory_space<vmem_shared>>) target(%arg12 : memref<12288xf32, #tpu.memory_space<vmem>>) target_semaphore(%run_scoped3A : memref<!tpu.dma_semaphore, #tpu.memory_space<semaphore_mem>>)
      %dma_wait3A = tpu.memref_slice %arg14[%mul3A_27] : memref<196608xf32, #tpu.memory_space<vmem_shared>> -> memref<12288xf32, #tpu.memory_space<vmem_shared>>
      %dma_wait3A_86 = tpu.memref_slice %arg14[%mul3A_27] : memref<196608xf32, #tpu.memory_space<vmem_shared>> -> memref<12288xf32, #tpu.memory_space<vmem_shared>>
      tpu.wait_dma2 semaphore(%run_scoped3A : memref<!tpu.dma_semaphore, #tpu.memory_space<semaphore_mem>>) src(%dma_wait3A_86 : memref<12288xf32, #tpu.memory_space<vmem_shared>>) dst(%arg12 : memref<12288xf32, #tpu.memory_space<vmem>>)
      tpu.yield
    }) : () -> ()
    %parallel_loop3A_81 = arith.constant 0 : i32
    %parallel_loop3A_82 = arith.constant 768 : i32
    %parallel_loop3A_83 = arith.constant 1 : i32
    scf.for %parallel_loop3A_84 = %parallel_loop3A_81 to %parallel_loop3A_82 step %parallel_loop3A_83  : i32 {
      %parallel_loop3A_85 = arith.constant 16 : i32
      %parallel_loop3A_86 = arith.muli %parallel_loop3A_84, %parallel_loop3A_85 : i32
      %parallel_loop3A_87 = arith.index_cast %parallel_loop3A_86 : i32 to index
      %parallel_loop3A_88 = tpu.vector_load %arg11[%parallel_loop3A_87] {strides = array<i32>} : memref<12288xf32, #tpu.memory_space<vmem>>, vector<16xf32>,
      %parallel_loop3A_89 = arith.index_cast %parallel_loop3A_86 : i32 to index
      %parallel_loop3A_90 = tpu.vector_load %arg12[%parallel_loop3A_89] {strides = array<i32>} : memref<12288xf32, #tpu.memory_space<vmem>>, vector<16xf32>,
      %parallel_loop3A_91 = arith.addf %parallel_loop3A_88, %parallel_loop3A_90 : vector<16xf32>
      %parallel_loop3A_92 = arith.index_cast %parallel_loop3A_86 : i32 to index
      %parallel_loop3A_93 = tpu.vector_load %arg11[%parallel_loop3A_92] {strides = array<i32>} : memref<12288xf32, #tpu.memory_space<vmem>>, vector<16xf32>,
      tpu.vector_store %arg11[%parallel_loop3A_92], %parallel_loop3A_91 {strides = array<i32>} : memref<12288xf32, #tpu.memory_space<vmem>>, vector<16xf32>,
    } {sc.loop_unroll_factor = 1 : i64, sc.parallel_access}
    "tpu.region"() ({
      %run_scoped3A = tpu.sem_alloc : memref<!tpu.dma_semaphore, #tpu.memory_space<semaphore_mem>>
      %dma_start3A_84 = arith.constant 0 : i32
      %dma_start3A_85 = tpu.memref_slice %arg6[%add3A_21, %dma_start3A_84] : memref<32x12288xf32, #tpu.memory_space<hbm>> -> memref<1x12288xf32, #tpu.memory_space<hbm>>
      %dma_start3A_86 = tpu.memref_squeeze %dma_start3A_85 : memref<1x12288xf32, #tpu.memory_space<hbm>> -> memref<12288xf32, #tpu.memory_space<hbm>>
      %dma_start3A_87 = arith.constant 0 : i32
      %dma_start3A_88 = tpu.memref_slice %arg6[%add3A_21, %dma_start3A_87] : memref<32x12288xf32, #tpu.memory_space<hbm>> -> memref<1x12288xf32, #tpu.memory_space<hbm>>
      %dma_start3A_89 = tpu.memref_squeeze %dma_start3A_88 : memref<1x12288xf32, #tpu.memory_space<hbm>> -> memref<12288xf32, #tpu.memory_space<hbm>>
      tpu.enqueue_dma source(%arg11 : memref<12288xf32, #tpu.memory_space<vmem>>) target(%dma_start3A_89 : memref<12288xf32, #tpu.memory_space<hbm>>) target_semaphore(%run_scoped3A : memref<!tpu.dma_semaphore, #tpu.memory_space<semaphore_mem>>)
      %dma_wait3A = arith.constant 0 : i32
      %dma_wait3A_90 = tpu.memref_slice %arg6[%add3A_21, %dma_wait3A] : memref<32x12288xf32, #tpu.memory_space<hbm>> -> memref<1x12288xf32, #tpu.memory_space<hbm>>
      %dma_wait3A_91 = tpu.memref_squeeze %dma_wait3A_90 : memref<1x12288xf32, #tpu.memory_space<hbm>> -> memref<12288xf32, #tpu.memory_space<hbm>>
      %dma_wait3A_92 = arith.constant 0 : i32
      %dma_wait3A_93 = tpu.memref_slice %arg6[%add3A_21, %dma_wait3A_92] : memref<32x12288xf32, #tpu.memory_space<hbm>> -> memref<1x12288xf32, #tpu.memory_space<hbm>>
      %dma_wait3A_94 = tpu.memref_squeeze %dma_wait3A_93 : memref<1x12288xf32, #tpu.memory_space<hbm>> -> memref<12288xf32, #tpu.memory_space<hbm>>
      tpu.wait_dma2 semaphore(%run_scoped3A : memref<!tpu.dma_semaphore, #tpu.memory_space<semaphore_mem>>) src(%arg11 : memref<12288xf32, #tpu.memory_space<vmem>>) dst(%dma_wait3A_94 : memref<12288xf32, #tpu.memory_space<hbm>>)
      tpu.yield
    }) : () -> ()
    return
  }
}

#map = affine_map<(d0, d1) -> (0, 0)>
module attributes {stable_mosaic.version = 14 : i64} {
  func.func @k(%arg0: i32, %arg1: i32, %arg2: memref<16x196608xi32, #tpu.memory_space<hbm>>, %arg3: memref<16x196608xi32, #tpu.memory_space<hbm>>, %arg4: memref<16x196608xf32, #tpu.memory_space<hbm>>, %arg5: memref<16x12288xi32, #tpu.memory_space<hbm>>, %arg6: memref<32x12288xf32, #tpu.memory_space<hbm>>, %arg7: memref<12288xi32, #tpu.memory_space<vmem>>, %arg8: memref<2x8192xi32, #tpu.memory_space<vmem>>, %arg9: memref<2x8192xi32, #tpu.memory_space<vmem>>, %arg10: memref<2x8192xf32, #tpu.memory_space<vmem>>, %arg11: memref<12288xf32, #tpu.memory_space<vmem>>, %arg12: memref<12288xf32, #tpu.memory_space<vmem>>, %arg13: memref<96x128xi32, #tpu.memory_space<vmem>>, %arg14: memref<196608xf32, #tpu.memory_space<vmem_shared>>, %arg15: memref<!tpu.dma_semaphore, #tpu.memory_space<semaphore_mem>>, %arg16: memref<!tpu.dma_semaphore, #tpu.memory_space<semaphore_mem>>) attributes {dimension_semantics = [#tpu.dimension_semantics<core_parallel>, #tpu.dimension_semantics<subcore_parallel>], iteration_bounds = array<i64: 2, 16>, scalar_prefetch = 0 : i64, scratch_operands = 10 : i64, tpu.core_type = #tpu.core_type<sc_vector_subcore>, window_params = [{transform_indices = #map}, {transform_indices = #map}, {transform_indices = #map}, {transform_indices = #map}, {transform_indices = #map}]} {
    %jit3A = arith.constant 2 : i32
    %div3A = arith.divsi %arg1, %jit3A : i32
    %sign3A = arith.constant 0 : i32
    %sign3A_0 = arith.cmpi sgt, %arg1, %sign3A : i32
    %sign3A_1 = arith.extui %sign3A_0 : i1 to i32
    %sign3A_2 = arith.constant 0 : i32
    %sign3A_3 = arith.cmpi slt, %arg1, %sign3A_2 : i32
    %sign3A_4 = arith.extui %sign3A_3 : i1 to i32
    %sign3A_5 = arith.subi %sign3A_1, %sign3A_4 : i32
    %sign3A_6 = arith.constant 0 : i32
    %sign3A_7 = arith.cmpi sgt, %jit3A, %sign3A_6 : i32
    %sign3A_8 = arith.extui %sign3A_7 : i1 to i32
    %sign3A_9 = arith.constant 0 : i32
    %sign3A_10 = arith.cmpi slt, %jit3A, %sign3A_9 : i32
    %sign3A_11 = arith.extui %sign3A_10 : i1 to i32
    %sign3A_12 = arith.subi %sign3A_8, %sign3A_11 : i32
    %ne3A = arith.cmpi ne, %sign3A_5, %sign3A_12 : i32
    %rem3A = arith.remsi %arg1, %jit3A : i32
    %ne3A_13 = arith.constant 0 : i32
    %ne3A_14 = arith.cmpi ne, %rem3A, %ne3A_13 : i32
    %and3A = arith.andi %ne3A, %ne3A_14 : i1
    %sub3A = arith.constant 1 : i32
    %sub3A_15 = arith.subi %div3A, %sub3A : i32
    %select_n3A = arith.select %and3A, %sub3A_15, %div3A : i32
    %rem3A_16 = arith.constant 2 : i32
    %rem3A_17 = arith.remsi %arg1, %rem3A_16 : i32
    %mul3A = arith.constant 2 : i32
    %mul3A_18 = arith.muli %rem3A_17, %mul3A : i32
    %add3A = arith.addi %mul3A_18, %arg0 : i32
    %mul3A_19 = arith.constant 4 : i32
    %mul3A_20 = arith.muli %select_n3A, %mul3A_19 : i32
    %add3A_21 = arith.addi %mul3A_20, %add3A : i32
    %add3A_22 = arith.constant 0 : i32
    %add3A_23 = arith.addi %add3A_22, %select_n3A : i32
    %mul3A_24 = arith.constant 49152 : i32
    %mul3A_25 = arith.muli %add3A, %mul3A_24 : i32
    %mul3A_26 = arith.constant 12288 : i32
    %mul3A_27 = arith.muli %arg1, %mul3A_26 : i32
    %add3A_28 = arith.constant 0 : i32
    %add3A_29 = arith.addi %mul3A_25, %add3A_28 : i32
    %dma_start3A = arith.constant 0 : i32
    %dma_start3A_30 = arith.constant 0 : i32
    %dma_start3A_31 = tpu.memref_slice %arg8[%dma_start3A, %dma_start3A_30] : memref<2x8192xi32, #tpu.memory_space<vmem>> -> memref<1x8192xi32, #tpu.memory_space<vmem>>
    %dma_start3A_32 = tpu.memref_squeeze %dma_start3A_31 : memref<1x8192xi32, #tpu.memory_space<vmem>> -> memref<8192xi32, #tpu.memory_space<vmem>>
    %dma_start3A_33 = tpu.memref_slice %arg2[%add3A_23, %add3A_29] : memref<16x196608xi32, #tpu.memory_space<hbm>> -> memref<1x8192xi32, #tpu.memory_space<hbm>>
    %dma_start3A_34 = tpu.memref_squeeze %dma_start3A_33 : memref<1x8192xi32, #tpu.memory_space<hbm>> -> memref<8192xi32, #tpu.memory_space<hbm>>
    %dma_start3A_35 = arith.constant 0 : i32
    %dma_start3A_36 = tpu.memref_slice %arg8[%dma_start3A, %dma_start3A_35] : memref<2x8192xi32, #tpu.memory_space<vmem>> -> memref<1x8192xi32, #tpu.memory_space<vmem>>
    %dma_start3A_37 = tpu.memref_squeeze %dma_start3A_36 : memref<1x8192xi32, #tpu.memory_space<vmem>> -> memref<8192xi32, #tpu.memory_space<vmem>>
    %dma_start3A_38 = tpu.memref_slice %arg2[%add3A_23, %add3A_29] : memref<16x196608xi32, #tpu.memory_space<hbm>> -> memref<1x8192xi32, #tpu.memory_space<hbm>>
    %dma_start3A_39 = tpu.memref_squeeze %dma_start3A_38 : memref<1x8192xi32, #tpu.memory_space<hbm>> -> memref<8192xi32, #tpu.memory_space<hbm>>
    tpu.enqueue_dma source(%dma_start3A_39 : memref<8192xi32, #tpu.memory_space<hbm>>) target(%dma_start3A_37 : memref<8192xi32, #tpu.memory_space<vmem>>) target_semaphore(%arg15 : memref<!tpu.dma_semaphore, #tpu.memory_space<semaphore_mem>>)
    %dma_start3A_40 = arith.constant 0 : i32
    %dma_start3A_41 = arith.constant 0 : i32
    %dma_start3A_42 = tpu.memref_slice %arg9[%dma_start3A_40, %dma_start3A_41] : memref<2x8192xi32, #tpu.memory_space<vmem>> -> memref<1x8192xi32, #tpu.memory_space<vmem>>
    %dma_start3A_43 = tpu.memref_squeeze %dma_start3A_42 : memref<1x8192xi32, #tpu.memory_space<vmem>> -> memref<8192xi32, #tpu.memory_space<vmem>>
    %dma_start3A_44 = tpu.memref_slice %arg3[%add3A_23, %add3A_29] : memref<16x196608xi32, #tpu.memory_space<hbm>> -> memref<1x8192xi32, #tpu.memory_space<hbm>>
    %dma_start3A_45 = tpu.memref_squeeze %dma_start3A_44 : memref<1x8192xi32, #tpu.memory_space<hbm>> -> memref<8192xi32, #tpu.memory_space<hbm>>
    %dma_start3A_46 = arith.constant 0 : i32
    %dma_start3A_47 = tpu.memref_slice %arg9[%dma_start3A_40, %dma_start3A_46] : memref<2x8192xi32, #tpu.memory_space<vmem>> -> memref<1x8192xi32, #tpu.memory_space<vmem>>
    %dma_start3A_48 = tpu.memref_squeeze %dma_start3A_47 : memref<1x8192xi32, #tpu.memory_space<vmem>> -> memref<8192xi32, #tpu.memory_space<vmem>>
    %dma_start3A_49 = tpu.memref_slice %arg3[%add3A_23, %add3A_29] : memref<16x196608xi32, #tpu.memory_space<hbm>> -> memref<1x8192xi32, #tpu.memory_space<hbm>>
    %dma_start3A_50 = tpu.memref_squeeze %dma_start3A_49 : memref<1x8192xi32, #tpu.memory_space<hbm>> -> memref<8192xi32, #tpu.memory_space<hbm>>
    tpu.enqueue_dma source(%dma_start3A_50 : memref<8192xi32, #tpu.memory_space<hbm>>) target(%dma_start3A_48 : memref<8192xi32, #tpu.memory_space<vmem>>) target_semaphore(%arg15 : memref<!tpu.dma_semaphore, #tpu.memory_space<semaphore_mem>>)
    %dma_start3A_51 = arith.constant 0 : i32
    %dma_start3A_52 = arith.constant 0 : i32
    %dma_start3A_53 = tpu.memref_slice %arg10[%dma_start3A_51, %dma_start3A_52] : memref<2x8192xf32, #tpu.memory_space<vmem>> -> memref<1x8192xf32, #tpu.memory_space<vmem>>
    %dma_start3A_54 = tpu.memref_squeeze %dma_start3A_53 : memref<1x8192xf32, #tpu.memory_space<vmem>> -> memref<8192xf32, #tpu.memory_space<vmem>>
    %dma_start3A_55 = tpu.memref_slice %arg4[%add3A_23, %add3A_29] : memref<16x196608xf32, #tpu.memory_space<hbm>> -> memref<1x8192xf32, #tpu.memory_space<hbm>>
    %dma_start3A_56 = tpu.memref_squeeze %dma_start3A_55 : memref<1x8192xf32, #tpu.memory_space<hbm>> -> memref<8192xf32, #tpu.memory_space<hbm>>
    %dma_start3A_57 = arith.constant 0 : i32
    %dma_start3A_58 = tpu.memref_slice %arg10[%dma_start3A_51, %dma_start3A_57] : memref<2x8192xf32, #tpu.memory_space<vmem>> -> memref<1x8192xf32, #tpu.memory_space<vmem>>
    %dma_start3A_59 = tpu.memref_squeeze %dma_start3A_58 : memref<1x8192xf32, #tpu.memory_space<vmem>> -> memref<8192xf32, #tpu.memory_space<vmem>>
    %dma_start3A_60 = tpu.memref_slice %arg4[%add3A_23, %add3A_29] : memref<16x196608xf32, #tpu.memory_space<hbm>> -> memref<1x8192xf32, #tpu.memory_space<hbm>>
    %dma_start3A_61 = tpu.memref_squeeze %dma_start3A_60 : memref<1x8192xf32, #tpu.memory_space<hbm>> -> memref<8192xf32, #tpu.memory_space<hbm>>
    tpu.enqueue_dma source(%dma_start3A_61 : memref<8192xf32, #tpu.memory_space<hbm>>) target(%dma_start3A_59 : memref<8192xf32, #tpu.memory_space<vmem>>) target_semaphore(%arg15 : memref<!tpu.dma_semaphore, #tpu.memory_space<semaphore_mem>>)
    %parallel_loop3A = arith.constant 0 : i32
    %parallel_loop3A_62 = arith.constant 768 : i32
    %parallel_loop3A_63 = arith.constant 1 : i32
    scf.for %parallel_loop3A_84 = %parallel_loop3A to %parallel_loop3A_62 step %parallel_loop3A_63  : i32 {
      %parallel_loop3A_85 = arith.constant 0.000000e+00 : f32
      %parallel_loop3A_86 = vector.broadcast %parallel_loop3A_85 : f32 to vector<16xf32>
      %parallel_loop3A_87 = arith.constant 16 : i32
      %parallel_loop3A_88 = arith.muli %parallel_loop3A_84, %parallel_loop3A_87 : i32
      %parallel_loop3A_89 = arith.index_cast %parallel_loop3A_88 : i32 to index
      %parallel_loop3A_90 = tpu.vector_load %arg11[%parallel_loop3A_89] {strides = array<i32>} : memref<12288xf32, #tpu.memory_space<vmem>>, vector<16xf32>,
      tpu.vector_store %arg11[%parallel_loop3A_89], %parallel_loop3A_86 {strides = array<i32>} : memref<12288xf32, #tpu.memory_space<vmem>>, vector<16xf32>,
    } {sc.loop_unroll_factor = 1 : i64, sc.parallel_access}
    "tpu.region"() ({
      %run_scoped3A = tpu.sem_alloc : memref<!tpu.dma_semaphore, #tpu.memory_space<semaphore_mem>>
      %dma_start3A_84 = tpu.memref_slice %arg14[%mul3A_27] : memref<196608xf32, #tpu.memory_space<vmem_shared>> -> memref<12288xf32, #tpu.memory_space<vmem_shared>>
      %dma_start3A_85 = tpu.memref_slice %arg14[%mul3A_27] : memref<196608xf32, #tpu.memory_space<vmem_shared>> -> memref<12288xf32, #tpu.memory_space<vmem_shared>>
      tpu.enqueue_dma source(%arg11 : memref<12288xf32, #tpu.memory_space<vmem>>) target(%dma_start3A_85 : memref<12288xf32, #tpu.memory_space<vmem_shared>>) target_semaphore(%run_scoped3A : memref<!tpu.dma_semaphore, #tpu.memory_space<semaphore_mem>>)
      %dma_wait3A = tpu.memref_slice %arg14[%mul3A_27] : memref<196608xf32, #tpu.memory_space<vmem_shared>> -> memref<12288xf32, #tpu.memory_space<vmem_shared>>
      %dma_wait3A_86 = tpu.memref_slice %arg14[%mul3A_27] : memref<196608xf32, #tpu.memory_space<vmem_shared>> -> memref<12288xf32, #tpu.memory_space<vmem_shared>>
      tpu.wait_dma2 semaphore(%run_scoped3A : memref<!tpu.dma_semaphore, #tpu.memory_space<semaphore_mem>>) src(%arg11 : memref<12288xf32, #tpu.memory_space<vmem>>) dst(%dma_wait3A_86 : memref<12288xf32, #tpu.memory_space<vmem_shared>>)
      tpu.yield
    }) : () -> ()
    "tpu.region"() ({
      %run_scoped3A = tpu.sem_alloc : memref<!tpu.dma_semaphore, #tpu.memory_space<semaphore_mem>>
      %dma_start3A_84 = arith.constant 0 : i32
      %dma_start3A_85 = tpu.memref_slice %arg5[%add3A_23, %dma_start3A_84] : memref<16x12288xi32, #tpu.memory_space<hbm>> -> memref<1x12288xi32, #tpu.memory_space<hbm>>
      %dma_start3A_86 = tpu.memref_squeeze %dma_start3A_85 : memref<1x12288xi32, #tpu.memory_space<hbm>> -> memref<12288xi32, #tpu.memory_space<hbm>>
      %dma_start3A_87 = arith.constant 0 : i32
      %dma_start3A_88 = tpu.memref_slice %arg5[%add3A_23, %dma_start3A_87] : memref<16x12288xi32, #tpu.memory_space<hbm>> -> memref<1x12288xi32, #tpu.memory_space<hbm>>
      %dma_start3A_89 = tpu.memref_squeeze %dma_start3A_88 : memref<1x12288xi32, #tpu.memory_space<hbm>> -> memref<12288xi32, #tpu.memory_space<hbm>>
      tpu.enqueue_dma source(%dma_start3A_89 : memref<12288xi32, #tpu.memory_space<hbm>>) target(%arg7 : memref<12288xi32, #tpu.memory_space<vmem>>) target_semaphore(%run_scoped3A : memref<!tpu.dma_semaphore, #tpu.memory_space<semaphore_mem>>)
      %dma_wait3A = arith.constant 0 : i32
      %dma_wait3A_90 = tpu.memref_slice %arg5[%add3A_23, %dma_wait3A] : memref<16x12288xi32, #tpu.memory_space<hbm>> -> memref<1x12288xi32, #tpu.memory_space<hbm>>
      %dma_wait3A_91 = tpu.memref_squeeze %dma_wait3A_90 : memref<1x12288xi32, #tpu.memory_space<hbm>> -> memref<12288xi32, #tpu.memory_space<hbm>>
      %dma_wait3A_92 = arith.constant 0 : i32
      %dma_wait3A_93 = tpu.memref_slice %arg5[%add3A_23, %dma_wait3A_92] : memref<16x12288xi32, #tpu.memory_space<hbm>> -> memref<1x12288xi32, #tpu.memory_space<hbm>>
      %dma_wait3A_94 = tpu.memref_squeeze %dma_wait3A_93 : memref<1x12288xi32, #tpu.memory_space<hbm>> -> memref<12288xi32, #tpu.memory_space<hbm>>
      tpu.wait_dma2 semaphore(%run_scoped3A : memref<!tpu.dma_semaphore, #tpu.memory_space<semaphore_mem>>) src(%dma_wait3A_94 : memref<12288xi32, #tpu.memory_space<hbm>>) dst(%arg7 : memref<12288xi32, #tpu.memory_space<vmem>>)
      tpu.yield
    }) : () -> ()
    %parallel_loop3A_64 = arith.constant 0 : i32
    %parallel_loop3A_65 = arith.constant 768 : i32
    %parallel_loop3A_66 = arith.constant 1 : i32
    scf.for %parallel_loop3A_84 = %parallel_loop3A_64 to %parallel_loop3A_65 step %parallel_loop3A_66  : i32 {
      %parallel_loop3A_85 = arith.constant 16 : i32
      %parallel_loop3A_86 = arith.muli %parallel_loop3A_84, %parallel_loop3A_85 : i32
      %parallel_loop3A_87 = arith.index_cast %parallel_loop3A_86 : i32 to index
      %parallel_loop3A_88 = tpu.vector_load %arg7[%parallel_loop3A_87] {strides = array<i32>} : memref<12288xi32, #tpu.memory_space<vmem>>, vector<16xi32>,
      %parallel_loop3A_89 = arith.constant 4096 : i32
      %parallel_loop3A_90 = vector.broadcast %parallel_loop3A_89 : i32 to vector<16xi32>
      %parallel_loop3A_91 = arith.muli %parallel_loop3A_88, %parallel_loop3A_90 : vector<16xi32>
      %parallel_loop3A_92 = arith.constant 16 : i32
      %parallel_loop3A_93 = arith.muli %parallel_loop3A_84, %parallel_loop3A_92 : i32
      %parallel_loop3A_94 = arith.index_cast %parallel_loop3A_93 : i32 to index
      %parallel_loop3A_95 = tpu.vector_load %arg7[%parallel_loop3A_94] {strides = array<i32>} : memref<12288xi32, #tpu.memory_space<vmem>>, vector<16xi32>,
      tpu.vector_store %arg7[%parallel_loop3A_94], %parallel_loop3A_91 {strides = array<i32>} : memref<12288xi32, #tpu.memory_space<vmem>>, vector<16xi32>,
    } {sc.loop_unroll_factor = 1 : i64, sc.parallel_access}
    %scan3A = arith.constant 0 : i32
    %scan3A_67 = arith.constant 0 : i32
    %scan3A_68 = arith.constant 6 : i32
    %scan3A_69 = arith.addi %scan3A_67, %scan3A_68 : i32
    %scan3A_70 = arith.constant 1 : i32
    scf.for %scan3A_84 = %scan3A_67 to %scan3A_69 step %scan3A_70  : i32 {
      %rem3A_85 = arith.constant 2 : i32
      %rem3A_86 = arith.remsi %scan3A_84, %rem3A_85 : i32
      %mul3A_87 = arith.constant 8192 : i32
      %mul3A_88 = arith.muli %scan3A_84, %mul3A_87 : i32
      %add3A_89 = arith.addi %mul3A_25, %mul3A_88 : i32
      %dma_wait3A = arith.constant 0 : i32
      %dma_wait3A_90 = tpu.memref_slice %arg8[%rem3A_86, %dma_wait3A] : memref<2x8192xi32, #tpu.memory_space<vmem>> -> memref<1x8192xi32, #tpu.memory_space<vmem>>
      %dma_wait3A_91 = tpu.memref_squeeze %dma_wait3A_90 : memref<1x8192xi32, #tpu.memory_space<vmem>> -> memref<8192xi32, #tpu.memory_space<vmem>>
      %dma_wait3A_92 = tpu.memref_slice %arg2[%add3A_23, %add3A_89] : memref<16x196608xi32, #tpu.memory_space<hbm>> -> memref<1x8192xi32, #tpu.memory_space<hbm>>
      %dma_wait3A_93 = tpu.memref_squeeze %dma_wait3A_92 : memref<1x8192xi32, #tpu.memory_space<hbm>> -> memref<8192xi32, #tpu.memory_space<hbm>>
      %dma_wait3A_94 = arith.constant 0 : i32
      %dma_wait3A_95 = tpu.memref_slice %arg8[%rem3A_86, %dma_wait3A_94] : memref<2x8192xi32, #tpu.memory_space<vmem>> -> memref<1x8192xi32, #tpu.memory_space<vmem>>
      %dma_wait3A_96 = tpu.memref_squeeze %dma_wait3A_95 : memref<1x8192xi32, #tpu.memory_space<vmem>> -> memref<8192xi32, #tpu.memory_space<vmem>>
      %dma_wait3A_97 = tpu.memref_slice %arg2[%add3A_23, %add3A_89] : memref<16x196608xi32, #tpu.memory_space<hbm>> -> memref<1x8192xi32, #tpu.memory_space<hbm>>
      %dma_wait3A_98 = tpu.memref_squeeze %dma_wait3A_97 : memref<1x8192xi32, #tpu.memory_space<hbm>> -> memref<8192xi32, #tpu.memory_space<hbm>>
      tpu.wait_dma2 semaphore(%arg15 : memref<!tpu.dma_semaphore, #tpu.memory_space<semaphore_mem>>) src(%dma_wait3A_98 : memref<8192xi32, #tpu.memory_space<hbm>>) dst(%dma_wait3A_96 : memref<8192xi32, #tpu.memory_space<vmem>>)
      %dma_wait3A_99 = arith.constant 0 : i32
      %dma_wait3A_100 = tpu.memref_slice %arg9[%rem3A_86, %dma_wait3A_99] : memref<2x8192xi32, #tpu.memory_space<vmem>> -> memref<1x8192xi32, #tpu.memory_space<vmem>>
      %dma_wait3A_101 = tpu.memref_squeeze %dma_wait3A_100 : memref<1x8192xi32, #tpu.memory_space<vmem>> -> memref<8192xi32, #tpu.memory_space<vmem>>
      %dma_wait3A_102 = tpu.memref_slice %arg3[%add3A_23, %add3A_89] : memref<16x196608xi32, #tpu.memory_space<hbm>> -> memref<1x8192xi32, #tpu.memory_space<hbm>>
      %dma_wait3A_103 = tpu.memref_squeeze %dma_wait3A_102 : memref<1x8192xi32, #tpu.memory_space<hbm>> -> memref<8192xi32, #tpu.memory_space<hbm>>
      %dma_wait3A_104 = arith.constant 0 : i32
      %dma_wait3A_105 = tpu.memref_slice %arg9[%rem3A_86, %dma_wait3A_104] : memref<2x8192xi32, #tpu.memory_space<vmem>> -> memref<1x8192xi32, #tpu.memory_space<vmem>>
      %dma_wait3A_106 = tpu.memref_squeeze %dma_wait3A_105 : memref<1x8192xi32, #tpu.memory_space<vmem>> -> memref<8192xi32, #tpu.memory_space<vmem>>
      %dma_wait3A_107 = tpu.memref_slice %arg3[%add3A_23, %add3A_89] : memref<16x196608xi32, #tpu.memory_space<hbm>> -> memref<1x8192xi32, #tpu.memory_space<hbm>>
      %dma_wait3A_108 = tpu.memref_squeeze %dma_wait3A_107 : memref<1x8192xi32, #tpu.memory_space<hbm>> -> memref<8192xi32, #tpu.memory_space<hbm>>
      tpu.wait_dma2 semaphore(%arg15 : memref<!tpu.dma_semaphore, #tpu.memory_space<semaphore_mem>>) src(%dma_wait3A_108 : memref<8192xi32, #tpu.memory_space<hbm>>) dst(%dma_wait3A_106 : memref<8192xi32, #tpu.memory_space<vmem>>)
      %dma_wait3A_109 = arith.constant 0 : i32
      %dma_wait3A_110 = tpu.memref_slice %arg10[%rem3A_86, %dma_wait3A_109] : memref<2x8192xf32, #tpu.memory_space<vmem>> -> memref<1x8192xf32, #tpu.memory_space<vmem>>
      %dma_wait3A_111 = tpu.memref_squeeze %dma_wait3A_110 : memref<1x8192xf32, #tpu.memory_space<vmem>> -> memref<8192xf32, #tpu.memory_space<vmem>>
      %dma_wait3A_112 = tpu.memref_slice %arg4[%add3A_23, %add3A_89] : memref<16x196608xf32, #tpu.memory_space<hbm>> -> memref<1x8192xf32, #tpu.memory_space<hbm>>
      %dma_wait3A_113 = tpu.memref_squeeze %dma_wait3A_112 : memref<1x8192xf32, #tpu.memory_space<hbm>> -> memref<8192xf32, #tpu.memory_space<hbm>>
      %dma_wait3A_114 = arith.constant 0 : i32
      %dma_wait3A_115 = tpu.memref_slice %arg10[%rem3A_86, %dma_wait3A_114] : memref<2x8192xf32, #tpu.memory_space<vmem>> -> memref<1x8192xf32, #tpu.memory_space<vmem>>
      %dma_wait3A_116 = tpu.memref_squeeze %dma_wait3A_115 : memref<1x8192xf32, #tpu.memory_space<vmem>> -> memref<8192xf32, #tpu.memory_space<vmem>>
      %dma_wait3A_117 = tpu.memref_slice %arg4[%add3A_23, %add3A_89] : memref<16x196608xf32, #tpu.memory_space<hbm>> -> memref<1x8192xf32, #tpu.memory_space<hbm>>
      %dma_wait3A_118 = tpu.memref_squeeze %dma_wait3A_117 : memref<1x8192xf32, #tpu.memory_space<hbm>> -> memref<8192xf32, #tpu.memory_space<hbm>>
      tpu.wait_dma2 semaphore(%arg15 : memref<!tpu.dma_semaphore, #tpu.memory_space<semaphore_mem>>) src(%dma_wait3A_118 : memref<8192xf32, #tpu.memory_space<hbm>>) dst(%dma_wait3A_116 : memref<8192xf32, #tpu.memory_space<vmem>>)
      %gt3A = arith.constant 0 : i32
      %gt3A_119 = arith.cmpi sgt, %scan3A_84, %gt3A : i32
      %convert_element_type3A = arith.extui %gt3A_119 : i1 to i32
      %cond3A = arith.constant 0 : i32
      %cond3A_120 = arith.cmpi ne, %convert_element_type3A, %cond3A : i32
      scf.if %cond3A_120 {
        %sub3A_145 = arith.constant 1 : i32
        %sub3A_146 = arith.subi %sub3A_145, %rem3A_86 : i32
        %scan3A_147 = arith.constant 0 : i32
        %scan3A_148 = arith.constant 0 : i32
        %scan3A_149 = arith.constant 48 : i32
        %scan3A_150 = arith.addi %scan3A_148, %scan3A_149 : i32
        %scan3A_151 = arith.constant 1 : i32
        scf.for %scan3A_153 = %scan3A_148 to %scan3A_150 step %scan3A_151  : i32 {
          %mul3A_154 = arith.constant 128 : i32
          %mul3A_155 = arith.muli %scan3A_153, %mul3A_154 : i32
          %add3A_156 = arith.constant 2048 : i32
          %add3A_157 = arith.addi %add3A_156, %mul3A_155 : i32
          %mul3A_158 = arith.constant 48 : i32
          %mul3A_159 = arith.muli %sub3A_146, %mul3A_158 : i32
          %add3A_160 = arith.addi %mul3A_159, %scan3A_153 : i32
          %dma_wait3A_161 = tpu.memref_slice %arg10[%sub3A_146, %add3A_157] : memref<2x8192xf32, #tpu.memory_space<vmem>> -> memref<1x128xf32, #tpu.memory_space<vmem>>
          %dma_wait3A_162 = tpu.memref_squeeze %dma_wait3A_161 : memref<1x128xf32, #tpu.memory_space<vmem>> -> memref<128xf32, #tpu.memory_space<vmem>>
          %dma_wait3A_163 = arith.constant 0 : i32
          %dma_wait3A_164 = tpu.memref_slice %arg13[%add3A_160, %dma_wait3A_163] : memref<96x128xi32, #tpu.memory_space<vmem>> -> memref<1x128xi32, #tpu.memory_space<vmem>>
          %dma_wait3A_165 = tpu.memref_squeeze %dma_wait3A_164 : memref<1x128xi32, #tpu.memory_space<vmem>> -> memref<128xi32, #tpu.memory_space<vmem>>
          %dma_wait3A_166 = arith.constant 0 : i32
          %dma_wait3A_167 = tpu.memref_slice %arg14[%dma_wait3A_166] : memref<196608xf32, #tpu.memory_space<vmem_shared>> -> memref<196608xf32, #tpu.memory_space<vmem_shared>>
          tpu.wait_indirect_dma semaphore(%arg16 : memref<!tpu.dma_semaphore, #tpu.memory_space<semaphore_mem>>) src(%dma_wait3A_162 : memref<128xf32, #tpu.memory_space<vmem>>) dst(%dma_wait3A_167 : memref<196608xf32, #tpu.memory_space<vmem_shared>>)
        }
        %scan3A_152 = arith.constant 48 : i32
      } else {
      }
      %add3A_121 = arith.constant 1 : i32
      %add3A_122 = arith.addi %scan3A_84, %add3A_121 : i32
      %lt3A = arith.constant 6 : i32
      %lt3A_123 = arith.cmpi slt, %add3A_122, %lt3A : i32
      %convert_element_type3A_124 = arith.extui %lt3A_123 : i1 to i32
      %cond3A_125 = arith.constant 0 : i32
      %cond3A_126 = arith.cmpi ne, %convert_element_type3A_124, %cond3A_125 : i32
      scf.if %cond3A_126 {
        %add3A_145 = arith.constant 1 : i32
        %add3A_146 = arith.addi %scan3A_84, %add3A_145 : i32
        %sub3A_147 = arith.constant 1 : i32
        %sub3A_148 = arith.subi %sub3A_147, %rem3A_86 : i32
        %mul3A_149 = arith.constant 8192 : i32
        %mul3A_150 = arith.muli %add3A_146, %mul3A_149 : i32
        %add3A_151 = arith.addi %mul3A_25, %mul3A_150 : i32
        %dma_start3A_152 = arith.constant 0 : i32
        %dma_start3A_153 = tpu.memref_slice %arg8[%sub3A_148, %dma_start3A_152] : memref<2x8192xi32, #tpu.memory_space<vmem>> -> memref<1x8192xi32, #tpu.memory_space<vmem>>
        %dma_start3A_154 = tpu.memref_squeeze %dma_start3A_153 : memref<1x8192xi32, #tpu.memory_space<vmem>> -> memref<8192xi32, #tpu.memory_space<vmem>>
        %dma_start3A_155 = tpu.memref_slice %arg2[%add3A_23, %add3A_151] : memref<16x196608xi32, #tpu.memory_space<hbm>> -> memref<1x8192xi32, #tpu.memory_space<hbm>>
        %dma_start3A_156 = tpu.memref_squeeze %dma_start3A_155 : memref<1x8192xi32, #tpu.memory_space<hbm>> -> memref<8192xi32, #tpu.memory_space<hbm>>
        %dma_start3A_157 = arith.constant 0 : i32
        %dma_start3A_158 = tpu.memref_slice %arg8[%sub3A_148, %dma_start3A_157] : memref<2x8192xi32, #tpu.memory_space<vmem>> -> memref<1x8192xi32, #tpu.memory_space<vmem>>
        %dma_start3A_159 = tpu.memref_squeeze %dma_start3A_158 : memref<1x8192xi32, #tpu.memory_space<vmem>> -> memref<8192xi32, #tpu.memory_space<vmem>>
        %dma_start3A_160 = tpu.memref_slice %arg2[%add3A_23, %add3A_151] : memref<16x196608xi32, #tpu.memory_space<hbm>> -> memref<1x8192xi32, #tpu.memory_space<hbm>>
        %dma_start3A_161 = tpu.memref_squeeze %dma_start3A_160 : memref<1x8192xi32, #tpu.memory_space<hbm>> -> memref<8192xi32, #tpu.memory_space<hbm>>
        tpu.enqueue_dma source(%dma_start3A_161 : memref<8192xi32, #tpu.memory_space<hbm>>) target(%dma_start3A_159 : memref<8192xi32, #tpu.memory_space<vmem>>) target_semaphore(%arg15 : memref<!tpu.dma_semaphore, #tpu.memory_space<semaphore_mem>>)
        %dma_start3A_162 = arith.constant 0 : i32
        %dma_start3A_163 = tpu.memref_slice %arg9[%sub3A_148, %dma_start3A_162] : memref<2x8192xi32, #tpu.memory_space<vmem>> -> memref<1x8192xi32, #tpu.memory_space<vmem>>
        %dma_start3A_164 = tpu.memref_squeeze %dma_start3A_163 : memref<1x8192xi32, #tpu.memory_space<vmem>> -> memref<8192xi32, #tpu.memory_space<vmem>>
        %dma_start3A_165 = tpu.memref_slice %arg3[%add3A_23, %add3A_151] : memref<16x196608xi32, #tpu.memory_space<hbm>> -> memref<1x8192xi32, #tpu.memory_space<hbm>>
        %dma_start3A_166 = tpu.memref_squeeze %dma_start3A_165 : memref<1x8192xi32, #tpu.memory_space<hbm>> -> memref<8192xi32, #tpu.memory_space<hbm>>
        %dma_start3A_167 = arith.constant 0 : i32
        %dma_start3A_168 = tpu.memref_slice %arg9[%sub3A_148, %dma_start3A_167] : memref<2x8192xi32, #tpu.memory_space<vmem>> -> memref<1x8192xi32, #tpu.memory_space<vmem>>
        %dma_start3A_169 = tpu.memref_squeeze %dma_start3A_168 : memref<1x8192xi32, #tpu.memory_space<vmem>> -> memref<8192xi32, #tpu.memory_space<vmem>>
        %dma_start3A_170 = tpu.memref_slice %arg3[%add3A_23, %add3A_151] : memref<16x196608xi32, #tpu.memory_space<hbm>> -> memref<1x8192xi32, #tpu.memory_space<hbm>>
        %dma_start3A_171 = tpu.memref_squeeze %dma_start3A_170 : memref<1x8192xi32, #tpu.memory_space<hbm>> -> memref<8192xi32, #tpu.memory_space<hbm>>
        tpu.enqueue_dma source(%dma_start3A_171 : memref<8192xi32, #tpu.memory_space<hbm>>) target(%dma_start3A_169 : memref<8192xi32, #tpu.memory_space<vmem>>) target_semaphore(%arg15 : memref<!tpu.dma_semaphore, #tpu.memory_space<semaphore_mem>>)
        %dma_start3A_172 = arith.constant 0 : i32
        %dma_start3A_173 = tpu.memref_slice %arg10[%sub3A_148, %dma_start3A_172] : memref<2x8192xf32, #tpu.memory_space<vmem>> -> memref<1x8192xf32, #tpu.memory_space<vmem>>
        %dma_start3A_174 = tpu.memref_squeeze %dma_start3A_173 : memref<1x8192xf32, #tpu.memory_space<vmem>> -> memref<8192xf32, #tpu.memory_space<vmem>>
        %dma_start3A_175 = tpu.memref_slice %arg4[%add3A_23, %add3A_151] : memref<16x196608xf32, #tpu.memory_space<hbm>> -> memref<1x8192xf32, #tpu.memory_space<hbm>>
        %dma_start3A_176 = tpu.memref_squeeze %dma_start3A_175 : memref<1x8192xf32, #tpu.memory_space<hbm>> -> memref<8192xf32, #tpu.memory_space<hbm>>
        %dma_start3A_177 = arith.constant 0 : i32
        %dma_start3A_178 = tpu.memref_slice %arg10[%sub3A_148, %dma_start3A_177] : memref<2x8192xf32, #tpu.memory_space<vmem>> -> memref<1x8192xf32, #tpu.memory_space<vmem>>
        %dma_start3A_179 = tpu.memref_squeeze %dma_start3A_178 : memref<1x8192xf32, #tpu.memory_space<vmem>> -> memref<8192xf32, #tpu.memory_space<vmem>>
        %dma_start3A_180 = tpu.memref_slice %arg4[%add3A_23, %add3A_151] : memref<16x196608xf32, #tpu.memory_space<hbm>> -> memref<1x8192xf32, #tpu.memory_space<hbm>>
        %dma_start3A_181 = tpu.memref_squeeze %dma_start3A_180 : memref<1x8192xf32, #tpu.memory_space<hbm>> -> memref<8192xf32, #tpu.memory_space<hbm>>
        tpu.enqueue_dma source(%dma_start3A_181 : memref<8192xf32, #tpu.memory_space<hbm>>) target(%dma_start3A_179 : memref<8192xf32, #tpu.memory_space<vmem>>) target_semaphore(%arg15 : memref<!tpu.dma_semaphore, #tpu.memory_space<semaphore_mem>>)
      } else {
      }
      %scan3A_127 = arith.constant 0 : i32
      %scan3A_128 = arith.constant 0 : i32
      %scan3A_129 = arith.constant 48 : i32
      %scan3A_130 = arith.addi %scan3A_128, %scan3A_129 : i32
      %scan3A_131 = arith.constant 1 : i32
      scf.for %scan3A_145 = %scan3A_128 to %scan3A_130 step %scan3A_131  : i32 {
        %mul3A_146 = arith.constant 128 : i32
        %mul3A_147 = arith.muli %scan3A_145, %mul3A_146 : i32
        %add3A_148 = arith.constant 2048 : i32
        %add3A_149 = arith.addi %add3A_148, %mul3A_147 : i32
        %add3A_150 = arith.constant 0 : i32
        %add3A_151 = arith.addi %add3A_149, %add3A_150 : i32
        %get3A = arith.index_cast %rem3A_86 : i32 to index
        %get3A_152 = arith.index_cast %add3A_151 : i32 to index
        %get3A_153 = tpu.vector_load %arg8[%get3A, %get3A_152] {strides = array<i32>} : memref<2x8192xi32, #tpu.memory_space<vmem>>, vector<16xi32>,
        %get3A_154 = arith.index_cast %rem3A_86 : i32 to index
        %get3A_155 = arith.index_cast %add3A_151 : i32 to index
        %get3A_156 = tpu.vector_load %arg9[%get3A_154, %get3A_155] {strides = array<i32>} : memref<2x8192xi32, #tpu.memory_space<vmem>>, vector<16xi32>,
        %gather3A = tpu.vector_load_idx %arg7[%get3A_153] : memref<12288xi32, #tpu.memory_space<vmem>>[vector<16xi32>], vector<16xi32>,
        %add3A_157 = vector.broadcast %mul3A_27 : i32 to vector<16xi32>
        %add3A_158 = arith.addi %add3A_157, %gather3A : vector<16xi32>
        %add3A_159 = arith.addi %add3A_158, %get3A_156 : vector<16xi32>
        %mul3A_160 = arith.constant 48 : i32
        %mul3A_161 = arith.muli %rem3A_86, %mul3A_160 : i32
        %add3A_162 = arith.addi %mul3A_161, %scan3A_145 : i32
        %swap3A = arith.index_cast %add3A_162 : i32 to index
        %swap3A_163 = arith.constant 0 : index
        %swap3A_164 = tpu.vector_load %arg13[%swap3A, %swap3A_163] {strides = array<i32>} : memref<96x128xi32, #tpu.memory_space<vmem>>, vector<16xi32>,
        tpu.vector_store %arg13[%swap3A, %swap3A_163], %add3A_159 {strides = array<i32>} : memref<96x128xi32, #tpu.memory_space<vmem>>, vector<16xi32>,
        %mul3A_165 = arith.constant 128 : i32
        %mul3A_166 = arith.muli %scan3A_145, %mul3A_165 : i32
        %add3A_167 = arith.constant 2048 : i32
        %add3A_168 = arith.addi %add3A_167, %mul3A_166 : i32
        %add3A_169 = arith.constant 16 : i32
        %add3A_170 = arith.addi %add3A_168, %add3A_169 : i32
        %get3A_171 = arith.index_cast %rem3A_86 : i32 to index
        %get3A_172 = arith.index_cast %add3A_170 : i32 to index
        %get3A_173 = tpu.vector_load %arg8[%get3A_171, %get3A_172] {strides = array<i32>} : memref<2x8192xi32, #tpu.memory_space<vmem>>, vector<16xi32>,
        %get3A_174 = arith.index_cast %rem3A_86 : i32 to index
        %get3A_175 = arith.index_cast %add3A_170 : i32 to index
        %get3A_176 = tpu.vector_load %arg9[%get3A_174, %get3A_175] {strides = array<i32>} : memref<2x8192xi32, #tpu.memory_space<vmem>>, vector<16xi32>,
        %gather3A_177 = tpu.vector_load_idx %arg7[%get3A_173] : memref<12288xi32, #tpu.memory_space<vmem>>[vector<16xi32>], vector<16xi32>,
        %add3A_178 = vector.broadcast %mul3A_27 : i32 to vector<16xi32>
        %add3A_179 = arith.addi %add3A_178, %gather3A_177 : vector<16xi32>
        %add3A_180 = arith.addi %add3A_179, %get3A_176 : vector<16xi32>
        %mul3A_181 = arith.constant 48 : i32
        %mul3A_182 = arith.muli %rem3A_86, %mul3A_181 : i32
        %add3A_183 = arith.addi %mul3A_182, %scan3A_145 : i32
        %swap3A_184 = arith.index_cast %add3A_183 : i32 to index
        %swap3A_185 = arith.constant 16 : index
        %swap3A_186 = tpu.vector_load %arg13[%swap3A_184, %swap3A_185] {strides = array<i32>} : memref<96x128xi32, #tpu.memory_space<vmem>>, vector<16xi32>,
        tpu.vector_store %arg13[%swap3A_184, %swap3A_185], %add3A_180 {strides = array<i32>} : memref<96x128xi32, #tpu.memory_space<vmem>>, vector<16xi32>,
        %mul3A_187 = arith.constant 128 : i32
        %mul3A_188 = arith.muli %scan3A_145, %mul3A_187 : i32
        %add3A_189 = arith.constant 2048 : i32
        %add3A_190 = arith.addi %add3A_189, %mul3A_188 : i32
        %add3A_191 = arith.constant 32 : i32
        %add3A_192 = arith.addi %add3A_190, %add3A_191 : i32
        %get3A_193 = arith.index_cast %rem3A_86 : i32 to index
        %get3A_194 = arith.index_cast %add3A_192 : i32 to index
        %get3A_195 = tpu.vector_load %arg8[%get3A_193, %get3A_194] {strides = array<i32>} : memref<2x8192xi32, #tpu.memory_space<vmem>>, vector<16xi32>,
        %get3A_196 = arith.index_cast %rem3A_86 : i32 to index
        %get3A_197 = arith.index_cast %add3A_192 : i32 to index
        %get3A_198 = tpu.vector_load %arg9[%get3A_196, %get3A_197] {strides = array<i32>} : memref<2x8192xi32, #tpu.memory_space<vmem>>, vector<16xi32>,
        %gather3A_199 = tpu.vector_load_idx %arg7[%get3A_195] : memref<12288xi32, #tpu.memory_space<vmem>>[vector<16xi32>], vector<16xi32>,
        %add3A_200 = vector.broadcast %mul3A_27 : i32 to vector<16xi32>
        %add3A_201 = arith.addi %add3A_200, %gather3A_199 : vector<16xi32>
        %add3A_202 = arith.addi %add3A_201, %get3A_198 : vector<16xi32>
        %mul3A_203 = arith.constant 48 : i32
        %mul3A_204 = arith.muli %rem3A_86, %mul3A_203 : i32
        %add3A_205 = arith.addi %mul3A_204, %scan3A_145 : i32
        %swap3A_206 = arith.index_cast %add3A_205 : i32 to index
        %swap3A_207 = arith.constant 32 : index
        %swap3A_208 = tpu.vector_load %arg13[%swap3A_206, %swap3A_207] {strides = array<i32>} : memref<96x128xi32, #tpu.memory_space<vmem>>, vector<16xi32>,
        tpu.vector_store %arg13[%swap3A_206, %swap3A_207], %add3A_202 {strides = array<i32>} : memref<96x128xi32, #tpu.memory_space<vmem>>, vector<16xi32>,
        %mul3A_209 = arith.constant 128 : i32
        %mul3A_210 = arith.muli %scan3A_145, %mul3A_209 : i32
        %add3A_211 = arith.constant 2048 : i32
        %add3A_212 = arith.addi %add3A_211, %mul3A_210 : i32
        %add3A_213 = arith.constant 48 : i32
        %add3A_214 = arith.addi %add3A_212, %add3A_213 : i32
        %get3A_215 = arith.index_cast %rem3A_86 : i32 to index
        %get3A_216 = arith.index_cast %add3A_214 : i32 to index
        %get3A_217 = tpu.vector_load %arg8[%get3A_215, %get3A_216] {strides = array<i32>} : memref<2x8192xi32, #tpu.memory_space<vmem>>, vector<16xi32>,
        %get3A_218 = arith.index_cast %rem3A_86 : i32 to index
        %get3A_219 = arith.index_cast %add3A_214 : i32 to index
        %get3A_220 = tpu.vector_load %arg9[%get3A_218, %get3A_219] {strides = array<i32>} : memref<2x8192xi32, #tpu.memory_space<vmem>>, vector<16xi32>,
        %gather3A_221 = tpu.vector_load_idx %arg7[%get3A_217] : memref<12288xi32, #tpu.memory_space<vmem>>[vector<16xi32>], vector<16xi32>,
        %add3A_222 = vector.broadcast %mul3A_27 : i32 to vector<16xi32>
        %add3A_223 = arith.addi %add3A_222, %gather3A_221 : vector<16xi32>
        %add3A_224 = arith.addi %add3A_223, %get3A_220 : vector<16xi32>
        %mul3A_225 = arith.constant 48 : i32
        %mul3A_226 = arith.muli %rem3A_86, %mul3A_225 : i32
        %add3A_227 = arith.addi %mul3A_226, %scan3A_145 : i32
        %swap3A_228 = arith.index_cast %add3A_227 : i32 to index
        %swap3A_229 = arith.constant 48 : index
        %swap3A_230 = tpu.vector_load %arg13[%swap3A_228, %swap3A_229] {strides = array<i32>} : memref<96x128xi32, #tpu.memory_space<vmem>>, vector<16xi32>,
        tpu.vector_store %arg13[%swap3A_228, %swap3A_229], %add3A_224 {strides = array<i32>} : memref<96x128xi32, #tpu.memory_space<vmem>>, vector<16xi32>,
        %mul3A_231 = arith.constant 128 : i32
        %mul3A_232 = arith.muli %scan3A_145, %mul3A_231 : i32
        %add3A_233 = arith.constant 2048 : i32
        %add3A_234 = arith.addi %add3A_233, %mul3A_232 : i32
        %add3A_235 = arith.constant 64 : i32
        %add3A_236 = arith.addi %add3A_234, %add3A_235 : i32
        %get3A_237 = arith.index_cast %rem3A_86 : i32 to index
        %get3A_238 = arith.index_cast %add3A_236 : i32 to index
        %get3A_239 = tpu.vector_load %arg8[%get3A_237, %get3A_238] {strides = array<i32>} : memref<2x8192xi32, #tpu.memory_space<vmem>>, vector<16xi32>,
        %get3A_240 = arith.index_cast %rem3A_86 : i32 to index
        %get3A_241 = arith.index_cast %add3A_236 : i32 to index
        %get3A_242 = tpu.vector_load %arg9[%get3A_240, %get3A_241] {strides = array<i32>} : memref<2x8192xi32, #tpu.memory_space<vmem>>, vector<16xi32>,
        %gather3A_243 = tpu.vector_load_idx %arg7[%get3A_239] : memref<12288xi32, #tpu.memory_space<vmem>>[vector<16xi32>], vector<16xi32>,
        %add3A_244 = vector.broadcast %mul3A_27 : i32 to vector<16xi32>
        %add3A_245 = arith.addi %add3A_244, %gather3A_243 : vector<16xi32>
        %add3A_246 = arith.addi %add3A_245, %get3A_242 : vector<16xi32>
        %mul3A_247 = arith.constant 48 : i32
        %mul3A_248 = arith.muli %rem3A_86, %mul3A_247 : i32
        %add3A_249 = arith.addi %mul3A_248, %scan3A_145 : i32
        %swap3A_250 = arith.index_cast %add3A_249 : i32 to index
        %swap3A_251 = arith.constant 64 : index
        %swap3A_252 = tpu.vector_load %arg13[%swap3A_250, %swap3A_251] {strides = array<i32>} : memref<96x128xi32, #tpu.memory_space<vmem>>, vector<16xi32>,
        tpu.vector_store %arg13[%swap3A_250, %swap3A_251], %add3A_246 {strides = array<i32>} : memref<96x128xi32, #tpu.memory_space<vmem>>, vector<16xi32>,
        %mul3A_253 = arith.constant 128 : i32
        %mul3A_254 = arith.muli %scan3A_145, %mul3A_253 : i32
        %add3A_255 = arith.constant 2048 : i32
        %add3A_256 = arith.addi %add3A_255, %mul3A_254 : i32
        %add3A_257 = arith.constant 80 : i32
        %add3A_258 = arith.addi %add3A_256, %add3A_257 : i32
        %get3A_259 = arith.index_cast %rem3A_86 : i32 to index
        %get3A_260 = arith.index_cast %add3A_258 : i32 to index
        %get3A_261 = tpu.vector_load %arg8[%get3A_259, %get3A_260] {strides = array<i32>} : memref<2x8192xi32, #tpu.memory_space<vmem>>, vector<16xi32>,
        %get3A_262 = arith.index_cast %rem3A_86 : i32 to index
        %get3A_263 = arith.index_cast %add3A_258 : i32 to index
        %get3A_264 = tpu.vector_load %arg9[%get3A_262, %get3A_263] {strides = array<i32>} : memref<2x8192xi32, #tpu.memory_space<vmem>>, vector<16xi32>,
        %gather3A_265 = tpu.vector_load_idx %arg7[%get3A_261] : memref<12288xi32, #tpu.memory_space<vmem>>[vector<16xi32>], vector<16xi32>,
        %add3A_266 = vector.broadcast %mul3A_27 : i32 to vector<16xi32>
        %add3A_267 = arith.addi %add3A_266, %gather3A_265 : vector<16xi32>
        %add3A_268 = arith.addi %add3A_267, %get3A_264 : vector<16xi32>
        %mul3A_269 = arith.constant 48 : i32
        %mul3A_270 = arith.muli %rem3A_86, %mul3A_269 : i32
        %add3A_271 = arith.addi %mul3A_270, %scan3A_145 : i32
        %swap3A_272 = arith.index_cast %add3A_271 : i32 to index
        %swap3A_273 = arith.constant 80 : index
        %swap3A_274 = tpu.vector_load %arg13[%swap3A_272, %swap3A_273] {strides = array<i32>} : memref<96x128xi32, #tpu.memory_space<vmem>>, vector<16xi32>,
        tpu.vector_store %arg13[%swap3A_272, %swap3A_273], %add3A_268 {strides = array<i32>} : memref<96x128xi32, #tpu.memory_space<vmem>>, vector<16xi32>,
        %mul3A_275 = arith.constant 128 : i32
        %mul3A_276 = arith.muli %scan3A_145, %mul3A_275 : i32
        %add3A_277 = arith.constant 2048 : i32
        %add3A_278 = arith.addi %add3A_277, %mul3A_276 : i32
        %add3A_279 = arith.constant 96 : i32
        %add3A_280 = arith.addi %add3A_278, %add3A_279 : i32
        %get3A_281 = arith.index_cast %rem3A_86 : i32 to index
        %get3A_282 = arith.index_cast %add3A_280 : i32 to index
        %get3A_283 = tpu.vector_load %arg8[%get3A_281, %get3A_282] {strides = array<i32>} : memref<2x8192xi32, #tpu.memory_space<vmem>>, vector<16xi32>,
        %get3A_284 = arith.index_cast %rem3A_86 : i32 to index
        %get3A_285 = arith.index_cast %add3A_280 : i32 to index
        %get3A_286 = tpu.vector_load %arg9[%get3A_284, %get3A_285] {strides = array<i32>} : memref<2x8192xi32, #tpu.memory_space<vmem>>, vector<16xi32>,
        %gather3A_287 = tpu.vector_load_idx %arg7[%get3A_283] : memref<12288xi32, #tpu.memory_space<vmem>>[vector<16xi32>], vector<16xi32>,
        %add3A_288 = vector.broadcast %mul3A_27 : i32 to vector<16xi32>
        %add3A_289 = arith.addi %add3A_288, %gather3A_287 : vector<16xi32>
        %add3A_290 = arith.addi %add3A_289, %get3A_286 : vector<16xi32>
        %mul3A_291 = arith.constant 48 : i32
        %mul3A_292 = arith.muli %rem3A_86, %mul3A_291 : i32
        %add3A_293 = arith.addi %mul3A_292, %scan3A_145 : i32
        %swap3A_294 = arith.index_cast %add3A_293 : i32 to index
        %swap3A_295 = arith.constant 96 : index
        %swap3A_296 = tpu.vector_load %arg13[%swap3A_294, %swap3A_295] {strides = array<i32>} : memref<96x128xi32, #tpu.memory_space<vmem>>, vector<16xi32>,
        tpu.vector_store %arg13[%swap3A_294, %swap3A_295], %add3A_290 {strides = array<i32>} : memref<96x128xi32, #tpu.memory_space<vmem>>, vector<16xi32>,
        %mul3A_297 = arith.constant 128 : i32
        %mul3A_298 = arith.muli %scan3A_145, %mul3A_297 : i32
        %add3A_299 = arith.constant 2048 : i32
        %add3A_300 = arith.addi %add3A_299, %mul3A_298 : i32
        %add3A_301 = arith.constant 112 : i32
        %add3A_302 = arith.addi %add3A_300, %add3A_301 : i32
        %get3A_303 = arith.index_cast %rem3A_86 : i32 to index
        %get3A_304 = arith.index_cast %add3A_302 : i32 to index
        %get3A_305 = tpu.vector_load %arg8[%get3A_303, %get3A_304] {strides = array<i32>} : memref<2x8192xi32, #tpu.memory_space<vmem>>, vector<16xi32>,
        %get3A_306 = arith.index_cast %rem3A_86 : i32 to index
        %get3A_307 = arith.index_cast %add3A_302 : i32 to index
        %get3A_308 = tpu.vector_load %arg9[%get3A_306, %get3A_307] {strides = array<i32>} : memref<2x8192xi32, #tpu.memory_space<vmem>>, vector<16xi32>,
        %gather3A_309 = tpu.vector_load_idx %arg7[%get3A_305] : memref<12288xi32, #tpu.memory_space<vmem>>[vector<16xi32>], vector<16xi32>,
        %add3A_310 = vector.broadcast %mul3A_27 : i32 to vector<16xi32>
        %add3A_311 = arith.addi %add3A_310, %gather3A_309 : vector<16xi32>
        %add3A_312 = arith.addi %add3A_311, %get3A_308 : vector<16xi32>
        %mul3A_313 = arith.constant 48 : i32
        %mul3A_314 = arith.muli %rem3A_86, %mul3A_313 : i32
        %add3A_315 = arith.addi %mul3A_314, %scan3A_145 : i32
        %swap3A_316 = arith.index_cast %add3A_315 : i32 to index
        %swap3A_317 = arith.constant 112 : index
        %swap3A_318 = tpu.vector_load %arg13[%swap3A_316, %swap3A_317] {strides = array<i32>} : memref<96x128xi32, #tpu.memory_space<vmem>>, vector<16xi32>,
        tpu.vector_store %arg13[%swap3A_316, %swap3A_317], %add3A_312 {strides = array<i32>} : memref<96x128xi32, #tpu.memory_space<vmem>>, vector<16xi32>,
      }
      %scan3A_132 = arith.constant 48 : i32
      %scan3A_133 = arith.constant 0 : i32
      %scan3A_134 = arith.constant 0 : i32
      %scan3A_135 = arith.constant 48 : i32
      %scan3A_136 = arith.addi %scan3A_134, %scan3A_135 : i32
      %scan3A_137 = arith.constant 1 : i32
      scf.for %scan3A_145 = %scan3A_134 to %scan3A_136 step %scan3A_137  : i32 {
        %mul3A_146 = arith.constant 128 : i32
        %mul3A_147 = arith.muli %scan3A_145, %mul3A_146 : i32
        %add3A_148 = arith.constant 2048 : i32
        %add3A_149 = arith.addi %add3A_148, %mul3A_147 : i32
        %mul3A_150 = arith.constant 48 : i32
        %mul3A_151 = arith.muli %rem3A_86, %mul3A_150 : i32
        %add3A_152 = arith.addi %mul3A_151, %scan3A_145 : i32
        %dma_start3A_153 = tpu.memref_slice %arg10[%rem3A_86, %add3A_149] : memref<2x8192xf32, #tpu.memory_space<vmem>> -> memref<1x128xf32, #tpu.memory_space<vmem>>
        %dma_start3A_154 = tpu.memref_squeeze %dma_start3A_153 : memref<1x128xf32, #tpu.memory_space<vmem>> -> memref<128xf32, #tpu.memory_space<vmem>>
        %dma_start3A_155 = arith.constant 0 : i32
        %dma_start3A_156 = tpu.memref_slice %arg13[%add3A_152, %dma_start3A_155] : memref<96x128xi32, #tpu.memory_space<vmem>> -> memref<1x128xi32, #tpu.memory_space<vmem>>
        %dma_start3A_157 = tpu.memref_squeeze %dma_start3A_156 : memref<1x128xi32, #tpu.memory_space<vmem>> -> memref<128xi32, #tpu.memory_space<vmem>>
        %dma_start3A_158 = arith.constant 0 : i32
        %dma_start3A_159 = tpu.memref_slice %arg14[%dma_start3A_158] : memref<196608xf32, #tpu.memory_space<vmem_shared>> -> memref<196608xf32, #tpu.memory_space<vmem_shared>>
        tpu.enqueue_indirect_dma source(%dma_start3A_154 : memref<128xf32, #tpu.memory_space<vmem>>) target(%dma_start3A_159 : memref<196608xf32, #tpu.memory_space<vmem_shared>>) offsets(%dma_start3A_157 : memref<128xi32, #tpu.memory_space<vmem>>) semaphore(%arg16 : memref<!tpu.dma_semaphore, #tpu.memory_space<semaphore_mem>>) {add = true}
      }
      %scan3A_138 = arith.constant 48 : i32
      %scan3A_139 = arith.constant 0 : i32
      %scan3A_140 = arith.constant 0 : i32
      %scan3A_141 = arith.constant 8 : i32
      %scan3A_142 = arith.addi %scan3A_140, %scan3A_141 : i32
      %scan3A_143 = arith.constant 1 : i32
      scf.for %scan3A_145 = %scan3A_140 to %scan3A_142 step %scan3A_143  : i32 {
        %mul3A_146 = arith.constant 256 : i32
        %mul3A_147 = arith.muli %scan3A_145, %mul3A_146 : i32
        %add3A_148 = arith.constant 0 : i32
        %add3A_149 = arith.addi %mul3A_147, %add3A_148 : i32
        %get3A = arith.index_cast %rem3A_86 : i32 to index
        %get3A_150 = arith.index_cast %add3A_149 : i32 to index
        %get3A_151 = tpu.vector_load %arg8[%get3A, %get3A_150] {strides = array<i32>} : memref<2x8192xi32, #tpu.memory_space<vmem>>, vector<16xi32>,
        %get3A_152 = arith.index_cast %rem3A_86 : i32 to index
        %get3A_153 = arith.index_cast %add3A_149 : i32 to index
        %get3A_154 = tpu.vector_load %arg9[%get3A_152, %get3A_153] {strides = array<i32>} : memref<2x8192xi32, #tpu.memory_space<vmem>>, vector<16xi32>,
        %get3A_155 = arith.index_cast %rem3A_86 : i32 to index
        %get3A_156 = arith.index_cast %add3A_149 : i32 to index
        %get3A_157 = tpu.vector_load %arg10[%get3A_155, %get3A_156] {strides = array<i32>} : memref<2x8192xf32, #tpu.memory_space<vmem>>, vector<16xf32>,
        %gather3A = tpu.vector_load_idx %arg7[%get3A_151] : memref<12288xi32, #tpu.memory_space<vmem>>[vector<16xi32>], vector<16xi32>,
        %add3A_158 = arith.addi %gather3A, %get3A_154 : vector<16xi32>
        tpu.vector_store_idx %arg11[%add3A_158], %get3A_157 {add = true} : memref<12288xf32, #tpu.memory_space<vmem>>[vector<16xi32>], vector<16xf32>,
        %mul3A_159 = arith.constant 256 : i32
        %mul3A_160 = arith.muli %scan3A_145, %mul3A_159 : i32
        %add3A_161 = arith.constant 16 : i32
        %add3A_162 = arith.addi %mul3A_160, %add3A_161 : i32
        %get3A_163 = arith.index_cast %rem3A_86 : i32 to index
        %get3A_164 = arith.index_cast %add3A_162 : i32 to index
        %get3A_165 = tpu.vector_load %arg8[%get3A_163, %get3A_164] {strides = array<i32>} : memref<2x8192xi32, #tpu.memory_space<vmem>>, vector<16xi32>,
        %get3A_166 = arith.index_cast %rem3A_86 : i32 to index
        %get3A_167 = arith.index_cast %add3A_162 : i32 to index
        %get3A_168 = tpu.vector_load %arg9[%get3A_166, %get3A_167] {strides = array<i32>} : memref<2x8192xi32, #tpu.memory_space<vmem>>, vector<16xi32>,
        %get3A_169 = arith.index_cast %rem3A_86 : i32 to index
        %get3A_170 = arith.index_cast %add3A_162 : i32 to index
        %get3A_171 = tpu.vector_load %arg10[%get3A_169, %get3A_170] {strides = array<i32>} : memref<2x8192xf32, #tpu.memory_space<vmem>>, vector<16xf32>,
        %gather3A_172 = tpu.vector_load_idx %arg7[%get3A_165] : memref<12288xi32, #tpu.memory_space<vmem>>[vector<16xi32>], vector<16xi32>,
        %add3A_173 = arith.addi %gather3A_172, %get3A_168 : vector<16xi32>
        tpu.vector_store_idx %arg11[%add3A_173], %get3A_171 {add = true} : memref<12288xf32, #tpu.memory_space<vmem>>[vector<16xi32>], vector<16xf32>,
        %mul3A_174 = arith.constant 256 : i32
        %mul3A_175 = arith.muli %scan3A_145, %mul3A_174 : i32
        %add3A_176 = arith.constant 32 : i32
        %add3A_177 = arith.addi %mul3A_175, %add3A_176 : i32
        %get3A_178 = arith.index_cast %rem3A_86 : i32 to index
        %get3A_179 = arith.index_cast %add3A_177 : i32 to index
        %get3A_180 = tpu.vector_load %arg8[%get3A_178, %get3A_179] {strides = array<i32>} : memref<2x8192xi32, #tpu.memory_space<vmem>>, vector<16xi32>,
        %get3A_181 = arith.index_cast %rem3A_86 : i32 to index
        %get3A_182 = arith.index_cast %add3A_177 : i32 to index
        %get3A_183 = tpu.vector_load %arg9[%get3A_181, %get3A_182] {strides = array<i32>} : memref<2x8192xi32, #tpu.memory_space<vmem>>, vector<16xi32>,
        %get3A_184 = arith.index_cast %rem3A_86 : i32 to index
        %get3A_185 = arith.index_cast %add3A_177 : i32 to index
        %get3A_186 = tpu.vector_load %arg10[%get3A_184, %get3A_185] {strides = array<i32>} : memref<2x8192xf32, #tpu.memory_space<vmem>>, vector<16xf32>,
        %gather3A_187 = tpu.vector_load_idx %arg7[%get3A_180] : memref<12288xi32, #tpu.memory_space<vmem>>[vector<16xi32>], vector<16xi32>,
        %add3A_188 = arith.addi %gather3A_187, %get3A_183 : vector<16xi32>
        tpu.vector_store_idx %arg11[%add3A_188], %get3A_186 {add = true} : memref<12288xf32, #tpu.memory_space<vmem>>[vector<16xi32>], vector<16xf32>,
        %mul3A_189 = arith.constant 256 : i32
        %mul3A_190 = arith.muli %scan3A_145, %mul3A_189 : i32
        %add3A_191 = arith.constant 48 : i32
        %add3A_192 = arith.addi %mul3A_190, %add3A_191 : i32
        %get3A_193 = arith.index_cast %rem3A_86 : i32 to index
        %get3A_194 = arith.index_cast %add3A_192 : i32 to index
        %get3A_195 = tpu.vector_load %arg8[%get3A_193, %get3A_194] {strides = array<i32>} : memref<2x8192xi32, #tpu.memory_space<vmem>>, vector<16xi32>,
        %get3A_196 = arith.index_cast %rem3A_86 : i32 to index
        %get3A_197 = arith.index_cast %add3A_192 : i32 to index
        %get3A_198 = tpu.vector_load %arg9[%get3A_196, %get3A_197] {strides = array<i32>} : memref<2x8192xi32, #tpu.memory_space<vmem>>, vector<16xi32>,
        %get3A_199 = arith.index_cast %rem3A_86 : i32 to index
        %get3A_200 = arith.index_cast %add3A_192 : i32 to index
        %get3A_201 = tpu.vector_load %arg10[%get3A_199, %get3A_200] {strides = array<i32>} : memref<2x8192xf32, #tpu.memory_space<vmem>>, vector<16xf32>,
        %gather3A_202 = tpu.vector_load_idx %arg7[%get3A_195] : memref<12288xi32, #tpu.memory_space<vmem>>[vector<16xi32>], vector<16xi32>,
        %add3A_203 = arith.addi %gather3A_202, %get3A_198 : vector<16xi32>
        tpu.vector_store_idx %arg11[%add3A_203], %get3A_201 {add = true} : memref<12288xf32, #tpu.memory_space<vmem>>[vector<16xi32>], vector<16xf32>,
        %mul3A_204 = arith.constant 256 : i32
        %mul3A_205 = arith.muli %scan3A_145, %mul3A_204 : i32
        %add3A_206 = arith.constant 64 : i32
        %add3A_207 = arith.addi %mul3A_205, %add3A_206 : i32
        %get3A_208 = arith.index_cast %rem3A_86 : i32 to index
        %get3A_209 = arith.index_cast %add3A_207 : i32 to index
        %get3A_210 = tpu.vector_load %arg8[%get3A_208, %get3A_209] {strides = array<i32>} : memref<2x8192xi32, #tpu.memory_space<vmem>>, vector<16xi32>,
        %get3A_211 = arith.index_cast %rem3A_86 : i32 to index
        %get3A_212 = arith.index_cast %add3A_207 : i32 to index
        %get3A_213 = tpu.vector_load %arg9[%get3A_211, %get3A_212] {strides = array<i32>} : memref<2x8192xi32, #tpu.memory_space<vmem>>, vector<16xi32>,
        %get3A_214 = arith.index_cast %rem3A_86 : i32 to index
        %get3A_215 = arith.index_cast %add3A_207 : i32 to index
        %get3A_216 = tpu.vector_load %arg10[%get3A_214, %get3A_215] {strides = array<i32>} : memref<2x8192xf32, #tpu.memory_space<vmem>>, vector<16xf32>,
        %gather3A_217 = tpu.vector_load_idx %arg7[%get3A_210] : memref<12288xi32, #tpu.memory_space<vmem>>[vector<16xi32>], vector<16xi32>,
        %add3A_218 = arith.addi %gather3A_217, %get3A_213 : vector<16xi32>
        tpu.vector_store_idx %arg11[%add3A_218], %get3A_216 {add = true} : memref<12288xf32, #tpu.memory_space<vmem>>[vector<16xi32>], vector<16xf32>,
        %mul3A_219 = arith.constant 256 : i32
        %mul3A_220 = arith.muli %scan3A_145, %mul3A_219 : i32
        %add3A_221 = arith.constant 80 : i32
        %add3A_222 = arith.addi %mul3A_220, %add3A_221 : i32
        %get3A_223 = arith.index_cast %rem3A_86 : i32 to index
        %get3A_224 = arith.index_cast %add3A_222 : i32 to index
        %get3A_225 = tpu.vector_load %arg8[%get3A_223, %get3A_224] {strides = array<i32>} : memref<2x8192xi32, #tpu.memory_space<vmem>>, vector<16xi32>,
        %get3A_226 = arith.index_cast %rem3A_86 : i32 to index
        %get3A_227 = arith.index_cast %add3A_222 : i32 to index
        %get3A_228 = tpu.vector_load %arg9[%get3A_226, %get3A_227] {strides = array<i32>} : memref<2x8192xi32, #tpu.memory_space<vmem>>, vector<16xi32>,
        %get3A_229 = arith.index_cast %rem3A_86 : i32 to index
        %get3A_230 = arith.index_cast %add3A_222 : i32 to index
        %get3A_231 = tpu.vector_load %arg10[%get3A_229, %get3A_230] {strides = array<i32>} : memref<2x8192xf32, #tpu.memory_space<vmem>>, vector<16xf32>,
        %gather3A_232 = tpu.vector_load_idx %arg7[%get3A_225] : memref<12288xi32, #tpu.memory_space<vmem>>[vector<16xi32>], vector<16xi32>,
        %add3A_233 = arith.addi %gather3A_232, %get3A_228 : vector<16xi32>
        tpu.vector_store_idx %arg11[%add3A_233], %get3A_231 {add = true} : memref<12288xf32, #tpu.memory_space<vmem>>[vector<16xi32>], vector<16xf32>,
        %mul3A_234 = arith.constant 256 : i32
        %mul3A_235 = arith.muli %scan3A_145, %mul3A_234 : i32
        %add3A_236 = arith.constant 96 : i32
        %add3A_237 = arith.addi %mul3A_235, %add3A_236 : i32
        %get3A_238 = arith.index_cast %rem3A_86 : i32 to index
        %get3A_239 = arith.index_cast %add3A_237 : i32 to index
        %get3A_240 = tpu.vector_load %arg8[%get3A_238, %get3A_239] {strides = array<i32>} : memref<2x8192xi32, #tpu.memory_space<vmem>>, vector<16xi32>,
        %get3A_241 = arith.index_cast %rem3A_86 : i32 to index
        %get3A_242 = arith.index_cast %add3A_237 : i32 to index
        %get3A_243 = tpu.vector_load %arg9[%get3A_241, %get3A_242] {strides = array<i32>} : memref<2x8192xi32, #tpu.memory_space<vmem>>, vector<16xi32>,
        %get3A_244 = arith.index_cast %rem3A_86 : i32 to index
        %get3A_245 = arith.index_cast %add3A_237 : i32 to index
        %get3A_246 = tpu.vector_load %arg10[%get3A_244, %get3A_245] {strides = array<i32>} : memref<2x8192xf32, #tpu.memory_space<vmem>>, vector<16xf32>,
        %gather3A_247 = tpu.vector_load_idx %arg7[%get3A_240] : memref<12288xi32, #tpu.memory_space<vmem>>[vector<16xi32>], vector<16xi32>,
        %add3A_248 = arith.addi %gather3A_247, %get3A_243 : vector<16xi32>
        tpu.vector_store_idx %arg11[%add3A_248], %get3A_246 {add = true} : memref<12288xf32, #tpu.memory_space<vmem>>[vector<16xi32>], vector<16xf32>,
        %mul3A_249 = arith.constant 256 : i32
        %mul3A_250 = arith.muli %scan3A_145, %mul3A_249 : i32
        %add3A_251 = arith.constant 112 : i32
        %add3A_252 = arith.addi %mul3A_250, %add3A_251 : i32
        %get3A_253 = arith.index_cast %rem3A_86 : i32 to index
        %get3A_254 = arith.index_cast %add3A_252 : i32 to index
        %get3A_255 = tpu.vector_load %arg8[%get3A_253, %get3A_254] {strides = array<i32>} : memref<2x8192xi32, #tpu.memory_space<vmem>>, vector<16xi32>,
        %get3A_256 = arith.index_cast %rem3A_86 : i32 to index
        %get3A_257 = arith.index_cast %add3A_252 : i32 to index
        %get3A_258 = tpu.vector_load %arg9[%get3A_256, %get3A_257] {strides = array<i32>} : memref<2x8192xi32, #tpu.memory_space<vmem>>, vector<16xi32>,
        %get3A_259 = arith.index_cast %rem3A_86 : i32 to index
        %get3A_260 = arith.index_cast %add3A_252 : i32 to index
        %get3A_261 = tpu.vector_load %arg10[%get3A_259, %get3A_260] {strides = array<i32>} : memref<2x8192xf32, #tpu.memory_space<vmem>>, vector<16xf32>,
        %gather3A_262 = tpu.vector_load_idx %arg7[%get3A_255] : memref<12288xi32, #tpu.memory_space<vmem>>[vector<16xi32>], vector<16xi32>,
        %add3A_263 = arith.addi %gather3A_262, %get3A_258 : vector<16xi32>
        tpu.vector_store_idx %arg11[%add3A_263], %get3A_261 {add = true} : memref<12288xf32, #tpu.memory_space<vmem>>[vector<16xi32>], vector<16xf32>,
        %mul3A_264 = arith.constant 256 : i32
        %mul3A_265 = arith.muli %scan3A_145, %mul3A_264 : i32
        %add3A_266 = arith.constant 128 : i32
        %add3A_267 = arith.addi %mul3A_265, %add3A_266 : i32
        %get3A_268 = arith.index_cast %rem3A_86 : i32 to index
        %get3A_269 = arith.index_cast %add3A_267 : i32 to index
        %get3A_270 = tpu.vector_load %arg8[%get3A_268, %get3A_269] {strides = array<i32>} : memref<2x8192xi32, #tpu.memory_space<vmem>>, vector<16xi32>,
        %get3A_271 = arith.index_cast %rem3A_86 : i32 to index
        %get3A_272 = arith.index_cast %add3A_267 : i32 to index
        %get3A_273 = tpu.vector_load %arg9[%get3A_271, %get3A_272] {strides = array<i32>} : memref<2x8192xi32, #tpu.memory_space<vmem>>, vector<16xi32>,
        %get3A_274 = arith.index_cast %rem3A_86 : i32 to index
        %get3A_275 = arith.index_cast %add3A_267 : i32 to index
        %get3A_276 = tpu.vector_load %arg10[%get3A_274, %get3A_275] {strides = array<i32>} : memref<2x8192xf32, #tpu.memory_space<vmem>>, vector<16xf32>,
        %gather3A_277 = tpu.vector_load_idx %arg7[%get3A_270] : memref<12288xi32, #tpu.memory_space<vmem>>[vector<16xi32>], vector<16xi32>,
        %add3A_278 = arith.addi %gather3A_277, %get3A_273 : vector<16xi32>
        tpu.vector_store_idx %arg11[%add3A_278], %get3A_276 {add = true} : memref<12288xf32, #tpu.memory_space<vmem>>[vector<16xi32>], vector<16xf32>,
        %mul3A_279 = arith.constant 256 : i32
        %mul3A_280 = arith.muli %scan3A_145, %mul3A_279 : i32
        %add3A_281 = arith.constant 144 : i32
        %add3A_282 = arith.addi %mul3A_280, %add3A_281 : i32
        %get3A_283 = arith.index_cast %rem3A_86 : i32 to index
        %get3A_284 = arith.index_cast %add3A_282 : i32 to index
        %get3A_285 = tpu.vector_load %arg8[%get3A_283, %get3A_284] {strides = array<i32>} : memref<2x8192xi32, #tpu.memory_space<vmem>>, vector<16xi32>,
        %get3A_286 = arith.index_cast %rem3A_86 : i32 to index
        %get3A_287 = arith.index_cast %add3A_282 : i32 to index
        %get3A_288 = tpu.vector_load %arg9[%get3A_286, %get3A_287] {strides = array<i32>} : memref<2x8192xi32, #tpu.memory_space<vmem>>, vector<16xi32>,
        %get3A_289 = arith.index_cast %rem3A_86 : i32 to index
        %get3A_290 = arith.index_cast %add3A_282 : i32 to index
        %get3A_291 = tpu.vector_load %arg10[%get3A_289, %get3A_290] {strides = array<i32>} : memref<2x8192xf32, #tpu.memory_space<vmem>>, vector<16xf32>,
        %gather3A_292 = tpu.vector_load_idx %arg7[%get3A_285] : memref<12288xi32, #tpu.memory_space<vmem>>[vector<16xi32>], vector<16xi32>,
        %add3A_293 = arith.addi %gather3A_292, %get3A_288 : vector<16xi32>
        tpu.vector_store_idx %arg11[%add3A_293], %get3A_291 {add = true} : memref<12288xf32, #tpu.memory_space<vmem>>[vector<16xi32>], vector<16xf32>,
        %mul3A_294 = arith.constant 256 : i32
        %mul3A_295 = arith.muli %scan3A_145, %mul3A_294 : i32
        %add3A_296 = arith.constant 160 : i32
        %add3A_297 = arith.addi %mul3A_295, %add3A_296 : i32
        %get3A_298 = arith.index_cast %rem3A_86 : i32 to index
        %get3A_299 = arith.index_cast %add3A_297 : i32 to index
        %get3A_300 = tpu.vector_load %arg8[%get3A_298, %get3A_299] {strides = array<i32>} : memref<2x8192xi32, #tpu.memory_space<vmem>>, vector<16xi32>,
        %get3A_301 = arith.index_cast %rem3A_86 : i32 to index
        %get3A_302 = arith.index_cast %add3A_297 : i32 to index
        %get3A_303 = tpu.vector_load %arg9[%get3A_301, %get3A_302] {strides = array<i32>} : memref<2x8192xi32, #tpu.memory_space<vmem>>, vector<16xi32>,
        %get3A_304 = arith.index_cast %rem3A_86 : i32 to index
        %get3A_305 = arith.index_cast %add3A_297 : i32 to index
        %get3A_306 = tpu.vector_load %arg10[%get3A_304, %get3A_305] {strides = array<i32>} : memref<2x8192xf32, #tpu.memory_space<vmem>>, vector<16xf32>,
        %gather3A_307 = tpu.vector_load_idx %arg7[%get3A_300] : memref<12288xi32, #tpu.memory_space<vmem>>[vector<16xi32>], vector<16xi32>,
        %add3A_308 = arith.addi %gather3A_307, %get3A_303 : vector<16xi32>
        tpu.vector_store_idx %arg11[%add3A_308], %get3A_306 {add = true} : memref<12288xf32, #tpu.memory_space<vmem>>[vector<16xi32>], vector<16xf32>,
        %mul3A_309 = arith.constant 256 : i32
        %mul3A_310 = arith.muli %scan3A_145, %mul3A_309 : i32
        %add3A_311 = arith.constant 176 : i32
        %add3A_312 = arith.addi %mul3A_310, %add3A_311 : i32
        %get3A_313 = arith.index_cast %rem3A_86 : i32 to index
        %get3A_314 = arith.index_cast %add3A_312 : i32 to index
        %get3A_315 = tpu.vector_load %arg8[%get3A_313, %get3A_314] {strides = array<i32>} : memref<2x8192xi32, #tpu.memory_space<vmem>>, vector<16xi32>,
        %get3A_316 = arith.index_cast %rem3A_86 : i32 to index
        %get3A_317 = arith.index_cast %add3A_312 : i32 to index
        %get3A_318 = tpu.vector_load %arg9[%get3A_316, %get3A_317] {strides = array<i32>} : memref<2x8192xi32, #tpu.memory_space<vmem>>, vector<16xi32>,
        %get3A_319 = arith.index_cast %rem3A_86 : i32 to index
        %get3A_320 = arith.index_cast %add3A_312 : i32 to index
        %get3A_321 = tpu.vector_load %arg10[%get3A_319, %get3A_320] {strides = array<i32>} : memref<2x8192xf32, #tpu.memory_space<vmem>>, vector<16xf32>,
        %gather3A_322 = tpu.vector_load_idx %arg7[%get3A_315] : memref<12288xi32, #tpu.memory_space<vmem>>[vector<16xi32>], vector<16xi32>,
        %add3A_323 = arith.addi %gather3A_322, %get3A_318 : vector<16xi32>
        tpu.vector_store_idx %arg11[%add3A_323], %get3A_321 {add = true} : memref<12288xf32, #tpu.memory_space<vmem>>[vector<16xi32>], vector<16xf32>,
        %mul3A_324 = arith.constant 256 : i32
        %mul3A_325 = arith.muli %scan3A_145, %mul3A_324 : i32
        %add3A_326 = arith.constant 192 : i32
        %add3A_327 = arith.addi %mul3A_325, %add3A_326 : i32
        %get3A_328 = arith.index_cast %rem3A_86 : i32 to index
        %get3A_329 = arith.index_cast %add3A_327 : i32 to index
        %get3A_330 = tpu.vector_load %arg8[%get3A_328, %get3A_329] {strides = array<i32>} : memref<2x8192xi32, #tpu.memory_space<vmem>>, vector<16xi32>,
        %get3A_331 = arith.index_cast %rem3A_86 : i32 to index
        %get3A_332 = arith.index_cast %add3A_327 : i32 to index
        %get3A_333 = tpu.vector_load %arg9[%get3A_331, %get3A_332] {strides = array<i32>} : memref<2x8192xi32, #tpu.memory_space<vmem>>, vector<16xi32>,
        %get3A_334 = arith.index_cast %rem3A_86 : i32 to index
        %get3A_335 = arith.index_cast %add3A_327 : i32 to index
        %get3A_336 = tpu.vector_load %arg10[%get3A_334, %get3A_335] {strides = array<i32>} : memref<2x8192xf32, #tpu.memory_space<vmem>>, vector<16xf32>,
        %gather3A_337 = tpu.vector_load_idx %arg7[%get3A_330] : memref<12288xi32, #tpu.memory_space<vmem>>[vector<16xi32>], vector<16xi32>,
        %add3A_338 = arith.addi %gather3A_337, %get3A_333 : vector<16xi32>
        tpu.vector_store_idx %arg11[%add3A_338], %get3A_336 {add = true} : memref<12288xf32, #tpu.memory_space<vmem>>[vector<16xi32>], vector<16xf32>,
        %mul3A_339 = arith.constant 256 : i32
        %mul3A_340 = arith.muli %scan3A_145, %mul3A_339 : i32
        %add3A_341 = arith.constant 208 : i32
        %add3A_342 = arith.addi %mul3A_340, %add3A_341 : i32
        %get3A_343 = arith.index_cast %rem3A_86 : i32 to index
        %get3A_344 = arith.index_cast %add3A_342 : i32 to index
        %get3A_345 = tpu.vector_load %arg8[%get3A_343, %get3A_344] {strides = array<i32>} : memref<2x8192xi32, #tpu.memory_space<vmem>>, vector<16xi32>,
        %get3A_346 = arith.index_cast %rem3A_86 : i32 to index
        %get3A_347 = arith.index_cast %add3A_342 : i32 to index
        %get3A_348 = tpu.vector_load %arg9[%get3A_346, %get3A_347] {strides = array<i32>} : memref<2x8192xi32, #tpu.memory_space<vmem>>, vector<16xi32>,
        %get3A_349 = arith.index_cast %rem3A_86 : i32 to index
        %get3A_350 = arith.index_cast %add3A_342 : i32 to index
        %get3A_351 = tpu.vector_load %arg10[%get3A_349, %get3A_350] {strides = array<i32>} : memref<2x8192xf32, #tpu.memory_space<vmem>>, vector<16xf32>,
        %gather3A_352 = tpu.vector_load_idx %arg7[%get3A_345] : memref<12288xi32, #tpu.memory_space<vmem>>[vector<16xi32>], vector<16xi32>,
        %add3A_353 = arith.addi %gather3A_352, %get3A_348 : vector<16xi32>
        tpu.vector_store_idx %arg11[%add3A_353], %get3A_351 {add = true} : memref<12288xf32, #tpu.memory_space<vmem>>[vector<16xi32>], vector<16xf32>,
        %mul3A_354 = arith.constant 256 : i32
        %mul3A_355 = arith.muli %scan3A_145, %mul3A_354 : i32
        %add3A_356 = arith.constant 224 : i32
        %add3A_357 = arith.addi %mul3A_355, %add3A_356 : i32
        %get3A_358 = arith.index_cast %rem3A_86 : i32 to index
        %get3A_359 = arith.index_cast %add3A_357 : i32 to index
        %get3A_360 = tpu.vector_load %arg8[%get3A_358, %get3A_359] {strides = array<i32>} : memref<2x8192xi32, #tpu.memory_space<vmem>>, vector<16xi32>,
        %get3A_361 = arith.index_cast %rem3A_86 : i32 to index
        %get3A_362 = arith.index_cast %add3A_357 : i32 to index
        %get3A_363 = tpu.vector_load %arg9[%get3A_361, %get3A_362] {strides = array<i32>} : memref<2x8192xi32, #tpu.memory_space<vmem>>, vector<16xi32>,
        %get3A_364 = arith.index_cast %rem3A_86 : i32 to index
        %get3A_365 = arith.index_cast %add3A_357 : i32 to index
        %get3A_366 = tpu.vector_load %arg10[%get3A_364, %get3A_365] {strides = array<i32>} : memref<2x8192xf32, #tpu.memory_space<vmem>>, vector<16xf32>,
        %gather3A_367 = tpu.vector_load_idx %arg7[%get3A_360] : memref<12288xi32, #tpu.memory_space<vmem>>[vector<16xi32>], vector<16xi32>,
        %add3A_368 = arith.addi %gather3A_367, %get3A_363 : vector<16xi32>
        tpu.vector_store_idx %arg11[%add3A_368], %get3A_366 {add = true} : memref<12288xf32, #tpu.memory_space<vmem>>[vector<16xi32>], vector<16xf32>,
        %mul3A_369 = arith.constant 256 : i32
        %mul3A_370 = arith.muli %scan3A_145, %mul3A_369 : i32
        %add3A_371 = arith.constant 240 : i32
        %add3A_372 = arith.addi %mul3A_370, %add3A_371 : i32
        %get3A_373 = arith.index_cast %rem3A_86 : i32 to index
        %get3A_374 = arith.index_cast %add3A_372 : i32 to index
        %get3A_375 = tpu.vector_load %arg8[%get3A_373, %get3A_374] {strides = array<i32>} : memref<2x8192xi32, #tpu.memory_space<vmem>>, vector<16xi32>,
        %get3A_376 = arith.index_cast %rem3A_86 : i32 to index
        %get3A_377 = arith.index_cast %add3A_372 : i32 to index
        %get3A_378 = tpu.vector_load %arg9[%get3A_376, %get3A_377] {strides = array<i32>} : memref<2x8192xi32, #tpu.memory_space<vmem>>, vector<16xi32>,
        %get3A_379 = arith.index_cast %rem3A_86 : i32 to index
        %get3A_380 = arith.index_cast %add3A_372 : i32 to index
        %get3A_381 = tpu.vector_load %arg10[%get3A_379, %get3A_380] {strides = array<i32>} : memref<2x8192xf32, #tpu.memory_space<vmem>>, vector<16xf32>,
        %gather3A_382 = tpu.vector_load_idx %arg7[%get3A_375] : memref<12288xi32, #tpu.memory_space<vmem>>[vector<16xi32>], vector<16xi32>,
        %add3A_383 = arith.addi %gather3A_382, %get3A_378 : vector<16xi32>
        tpu.vector_store_idx %arg11[%add3A_383], %get3A_381 {add = true} : memref<12288xf32, #tpu.memory_space<vmem>>[vector<16xi32>], vector<16xf32>,
      }
      %scan3A_144 = arith.constant 8 : i32
    }
    %scan3A_71 = arith.constant 6 : i32
    %rem3A_72 = arith.constant 5 : i32
    %rem3A_73 = arith.constant 2 : i32
    %rem3A_74 = arith.remsi %rem3A_72, %rem3A_73 : i32
    %scan3A_75 = arith.constant 0 : i32
    %scan3A_76 = arith.constant 0 : i32
    %scan3A_77 = arith.constant 48 : i32
    %scan3A_78 = arith.addi %scan3A_76, %scan3A_77 : i32
    %scan3A_79 = arith.constant 1 : i32
    scf.for %scan3A_84 = %scan3A_76 to %scan3A_78 step %scan3A_79  : i32 {
      %mul3A_85 = arith.constant 128 : i32
      %mul3A_86 = arith.muli %scan3A_84, %mul3A_85 : i32
      %add3A_87 = arith.constant 2048 : i32
      %add3A_88 = arith.addi %add3A_87, %mul3A_86 : i32
      %mul3A_89 = arith.constant 48 : i32
      %mul3A_90 = arith.muli %rem3A_74, %mul3A_89 : i32
      %add3A_91 = arith.addi %mul3A_90, %scan3A_84 : i32
      %dma_wait3A = tpu.memref_slice %arg10[%rem3A_74, %add3A_88] : memref<2x8192xf32, #tpu.memory_space<vmem>> -> memref<1x128xf32, #tpu.memory_space<vmem>>
      %dma_wait3A_92 = tpu.memref_squeeze %dma_wait3A : memref<1x128xf32, #tpu.memory_space<vmem>> -> memref<128xf32, #tpu.memory_space<vmem>>
      %dma_wait3A_93 = arith.constant 0 : i32
      %dma_wait3A_94 = tpu.memref_slice %arg13[%add3A_91, %dma_wait3A_93] : memref<96x128xi32, #tpu.memory_space<vmem>> -> memref<1x128xi32, #tpu.memory_space<vmem>>
      %dma_wait3A_95 = tpu.memref_squeeze %dma_wait3A_94 : memref<1x128xi32, #tpu.memory_space<vmem>> -> memref<128xi32, #tpu.memory_space<vmem>>
      %dma_wait3A_96 = arith.constant 0 : i32
      %dma_wait3A_97 = tpu.memref_slice %arg14[%dma_wait3A_96] : memref<196608xf32, #tpu.memory_space<vmem_shared>> -> memref<196608xf32, #tpu.memory_space<vmem_shared>>
      tpu.wait_indirect_dma semaphore(%arg16 : memref<!tpu.dma_semaphore, #tpu.memory_space<semaphore_mem>>) src(%dma_wait3A_92 : memref<128xf32, #tpu.memory_space<vmem>>) dst(%dma_wait3A_97 : memref<196608xf32, #tpu.memory_space<vmem_shared>>)
    }
    %scan3A_80 = arith.constant 48 : i32
    "tpu.region"() ({
      %run_scoped3A = tpu.sem_alloc : memref<!tpu.dma_semaphore, #tpu.memory_space<semaphore_mem>>
      %dma_start3A_84 = tpu.memref_slice %arg14[%mul3A_27] : memref<196608xf32, #tpu.memory_space<vmem_shared>> -> memref<12288xf32, #tpu.memory_space<vmem_shared>>
      %dma_start3A_85 = tpu.memref_slice %arg14[%mul3A_27] : memref<196608xf32, #tpu.memory_space<vmem_shared>> -> memref<12288xf32, #tpu.memory_space<vmem_shared>>
      tpu.enqueue_dma source(%dma_start3A_85 : memref<12288xf32, #tpu.memory_space<vmem_shared>>) target(%arg12 : memref<12288xf32, #tpu.memory_space<vmem>>) target_semaphore(%run_scoped3A : memref<!tpu.dma_semaphore, #tpu.memory_space<semaphore_mem>>)
      %dma_wait3A = tpu.memref_slice %arg14[%mul3A_27] : memref<196608xf32, #tpu.memory_space<vmem_shared>> -> memref<12288xf32, #tpu.memory_space<vmem_shared>>
      %dma_wait3A_86 = tpu.memref_slice %arg14[%mul3A_27] : memref<196608xf32, #tpu.memory_space<vmem_shared>> -> memref<12288xf32, #tpu.memory_space<vmem_shared>>
      tpu.wait_dma2 semaphore(%run_scoped3A : memref<!tpu.dma_semaphore, #tpu.memory_space<semaphore_mem>>) src(%dma_wait3A_86 : memref<12288xf32, #tpu.memory_space<vmem_shared>>) dst(%arg12 : memref<12288xf32, #tpu.memory_space<vmem>>)
      tpu.yield
    }) : () -> ()
    %parallel_loop3A_81 = arith.constant 0 : i32
    %parallel_loop3A_82 = arith.constant 768 : i32
    %parallel_loop3A_83 = arith.constant 1 : i32
    scf.for %parallel_loop3A_84 = %parallel_loop3A_81 to %parallel_loop3A_82 step %parallel_loop3A_83  : i32 {
      %parallel_loop3A_85 = arith.constant 16 : i32
      %parallel_loop3A_86 = arith.muli %parallel_loop3A_84, %parallel_loop3A_85 : i32
      %parallel_loop3A_87 = arith.index_cast %parallel_loop3A_86 : i32 to index
      %parallel_loop3A_88 = tpu.vector_load %arg11[%parallel_loop3A_87] {strides = array<i32>} : memref<12288xf32, #tpu.memory_space<vmem>>, vector<16xf32>,
      %parallel_loop3A_89 = arith.index_cast %parallel_loop3A_86 : i32 to index
      %parallel_loop3A_90 = tpu.vector_load %arg12[%parallel_loop3A_89] {strides = array<i32>} : memref<12288xf32, #tpu.memory_space<vmem>>, vector<16xf32>,
      %parallel_loop3A_91 = arith.addf %parallel_loop3A_88, %parallel_loop3A_90 : vector<16xf32>
      %parallel_loop3A_92 = arith.index_cast %parallel_loop3A_86 : i32 to index
      %parallel_loop3A_93 = tpu.vector_load %arg11[%parallel_loop3A_92] {strides = array<i32>} : memref<12288xf32, #tpu.memory_space<vmem>>, vector<16xf32>,
      tpu.vector_store %arg11[%parallel_loop3A_92], %parallel_loop3A_91 {strides = array<i32>} : memref<12288xf32, #tpu.memory_space<vmem>>, vector<16xf32>,
    } {sc.loop_unroll_factor = 1 : i64, sc.parallel_access}
    "tpu.region"() ({
      %run_scoped3A = tpu.sem_alloc : memref<!tpu.dma_semaphore, #tpu.memory_space<semaphore_mem>>
      %dma_start3A_84 = arith.constant 0 : i32
      %dma_start3A_85 = tpu.memref_slice %arg6[%add3A_21, %dma_start3A_84] : memref<32x12288xf32, #tpu.memory_space<hbm>> -> memref<1x12288xf32, #tpu.memory_space<hbm>>
      %dma_start3A_86 = tpu.memref_squeeze %dma_start3A_85 : memref<1x12288xf32, #tpu.memory_space<hbm>> -> memref<12288xf32, #tpu.memory_space<hbm>>
      %dma_start3A_87 = arith.constant 0 : i32
      %dma_start3A_88 = tpu.memref_slice %arg6[%add3A_21, %dma_start3A_87] : memref<32x12288xf32, #tpu.memory_space<hbm>> -> memref<1x12288xf32, #tpu.memory_space<hbm>>
      %dma_start3A_89 = tpu.memref_squeeze %dma_start3A_88 : memref<1x12288xf32, #tpu.memory_space<hbm>> -> memref<12288xf32, #tpu.memory_space<hbm>>
      tpu.enqueue_dma source(%arg11 : memref<12288xf32, #tpu.memory_space<vmem>>) target(%dma_start3A_89 : memref<12288xf32, #tpu.memory_space<hbm>>) target_semaphore(%run_scoped3A : memref<!tpu.dma_semaphore, #tpu.memory_space<semaphore_mem>>)
      %dma_wait3A = arith.constant 0 : i32
      %dma_wait3A_90 = tpu.memref_slice %arg6[%add3A_21, %dma_wait3A] : memref<32x12288xf32, #tpu.memory_space<hbm>> -> memref<1x12288xf32, #tpu.memory_space<hbm>>
      %dma_wait3A_91 = tpu.memref_squeeze %dma_wait3A_90 : memref<1x12288xf32, #tpu.memory_space<hbm>> -> memref<12288xf32, #tpu.memory_space<hbm>>
      %dma_wait3A_92 = arith.constant 0 : i32
      %dma_wait3A_93 = tpu.memref_slice %arg6[%add3A_21, %dma_wait3A_92] : memref<32x12288xf32, #tpu.memory_space<hbm>> -> memref<1x12288xf32, #tpu.memory_space<hbm>>
      %dma_wait3A_94 = tpu.memref_squeeze %dma_wait3A_93 : memref<1x12288xf32, #tpu.memory_space<hbm>> -> memref<12288xf32, #tpu.memory_space<hbm>>
      tpu.wait_dma2 semaphore(%run_scoped3A : memref<!tpu.dma_semaphore, #tpu.memory_space<semaphore_mem>>) src(%arg11 : memref<12288xf32, #tpu.memory_space<vmem>>) dst(%dma_wait3A_94 : memref<12288xf32, #tpu.memory_space<hbm>>)
      tpu.yield
    }) : () -> ()
    return
  }
}

module attributes {stable_mosaic.version = 14 : i64} {
  func.func @_tc_body(%arg0: i32, %arg1: memref<4096x256xf32, #tpu.memory_space<vmem>>, %arg2: memref<4x3x4096xf32, #tpu.memory_space<vmem>>, %arg3: memref<768x256xf32, #tpu.memory_space<vmem>>, %arg4: memref<1x3x256xf32, #tpu.memory_space<vmem>>) attributes {dimension_semantics = [#tpu.dimension_semantics<arbitrary>], iteration_bounds = array<i64: 8>, scalar_prefetch = 0 : i64, scratch_operands = 0 : i64, tpu.core_type = #tpu.core_type<tc>, window_params = [{transform_indices = @transform_0, window_bounds = array<i64: 4096, 256>}, {transform_indices = @transform_1, window_bounds = array<i64: 4, 3, 4096>}, {pipeline_mode = #tpu.pipeline_mode<synchronous>, transform_indices = @transform_2, window_bounds = array<i64: 768, 256>}, {transform_indices = @transform_3, window_bounds = array<i64: 1, 3, 256>}]} {
    %get3A = arith.constant 0 : index
    %get3A_0 = arith.constant 0 : index
    %get3A_1 = arith.constant 0 : index
    %get3A_2 = vector.load %arg2[%get3A, %get3A_0, %get3A_1] : memref<4x3x4096xf32, #tpu.memory_space<vmem>>, vector<1x3x4096xf32>
    %get3A_3 = vector.shape_cast %get3A_2 : vector<1x3x4096xf32> to vector<3x4096xf32>
    %get3A_4 = arith.constant 1 : index
    %get3A_5 = arith.constant 0 : index
    %get3A_6 = arith.constant 0 : index
    %get3A_7 = vector.load %arg2[%get3A_4, %get3A_5, %get3A_6] : memref<4x3x4096xf32, #tpu.memory_space<vmem>>, vector<1x3x4096xf32>
    %get3A_8 = vector.shape_cast %get3A_7 : vector<1x3x4096xf32> to vector<3x4096xf32>
    %add3A = arith.addf %get3A_3, %get3A_8 : vector<3x4096xf32>
    %get3A_9 = arith.constant 2 : index
    %get3A_10 = arith.constant 0 : index
    %get3A_11 = arith.constant 0 : index
    %get3A_12 = vector.load %arg2[%get3A_9, %get3A_10, %get3A_11] : memref<4x3x4096xf32, #tpu.memory_space<vmem>>, vector<1x3x4096xf32>
    %get3A_13 = vector.shape_cast %get3A_12 : vector<1x3x4096xf32> to vector<3x4096xf32>
    %add3A_14 = arith.addf %add3A, %get3A_13 : vector<3x4096xf32>
    %get3A_15 = arith.constant 3 : index
    %get3A_16 = arith.constant 0 : index
    %get3A_17 = arith.constant 0 : index
    %get3A_18 = vector.load %arg2[%get3A_15, %get3A_16, %get3A_17] : memref<4x3x4096xf32, #tpu.memory_space<vmem>>, vector<1x3x4096xf32>
    %get3A_19 = vector.shape_cast %get3A_18 : vector<1x3x4096xf32> to vector<3x4096xf32>
    %add3A_20 = arith.addf %add3A_14, %get3A_19 : vector<3x4096xf32>
    %get3A_21 = arith.constant 0 : index
    %get3A_22 = arith.constant 0 : index
    %get3A_23 = vector.load %arg1[%get3A_21, %get3A_22] : memref<4096x256xf32, #tpu.memory_space<vmem>>, vector<4096x256xf32>
    %dot_general3A = arith.constant dense<0.000000e+00> : vector<3x256xf32>
    %dot_general3A_24 = tpu.matmul %add3A_20, %get3A_23, %dot_general3A {dimension_numbers = #tpu.dot_dimension_numbers<[1], [0], [0], [1], [0, 0, 1, 1], [], []>, precision = #tpu.contract_precision<fp32>, transpose_lhs_hint = false} : vector<3x4096xf32>, vector<4096x256xf32>, vector<3x256xf32> -> vector<3x256xf32>
    %get3A_25 = arith.constant 0 : index
    %get3A_26 = arith.constant 0 : index
    %get3A_27 = vector.load %arg3[%get3A_25, %get3A_26] : memref<768x256xf32, #tpu.memory_space<vmem>>, vector<768x256xf32>
    %dot_general3A_28 = arith.constant dense<0.000000e+00> : vector<3x768xf32>
    %dot_general3A_29 = tpu.matmul %dot_general3A_24, %get3A_27, %dot_general3A_28 {dimension_numbers = #tpu.dot_dimension_numbers<[1], [1], [0], [0], [0, 0, 1, 0], [], []>, transpose_lhs_hint = false} : vector<3x256xf32>, vector<768x256xf32>, vector<3x768xf32> -> vector<3x768xf32>
    %slice3A = vector.extract_strided_slice %dot_general3A_29 {offsets = [0, 0], sizes = [3, 256], strides = [1, 1]} : vector<3x768xf32> to vector<3x256xf32>
    %slice3A_30 = vector.extract_strided_slice %dot_general3A_29 {offsets = [0, 256], sizes = [3, 256], strides = [1, 1]} : vector<3x768xf32> to vector<3x256xf32>
    %slice3A_31 = vector.extract_strided_slice %dot_general3A_29 {offsets = [0, 512], sizes = [3, 256], strides = [1, 1]} : vector<3x768xf32> to vector<3x256xf32>
    %iota3A = tpu.iota {dimensions = array<i32: 0>} : vector<24x256xi32>
    %jit3A = arith.constant 3 : i32
    %div3A = vector.broadcast %jit3A : i32 to vector<24x256xi32>
    %div3A_32 = arith.divsi %iota3A, %div3A : vector<24x256xi32>
    %sign3A = arith.constant 0 : i32
    %sign3A_33 = vector.broadcast %sign3A : i32 to vector<24x256xi32>
    %sign3A_34 = arith.cmpi sgt, %iota3A, %sign3A_33 : vector<24x256xi32>
    %sign3A_35 = arith.extui %sign3A_34 : vector<24x256xi1> to vector<24x256xi32>
    %sign3A_36 = arith.constant 0 : i32
    %sign3A_37 = vector.broadcast %sign3A_36 : i32 to vector<24x256xi32>
    %sign3A_38 = arith.cmpi slt, %iota3A, %sign3A_37 : vector<24x256xi32>
    %sign3A_39 = arith.extui %sign3A_38 : vector<24x256xi1> to vector<24x256xi32>
    %sign3A_40 = arith.subi %sign3A_35, %sign3A_39 : vector<24x256xi32>
    %sign3A_41 = arith.constant 0 : i32
    %sign3A_42 = arith.cmpi sgt, %jit3A, %sign3A_41 : i32
    %sign3A_43 = arith.extui %sign3A_42 : i1 to i32
    %sign3A_44 = arith.constant 0 : i32
    %sign3A_45 = arith.cmpi slt, %jit3A, %sign3A_44 : i32
    %sign3A_46 = arith.extui %sign3A_45 : i1 to i32
    %sign3A_47 = arith.subi %sign3A_43, %sign3A_46 : i32
    %ne3A = vector.broadcast %sign3A_47 : i32 to vector<24x256xi32>
    %ne3A_48 = arith.cmpi ne, %sign3A_40, %ne3A : vector<24x256xi32>
    %rem3A = vector.broadcast %jit3A : i32 to vector<24x256xi32>
    %rem3A_49 = arith.remsi %iota3A, %rem3A : vector<24x256xi32>
    %ne3A_50 = arith.constant 0 : i32
    %ne3A_51 = vector.broadcast %ne3A_50 : i32 to vector<24x256xi32>
    %ne3A_52 = arith.cmpi ne, %rem3A_49, %ne3A_51 : vector<24x256xi32>
    %and3A = arith.andi %ne3A_48, %ne3A_52 : vector<24x256xi1>
    %sub3A = arith.constant 1 : i32
    %sub3A_53 = vector.broadcast %sub3A : i32 to vector<24x256xi32>
    %sub3A_54 = arith.subi %div3A_32, %sub3A_53 : vector<24x256xi32>
    %select_n3A = arith.select %and3A, %sub3A_54, %div3A_32 : vector<24x256xi1>, vector<24x256xi32>
    %iota3A_55 = tpu.iota {dimensions = array<i32: 1>} : vector<24x256xi32>
    %jit3A_56 = arith.constant 32 : i32
    %div3A_57 = vector.broadcast %jit3A_56 : i32 to vector<24x256xi32>
    %div3A_58 = arith.divsi %iota3A_55, %div3A_57 : vector<24x256xi32>
    %sign3A_59 = arith.constant 0 : i32
    %sign3A_60 = vector.broadcast %sign3A_59 : i32 to vector<24x256xi32>
    %sign3A_61 = arith.cmpi sgt, %iota3A_55, %sign3A_60 : vector<24x256xi32>
    %sign3A_62 = arith.extui %sign3A_61 : vector<24x256xi1> to vector<24x256xi32>
    %sign3A_63 = arith.constant 0 : i32
    %sign3A_64 = vector.broadcast %sign3A_63 : i32 to vector<24x256xi32>
    %sign3A_65 = arith.cmpi slt, %iota3A_55, %sign3A_64 : vector<24x256xi32>
    %sign3A_66 = arith.extui %sign3A_65 : vector<24x256xi1> to vector<24x256xi32>
    %sign3A_67 = arith.subi %sign3A_62, %sign3A_66 : vector<24x256xi32>
    %sign3A_68 = arith.constant 0 : i32
    %sign3A_69 = arith.cmpi sgt, %jit3A_56, %sign3A_68 : i32
    %sign3A_70 = arith.extui %sign3A_69 : i1 to i32
    %sign3A_71 = arith.constant 0 : i32
    %sign3A_72 = arith.cmpi slt, %jit3A_56, %sign3A_71 : i32
    %sign3A_73 = arith.extui %sign3A_72 : i1 to i32
    %sign3A_74 = arith.subi %sign3A_70, %sign3A_73 : i32
    %ne3A_75 = vector.broadcast %sign3A_74 : i32 to vector<24x256xi32>
    %ne3A_76 = arith.cmpi ne, %sign3A_67, %ne3A_75 : vector<24x256xi32>
    %rem3A_77 = vector.broadcast %jit3A_56 : i32 to vector<24x256xi32>
    %rem3A_78 = arith.remsi %iota3A_55, %rem3A_77 : vector<24x256xi32>
    %ne3A_79 = arith.constant 0 : i32
    %ne3A_80 = vector.broadcast %ne3A_79 : i32 to vector<24x256xi32>
    %ne3A_81 = arith.cmpi ne, %rem3A_78, %ne3A_80 : vector<24x256xi32>
    %and3A_82 = arith.andi %ne3A_76, %ne3A_81 : vector<24x256xi1>
    %sub3A_83 = arith.constant 1 : i32
    %sub3A_84 = vector.broadcast %sub3A_83 : i32 to vector<24x256xi32>
    %sub3A_85 = arith.subi %div3A_58, %sub3A_84 : vector<24x256xi32>
    %select_n3A_86 = arith.select %and3A_82, %sub3A_85, %div3A_58 : vector<24x256xi1>, vector<24x256xi32>
    %eq3A = arith.cmpi eq, %select_n3A, %select_n3A_86 : vector<24x256xi32>
    %broadcast_in_dim3A = vector.shape_cast %slice3A_30 : vector<3x256xf32> to vector<1x3x256xf32>
    %broadcast_in_dim3A_87 = vector.shape_cast %broadcast_in_dim3A : vector<1x3x256xf32> to vector<1x3x256xf32>
    %broadcast_in_dim3A_88 = vector.broadcast %broadcast_in_dim3A_87 : vector<1x3x256xf32> to vector<8x3x256xf32>
    %reshape3A = vector.shape_cast %broadcast_in_dim3A_88 : vector<8x3x256xf32> to vector<24x256xf32>
    %jit3A_89 = arith.constant 0.000000e+00 : f32
    %broadcast_in_dim3A_90 = vector.broadcast %jit3A_89 : f32 to vector<24x256xf32>
    %select_n3A_91 = arith.select %eq3A, %reshape3A, %broadcast_in_dim3A_90 : vector<24x256xi1>, vector<24x256xf32>
    %broadcast_in_dim3A_92 = vector.shape_cast %slice3A_31 : vector<3x256xf32> to vector<1x3x256xf32>
    %broadcast_in_dim3A_93 = vector.shape_cast %broadcast_in_dim3A_92 : vector<1x3x256xf32> to vector<1x3x256xf32>
    %broadcast_in_dim3A_94 = vector.broadcast %broadcast_in_dim3A_93 : vector<1x3x256xf32> to vector<8x3x256xf32>
    %reshape3A_95 = vector.shape_cast %broadcast_in_dim3A_94 : vector<8x3x256xf32> to vector<24x256xf32>
    %jit3A_96 = arith.constant 0.000000e+00 : f32
    %broadcast_in_dim3A_97 = vector.broadcast %jit3A_96 : f32 to vector<24x256xf32>
    %select_n3A_98 = arith.select %eq3A, %reshape3A_95, %broadcast_in_dim3A_97 : vector<24x256xi1>, vector<24x256xf32>
    %dot_general3A_99 = arith.constant dense<0.000000e+00> : vector<3x24xf32>
    %dot_general3A_100 = tpu.matmul %slice3A, %select_n3A_91, %dot_general3A_99 {dimension_numbers = #tpu.dot_dimension_numbers<[1], [1], [0], [0], [0, 0, 1, 0], [], []>, transpose_lhs_hint = false} : vector<3x256xf32>, vector<24x256xf32>, vector<3x24xf32> -> vector<3x24xf32>
    %mul3A = arith.constant 0.176776692 : f32
    %mul3A_101 = vector.broadcast %mul3A : f32 to vector<3x24xf32>
    %mul3A_102 = arith.mulf %dot_general3A_100, %mul3A_101 : vector<3x24xf32>
    %reshape3A_103 = vector.shape_cast %mul3A_102 : vector<3x24xf32> to vector<3x8x3xf32>
    %reduce_max3A = arith.constant dense<0xFF800000> : vector<3x8xf32>
    %reduce_max3A_104 = vector.multi_reduction <maximumf>, %reshape3A_103, %reduce_max3A [2] : vector<3x8x3xf32> to vector<3x8xf32>
    %max3A = arith.constant 0xFF800000 : f32
    %max3A_105 = vector.broadcast %max3A : f32 to vector<3x8xf32>
    %max3A_106 = arith.maximumf %max3A_105, %reduce_max3A_104 : vector<3x8xf32>
    %broadcast_in_dim3A_107 = vector.shape_cast %max3A_106 : vector<3x8xf32> to vector<3x8x1xf32>
    %sub3A_108 = vector.broadcast %broadcast_in_dim3A_107 : vector<3x8x1xf32> to vector<3x8x3xf32>
    %sub3A_109 = arith.subf %reshape3A_103, %sub3A_108 : vector<3x8x3xf32>
    %exp3A = math.exp %sub3A_109 : vector<3x8x3xf32>
    %reduce_sum3A = arith.constant dense<0.000000e+00> : vector<3x8xf32>
    %reduce_sum3A_110 = vector.multi_reduction <add>, %exp3A, %reduce_sum3A [2] : vector<3x8x3xf32> to vector<3x8xf32>
    %broadcast_in_dim3A_111 = vector.shape_cast %reduce_sum3A_110 : vector<3x8xf32> to vector<3x8x1xf32>
    %div3A_112 = vector.broadcast %broadcast_in_dim3A_111 : vector<3x8x1xf32> to vector<3x8x3xf32>
    %div3A_113 = arith.divf %exp3A, %div3A_112 : vector<3x8x3xf32>
    %reshape3A_114 = vector.shape_cast %div3A_113 : vector<3x8x3xf32> to vector<3x24xf32>
    %dot_general3A_115 = arith.constant dense<0.000000e+00> : vector<3x256xf32>
    %dot_general3A_116 = tpu.matmul %reshape3A_114, %select_n3A_98, %dot_general3A_115 {dimension_numbers = #tpu.dot_dimension_numbers<[1], [0], [0], [1], [0, 0, 1, 1], [], []>, transpose_lhs_hint = false} : vector<3x24xf32>, vector<24x256xf32>, vector<3x256xf32> -> vector<3x256xf32>
    %swap3A = arith.constant 0 : index
    %swap3A_117 = arith.constant 0 : index
    %swap3A_118 = arith.constant 0 : index
    %swap3A_119 = vector.load %arg4[%swap3A, %swap3A_117, %swap3A_118] : memref<1x3x256xf32, #tpu.memory_space<vmem>>, vector<1x3x256xf32>
    %swap3A_120 = vector.shape_cast %swap3A_119 : vector<1x3x256xf32> to vector<3x256xf32>
    %swap3A_121 = vector.shape_cast %dot_general3A_116 : vector<3x256xf32> to vector<1x3x256xf32>
    tpu.vector_store %arg4[%swap3A, %swap3A_117, %swap3A_118], %swap3A_121 {strides = array<i32>} : memref<1x3x256xf32, #tpu.memory_space<vmem>>, vector<1x3x256xf32>,
    return
  }
  func.func @transform_0(%arg0: i32) -> (i32, i32) {
    %add3A = arith.constant 0 : i32
    %add3A_0 = arith.addi %arg0, %add3A : i32
    %c0_i32 = arith.constant 0 : i32
    %c0_i32_1 = arith.constant 0 : i32
    return %add3A_0, %c0_i32 : i32, i32
  }
  func.func @transform_1(%arg0: i32) -> (i32, i32, i32) {
    %c0_i32 = arith.constant 0 : i32
    %c0_i32_0 = arith.constant 0 : i32
    %c0_i32_1 = arith.constant 0 : i32
    return %arg0, %c0_i32, %c0_i32_0 : i32, i32, i32
  }
  func.func @transform_2(%arg0: i32) -> (i32, i32) {
    %c0_i32 = arith.constant 0 : i32
    %c0_i32_0 = arith.constant 0 : i32
    %c0_i32_1 = arith.constant 0 : i32
    return %c0_i32, %c0_i32_0 : i32, i32
  }
  func.func @transform_3(%arg0: i32) -> (i32, i32, i32) {
    %c0_i32 = arith.constant 0 : i32
    %c0_i32_0 = arith.constant 0 : i32
    %c0_i32_1 = arith.constant 0 : i32
    return %arg0, %c0_i32, %c0_i32_0 : i32, i32, i32
  }
}

module attributes {stable_mosaic.version = 14 : i64} {
  func.func @_tc_body(%arg0: i32, %arg1: memref<4096x256xf32, #tpu.memory_space<vmem>>, %arg2: memref<4x3x4096xf32, #tpu.memory_space<vmem>>, %arg3: memref<768x256xf32, #tpu.memory_space<vmem>>, %arg4: memref<1x3x256xf32, #tpu.memory_space<vmem>>) attributes {dimension_semantics = [#tpu.dimension_semantics<arbitrary>], iteration_bounds = array<i64: 8>, scalar_prefetch = 0 : i64, scratch_operands = 0 : i64, tpu.core_type = #tpu.core_type<tc>, window_params = [{transform_indices = @transform_0, window_bounds = array<i64: 4096, 256>}, {transform_indices = @transform_1, window_bounds = array<i64: 4, 3, 4096>}, {pipeline_mode = #tpu.pipeline_mode<synchronous>, transform_indices = @transform_2, window_bounds = array<i64: 768, 256>}, {transform_indices = @transform_3, window_bounds = array<i64: 1, 3, 256>}]} {
    %get3A = arith.constant 0 : index
    %get3A_0 = arith.constant 0 : index
    %get3A_1 = arith.constant 0 : index
    %get3A_2 = vector.load %arg2[%get3A, %get3A_0, %get3A_1] : memref<4x3x4096xf32, #tpu.memory_space<vmem>>, vector<1x3x4096xf32>
    %get3A_3 = vector.shape_cast %get3A_2 : vector<1x3x4096xf32> to vector<3x4096xf32>
    %get3A_4 = arith.constant 1 : index
    %get3A_5 = arith.constant 0 : index
    %get3A_6 = arith.constant 0 : index
    %get3A_7 = vector.load %arg2[%get3A_4, %get3A_5, %get3A_6] : memref<4x3x4096xf32, #tpu.memory_space<vmem>>, vector<1x3x4096xf32>
    %get3A_8 = vector.shape_cast %get3A_7 : vector<1x3x4096xf32> to vector<3x4096xf32>
    %add3A = arith.addf %get3A_3, %get3A_8 : vector<3x4096xf32>
    %get3A_9 = arith.constant 2 : index
    %get3A_10 = arith.constant 0 : index
    %get3A_11 = arith.constant 0 : index
    %get3A_12 = vector.load %arg2[%get3A_9, %get3A_10, %get3A_11] : memref<4x3x4096xf32, #tpu.memory_space<vmem>>, vector<1x3x4096xf32>
    %get3A_13 = vector.shape_cast %get3A_12 : vector<1x3x4096xf32> to vector<3x4096xf32>
    %add3A_14 = arith.addf %add3A, %get3A_13 : vector<3x4096xf32>
    %get3A_15 = arith.constant 3 : index
    %get3A_16 = arith.constant 0 : index
    %get3A_17 = arith.constant 0 : index
    %get3A_18 = vector.load %arg2[%get3A_15, %get3A_16, %get3A_17] : memref<4x3x4096xf32, #tpu.memory_space<vmem>>, vector<1x3x4096xf32>
    %get3A_19 = vector.shape_cast %get3A_18 : vector<1x3x4096xf32> to vector<3x4096xf32>
    %add3A_20 = arith.addf %add3A_14, %get3A_19 : vector<3x4096xf32>
    %get3A_21 = arith.constant 0 : index
    %get3A_22 = arith.constant 0 : index
    %get3A_23 = vector.load %arg1[%get3A_21, %get3A_22] : memref<4096x256xf32, #tpu.memory_space<vmem>>, vector<4096x256xf32>
    %dot_general3A = arith.constant dense<0.000000e+00> : vector<3x256xf32>
    %dot_general3A_24 = tpu.matmul %add3A_20, %get3A_23, %dot_general3A {dimension_numbers = #tpu.dot_dimension_numbers<[1], [0], [0], [1], [0, 0, 1, 1], [], []>, precision = #tpu.contract_precision<fp32>, transpose_lhs_hint = false} : vector<3x4096xf32>, vector<4096x256xf32>, vector<3x256xf32> -> vector<3x256xf32>
    %get3A_25 = arith.constant 0 : index
    %get3A_26 = arith.constant 0 : index
    %get3A_27 = vector.load %arg3[%get3A_25, %get3A_26] : memref<768x256xf32, #tpu.memory_space<vmem>>, vector<768x256xf32>
    %dot_general3A_28 = arith.constant dense<0.000000e+00> : vector<3x768xf32>
    %dot_general3A_29 = tpu.matmul %dot_general3A_24, %get3A_27, %dot_general3A_28 {dimension_numbers = #tpu.dot_dimension_numbers<[1], [1], [0], [0], [0, 0, 1, 0], [], []>, transpose_lhs_hint = false} : vector<3x256xf32>, vector<768x256xf32>, vector<3x768xf32> -> vector<3x768xf32>
    %slice3A = vector.extract_strided_slice %dot_general3A_29 {offsets = [0, 0], sizes = [3, 256], strides = [1, 1]} : vector<3x768xf32> to vector<3x256xf32>
    %slice3A_30 = vector.extract_strided_slice %dot_general3A_29 {offsets = [0, 256], sizes = [3, 256], strides = [1, 1]} : vector<3x768xf32> to vector<3x256xf32>
    %slice3A_31 = vector.extract_strided_slice %dot_general3A_29 {offsets = [0, 512], sizes = [3, 256], strides = [1, 1]} : vector<3x768xf32> to vector<3x256xf32>
    %iota3A = tpu.iota {dimensions = array<i32: 0>} : vector<24x256xi32>
    %jit3A = arith.constant 3 : i32
    %div3A = vector.broadcast %jit3A : i32 to vector<24x256xi32>
    %div3A_32 = arith.divsi %iota3A, %div3A : vector<24x256xi32>
    %sign3A = arith.constant 0 : i32
    %sign3A_33 = vector.broadcast %sign3A : i32 to vector<24x256xi32>
    %sign3A_34 = arith.cmpi sgt, %iota3A, %sign3A_33 : vector<24x256xi32>
    %sign3A_35 = arith.extui %sign3A_34 : vector<24x256xi1> to vector<24x256xi32>
    %sign3A_36 = arith.constant 0 : i32
    %sign3A_37 = vector.broadcast %sign3A_36 : i32 to vector<24x256xi32>
    %sign3A_38 = arith.cmpi slt, %iota3A, %sign3A_37 : vector<24x256xi32>
    %sign3A_39 = arith.extui %sign3A_38 : vector<24x256xi1> to vector<24x256xi32>
    %sign3A_40 = arith.subi %sign3A_35, %sign3A_39 : vector<24x256xi32>
    %sign3A_41 = arith.constant 0 : i32
    %sign3A_42 = arith.cmpi sgt, %jit3A, %sign3A_41 : i32
    %sign3A_43 = arith.extui %sign3A_42 : i1 to i32
    %sign3A_44 = arith.constant 0 : i32
    %sign3A_45 = arith.cmpi slt, %jit3A, %sign3A_44 : i32
    %sign3A_46 = arith.extui %sign3A_45 : i1 to i32
    %sign3A_47 = arith.subi %sign3A_43, %sign3A_46 : i32
    %ne3A = vector.broadcast %sign3A_47 : i32 to vector<24x256xi32>
    %ne3A_48 = arith.cmpi ne, %sign3A_40, %ne3A : vector<24x256xi32>
    %rem3A = vector.broadcast %jit3A : i32 to vector<24x256xi32>
    %rem3A_49 = arith.remsi %iota3A, %rem3A : vector<24x256xi32>
    %ne3A_50 = arith.constant 0 : i32
    %ne3A_51 = vector.broadcast %ne3A_50 : i32 to vector<24x256xi32>
    %ne3A_52 = arith.cmpi ne, %rem3A_49, %ne3A_51 : vector<24x256xi32>
    %and3A = arith.andi %ne3A_48, %ne3A_52 : vector<24x256xi1>
    %sub3A = arith.constant 1 : i32
    %sub3A_53 = vector.broadcast %sub3A : i32 to vector<24x256xi32>
    %sub3A_54 = arith.subi %div3A_32, %sub3A_53 : vector<24x256xi32>
    %select_n3A = arith.select %and3A, %sub3A_54, %div3A_32 : vector<24x256xi1>, vector<24x256xi32>
    %iota3A_55 = tpu.iota {dimensions = array<i32: 1>} : vector<24x256xi32>
    %jit3A_56 = arith.constant 32 : i32
    %div3A_57 = vector.broadcast %jit3A_56 : i32 to vector<24x256xi32>
    %div3A_58 = arith.divsi %iota3A_55, %div3A_57 : vector<24x256xi32>
    %sign3A_59 = arith.constant 0 : i32
    %sign3A_60 = vector.broadcast %sign3A_59 : i32 to vector<24x256xi32>
    %sign3A_61 = arith.cmpi sgt, %iota3A_55, %sign3A_60 : vector<24x256xi32>
    %sign3A_62 = arith.extui %sign3A_61 : vector<24x256xi1> to vector<24x256xi32>
    %sign3A_63 = arith.constant 0 : i32
    %sign3A_64 = vector.broadcast %sign3A_63 : i32 to vector<24x256xi32>
    %sign3A_65 = arith.cmpi slt, %iota3A_55, %sign3A_64 : vector<24x256xi32>
    %sign3A_66 = arith.extui %sign3A_65 : vector<24x256xi1> to vector<24x256xi32>
    %sign3A_67 = arith.subi %sign3A_62, %sign3A_66 : vector<24x256xi32>
    %sign3A_68 = arith.constant 0 : i32
    %sign3A_69 = arith.cmpi sgt, %jit3A_56, %sign3A_68 : i32
    %sign3A_70 = arith.extui %sign3A_69 : i1 to i32
    %sign3A_71 = arith.constant 0 : i32
    %sign3A_72 = arith.cmpi slt, %jit3A_56, %sign3A_71 : i32
    %sign3A_73 = arith.extui %sign3A_72 : i1 to i32
    %sign3A_74 = arith.subi %sign3A_70, %sign3A_73 : i32
    %ne3A_75 = vector.broadcast %sign3A_74 : i32 to vector<24x256xi32>
    %ne3A_76 = arith.cmpi ne, %sign3A_67, %ne3A_75 : vector<24x256xi32>
    %rem3A_77 = vector.broadcast %jit3A_56 : i32 to vector<24x256xi32>
    %rem3A_78 = arith.remsi %iota3A_55, %rem3A_77 : vector<24x256xi32>
    %ne3A_79 = arith.constant 0 : i32
    %ne3A_80 = vector.broadcast %ne3A_79 : i32 to vector<24x256xi32>
    %ne3A_81 = arith.cmpi ne, %rem3A_78, %ne3A_80 : vector<24x256xi32>
    %and3A_82 = arith.andi %ne3A_76, %ne3A_81 : vector<24x256xi1>
    %sub3A_83 = arith.constant 1 : i32
    %sub3A_84 = vector.broadcast %sub3A_83 : i32 to vector<24x256xi32>
    %sub3A_85 = arith.subi %div3A_58, %sub3A_84 : vector<24x256xi32>
    %select_n3A_86 = arith.select %and3A_82, %sub3A_85, %div3A_58 : vector<24x256xi1>, vector<24x256xi32>
    %eq3A = arith.cmpi eq, %select_n3A, %select_n3A_86 : vector<24x256xi32>
    %broadcast_in_dim3A = vector.shape_cast %slice3A_30 : vector<3x256xf32> to vector<1x3x256xf32>
    %broadcast_in_dim3A_87 = vector.shape_cast %broadcast_in_dim3A : vector<1x3x256xf32> to vector<1x3x256xf32>
    %broadcast_in_dim3A_88 = vector.broadcast %broadcast_in_dim3A_87 : vector<1x3x256xf32> to vector<8x3x256xf32>
    %reshape3A = vector.shape_cast %broadcast_in_dim3A_88 : vector<8x3x256xf32> to vector<24x256xf32>
    %jit3A_89 = arith.constant 0.000000e+00 : f32
    %broadcast_in_dim3A_90 = vector.broadcast %jit3A_89 : f32 to vector<24x256xf32>
    %select_n3A_91 = arith.select %eq3A, %reshape3A, %broadcast_in_dim3A_90 : vector<24x256xi1>, vector<24x256xf32>
    %broadcast_in_dim3A_92 = vector.shape_cast %slice3A_31 : vector<3x256xf32> to vector<1x3x256xf32>
    %broadcast_in_dim3A_93 = vector.shape_cast %broadcast_in_dim3A_92 : vector<1x3x256xf32> to vector<1x3x256xf32>
    %broadcast_in_dim3A_94 = vector.broadcast %broadcast_in_dim3A_93 : vector<1x3x256xf32> to vector<8x3x256xf32>
    %reshape3A_95 = vector.shape_cast %broadcast_in_dim3A_94 : vector<8x3x256xf32> to vector<24x256xf32>
    %jit3A_96 = arith.constant 0.000000e+00 : f32
    %broadcast_in_dim3A_97 = vector.broadcast %jit3A_96 : f32 to vector<24x256xf32>
    %select_n3A_98 = arith.select %eq3A, %reshape3A_95, %broadcast_in_dim3A_97 : vector<24x256xi1>, vector<24x256xf32>
    %dot_general3A_99 = arith.constant dense<0.000000e+00> : vector<3x24xf32>
    %dot_general3A_100 = tpu.matmul %slice3A, %select_n3A_91, %dot_general3A_99 {dimension_numbers = #tpu.dot_dimension_numbers<[1], [1], [0], [0], [0, 0, 1, 0], [], []>, transpose_lhs_hint = false} : vector<3x256xf32>, vector<24x256xf32>, vector<3x24xf32> -> vector<3x24xf32>
    %mul3A = arith.constant 0.176776692 : f32
    %mul3A_101 = vector.broadcast %mul3A : f32 to vector<3x24xf32>
    %mul3A_102 = arith.mulf %dot_general3A_100, %mul3A_101 : vector<3x24xf32>
    %reshape3A_103 = vector.shape_cast %mul3A_102 : vector<3x24xf32> to vector<3x8x3xf32>
    %reduce_max3A = arith.constant dense<0xFF800000> : vector<3x8xf32>
    %reduce_max3A_104 = vector.multi_reduction <maximumf>, %reshape3A_103, %reduce_max3A [2] : vector<3x8x3xf32> to vector<3x8xf32>
    %max3A = arith.constant 0xFF800000 : f32
    %max3A_105 = vector.broadcast %max3A : f32 to vector<3x8xf32>
    %max3A_106 = arith.maximumf %max3A_105, %reduce_max3A_104 : vector<3x8xf32>
    %broadcast_in_dim3A_107 = vector.shape_cast %max3A_106 : vector<3x8xf32> to vector<3x8x1xf32>
    %sub3A_108 = vector.broadcast %broadcast_in_dim3A_107 : vector<3x8x1xf32> to vector<3x8x3xf32>
    %sub3A_109 = arith.subf %reshape3A_103, %sub3A_108 : vector<3x8x3xf32>
    %exp3A = math.exp %sub3A_109 : vector<3x8x3xf32>
    %reduce_sum3A = arith.constant dense<0.000000e+00> : vector<3x8xf32>
    %reduce_sum3A_110 = vector.multi_reduction <add>, %exp3A, %reduce_sum3A [2] : vector<3x8x3xf32> to vector<3x8xf32>
    %broadcast_in_dim3A_111 = vector.shape_cast %reduce_sum3A_110 : vector<3x8xf32> to vector<3x8x1xf32>
    %div3A_112 = vector.broadcast %broadcast_in_dim3A_111 : vector<3x8x1xf32> to vector<3x8x3xf32>
    %div3A_113 = arith.divf %exp3A, %div3A_112 : vector<3x8x3xf32>
    %reshape3A_114 = vector.shape_cast %div3A_113 : vector<3x8x3xf32> to vector<3x24xf32>
    %dot_general3A_115 = arith.constant dense<0.000000e+00> : vector<3x256xf32>
    %dot_general3A_116 = tpu.matmul %reshape3A_114, %select_n3A_98, %dot_general3A_115 {dimension_numbers = #tpu.dot_dimension_numbers<[1], [0], [0], [1], [0, 0, 1, 1], [], []>, transpose_lhs_hint = false} : vector<3x24xf32>, vector<24x256xf32>, vector<3x256xf32> -> vector<3x256xf32>
    %swap3A = arith.constant 0 : index
    %swap3A_117 = arith.constant 0 : index
    %swap3A_118 = arith.constant 0 : index
    %swap3A_119 = vector.load %arg4[%swap3A, %swap3A_117, %swap3A_118] : memref<1x3x256xf32, #tpu.memory_space<vmem>>, vector<1x3x256xf32>
    %swap3A_120 = vector.shape_cast %swap3A_119 : vector<1x3x256xf32> to vector<3x256xf32>
    %swap3A_121 = vector.shape_cast %dot_general3A_116 : vector<3x256xf32> to vector<1x3x256xf32>
    tpu.vector_store %arg4[%swap3A, %swap3A_117, %swap3A_118], %swap3A_121 {strides = array<i32>} : memref<1x3x256xf32, #tpu.memory_space<vmem>>, vector<1x3x256xf32>,
    return
  }
  func.func @transform_0(%arg0: i32) -> (i32, i32) {
    %add3A = arith.constant 8 : i32
    %add3A_0 = arith.addi %arg0, %add3A : i32
    %c0_i32 = arith.constant 0 : i32
    %c0_i32_1 = arith.constant 0 : i32
    return %add3A_0, %c0_i32 : i32, i32
  }
  func.func @transform_1(%arg0: i32) -> (i32, i32, i32) {
    %c0_i32 = arith.constant 0 : i32
    %c0_i32_0 = arith.constant 0 : i32
    %c0_i32_1 = arith.constant 0 : i32
    return %arg0, %c0_i32, %c0_i32_0 : i32, i32, i32
  }
  func.func @transform_2(%arg0: i32) -> (i32, i32) {
    %c0_i32 = arith.constant 0 : i32
    %c0_i32_0 = arith.constant 0 : i32
    %c0_i32_1 = arith.constant 0 : i32
    return %c0_i32, %c0_i32_0 : i32, i32
  }
  func.func @transform_3(%arg0: i32) -> (i32, i32, i32) {
    %c0_i32 = arith.constant 0 : i32
    %c0_i32_0 = arith.constant 0 : i32
    %c0_i32_1 = arith.constant 0 : i32
    return %arg0, %c0_i32, %c0_i32_0 : i32, i32, i32
  }
}

</mosaic_0001>

<sc_bundles>
// kernel: kernel.6.cloned.1.call-start
scs
__scs_entry_jumppad:
0x0: {  	(pc) =	sbr.rel $0x88, $3  }
0x1: {  	(tag) =	ssettag $0x0;
	lr =	simm.s32 $0x1  }
0x2: {  	[smem:$0x3F99] =	sst lr;
	_ =	strace $0xD0000000  }
0x3: {  	_ = 	snop  }
0x4: {  	_ = 	snop  }
0x5: {  	_ = 	snop  }
0x6: {  	_ = 	snop  }
0x7: {  	_ = 	snop  }
__scs_overlays_trampoline_lowered:
0x8: {  	[smem:$0x3FA8] =	sst s0  }
0x9: {  	[smem:$0x3FA9] =	sst s1  }
0xa: {  	[smem:$0x3FAA] =	sst s2  }
0xb: {  	[smem:$0x3FAB] =	sst s3  }
0xc: {  	[smem:$0x3FAC] =	sst s4  }
0xd: {  	[smem:$0x3FAD] =	sst s5  }
0xe: {  	[smem:$0x3FAE] =	sst s6  }
0xf: {  	[smem:$0x3FAF] =	sst s7  }
0x10: {  	[smem:$0x3FB0] =	sst s8  }
0x11: {  	[smem:$0x3FB1] =	sst s9;
	s0 =	simm.s32 @!p0 $0x0  }
0x12: {  	s1 =	sld [smem:$0x3F97];
	s0 =	simm.s32 @p0 $0x1  }
0x13: {  	[smem:$0x3FB2] =	sst s0;
	s0 =	simm.s32 @!p1 $0x0  }
0x14: {  	s2 =	sld [smem:$0x3F96];
	s0 =	simm.s32 @p1 $0x1  }
0x15: {  	[smem:$0x3FB3] =	sst s0;
	s0 =	simm.s32 @!p2 $0x0  }
0x16: {  	s3 =	sld [smem:$0x3FDB];
	s0 =	simm.s32 @p2 $0x1  }
0x17: {  	s4 =	simm.s32 $0x1BF5;
	[smem:$0x3FB5] =	sst s0  }
0x18: {  	s0 =	sld [smem:$0x3F98];
	_ =	swait.ge [sflag:s4], $0x0  }
0x19: {  	s7 =	sld [smem:$0x3F99]  }
0x1a: {  	s8 =	sadd.s32 $0xFFFFE003, lr  }
0x1b: {  	s9 =	sadd.s32 $0xFFFFFEF7, lr;
	s5 =	simm.s32 $0xFFFFFFFF;
	p2 =	slt.u32 s8, $0xFFFFF086  }
0x1c: {  	p1 =	slt.u32 s9, $0xF7A;
	s5 =	simm.s32 @!p2 $0x0  }
0x1d: {  	s5 =	simm.s32 @p1 $0x1;
	p0 =	seq.s32 s7, s2  }
0x1e: {  	s7 =	smul.u32 @!p0 $0xF7A, s2;
	p2 =	seq.s32 @!p0 s5, $0x0  }
0x1f: {  	s9 =	smul.u32 $0xF7A, s1;
	s8 =	simm.s32 @!p0 $0x1BF5;
	p2 =	por !p2, p0  }
0x20: {  	[sflag:s8] =	ssyncset.s32 @!p0 $0xFFFFF086;
	s6 =	sadd.s32 @!p0 s3, s7;
	s7 =	simm.s32 @!p0 $0x108  }
0x21: {  	s3 =	sadd.s32 s3, s9;
	s6 =	sadd.s32 @!p0 $0x88, s6;
	s7 =	simm.s32 @p2 $0x1082  }
0x22: {  	[simem:s7], [sflag:s8] =	dma.local @!p0 [hbm:s6], $0xF7A  }
0x23: {  	s9 =	sor.u32 $0xD0000000, s2;
	s6 =	simm.s32 $0x108;
	_ =	swait.ge @!p0 [sflag:s8], $0x0  }
0x24: {  	s3 =	sadd.s32 $0x88, s3;
	s6 =	simm.s32 @!p1 $0x1082;
	[sflag:s4] =	ssyncset.s32 $0xFFFFF086  }
0x25: {  	[simem:s6], [sflag:s4] =	dma.local [hbm:s3], $0xF7A  }
0x26: {  	[smem:$0x3F99] =	sst s1;
	(tag) =	ssettag s2;
	_ =	strace s9  }
0x27: {  	s1 =	sld [smem:$0x3FA9]  }
0x28: {  	s2 =	sld [smem:$0x3FAA]  }
0x29: {  	s4 =	sld [smem:$0x3FAC]  }
0x2a: {  	p0 =	seq.s32 s5, $0x0;
	s5 =	sld [smem:$0x3FAD]  }
0x2b: {  	s6 =	sld [smem:$0x3FAE]  }
0x2c: {  	s7 =	sld [smem:$0x3FAF]  }
0x2d: {  	s3 =	simm.s32 $0x108;
	s8 =	sld [smem:$0x3FB0]  }
0x2e: {  	s3 =	simm.s32 @!p0 $0x1082;
	s9 =	sld [smem:$0x3FB1]  }
0x2f: {  	lr =	sadd.s32 s0, s3;
	s0 =	sld [smem:$0x3FA8]  }
0x30: {  	s3 =	sld [smem:$0x3FAB]  }
0x31: {  	[smem:$0x3FB4] =	sst s10  }
0x32: {  	s10 =	sld [smem:$0x3FB2];
	_ =	sdelay $0x3  }
0x33: {  	p0 =	seq.s32 s10, $0x1;
	s10 =	sld [smem:$0x3FB4];
	_ =	sdelay $0x3  }
0x34: {  	[smem:$0x3FB4] =	sst s10  }
0x35: {  	s10 =	sld [smem:$0x3FB3];
	_ =	sdelay $0x3  }
0x36: {  	p1 =	seq.s32 s10, $0x1;
	s10 =	sld [smem:$0x3FB4];
	_ =	sdelay $0x3  }
0x37: {  	[smem:$0x3FB4] =	sst s10  }
0x38: {  	s10 =	sld [smem:$0x3FB5]  }
0x39: {  	_ = 	snop;
	(pc) =	sbr.ind lr, $3  }
0x3a: {  	_ = 	snop  }
0x3b: {  	_ = 	snop  }
0x3c: {  	p2 =	seq.s32 s10, $0x1;
	s10 =	sld [smem:$0x3FB4]  }
0x3d: {  	_ =	shalt  }
0x3e: {  	_ =	shalt  }
0x3f: {  	_ =	shalt  }
0x40: {  	_ =	shalt  }
0x41: {  	_ =	shalt  }
0x42: {  	_ =	shalt  }
0x43: {  	_ =	shalt  }
0x44: {  	_ =	shalt  }
0x45: {  	_ =	shalt  }
0x46: {  	_ =	shalt  }
0x47: {  	_ =	shalt  }
0x48: {  	_ =	shalt  }
0x49: {  	_ =	shalt  }
0x4a: {  	_ =	shalt  }
0x4b: {  	_ =	shalt  }
0x4c: {  	_ =	shalt  }
0x4d: {  	_ =	shalt  }
0x4e: {  	_ =	shalt  }
0x4f: {  	_ =	shalt  }
0x50: {  	_ =	shalt  }
0x51: {  	_ =	shalt  }
0x52: {  	_ =	shalt  }
0x53: {  	_ =	shalt  }
0x54: {  	_ =	shalt  }
0x55: {  	_ =	shalt  }
0x56: {  	_ =	shalt  }
0x57: {  	_ =	shalt  }
0x58: {  	_ =	shalt  }
0x59: {  	_ =	shalt  }
0x5a: {  	_ =	shalt  }
0x5b: {  	_ =	shalt  }
0x5c: {  	_ =	shalt  }
0x5d: {  	_ =	shalt  }
0x5e: {  	_ =	shalt  }
0x5f: {  	_ =	shalt  }
0x60: {  	_ =	shalt  }
0x61: {  	_ =	shalt  }
0x62: {  	_ =	shalt  }
0x63: {  	_ =	shalt  }
0x64: {  	_ =	shalt  }
0x65: {  	_ =	shalt  }
0x66: {  	_ =	shalt  }
0x67: {  	_ =	shalt  }
0x68: {  	_ =	shalt  }
0x69: {  	_ =	shalt  }
0x6a: {  	_ =	shalt  }
0x6b: {  	_ =	shalt  }
0x6c: {  	_ =	shalt  }
0x6d: {  	_ =	shalt  }
0x6e: {  	_ =	shalt  }
0x6f: {  	_ =	shalt  }
0x70: {  	_ =	shalt  }
0x71: {  	_ =	shalt  }
0x72: {  	_ =	shalt  }
0x73: {  	_ =	shalt  }
0x74: {  	_ =	shalt  }
0x75: {  	_ =	shalt  }
0x76: {  	_ =	shalt  }
0x77: {  	_ =	shalt  }
0x78: {  	_ =	shalt  }
0x79: {  	_ =	shalt  }
0x7a: {  	_ =	shalt  }
0x7b: {  	_ =	shalt  }
0x7c: {  	_ =	shalt  }
0x7d: {  	_ =	shalt  }
0x7e: {  	_ =	shalt  }
0x7f: {  	_ =	shalt  }
0x80: {  	_ =	shalt  }
0x81: {  	_ =	shalt  }
0x82: {  	_ =	shalt  }
0x83: {  	_ =	shalt  }
0x84: {  	_ =	shalt  }
0x85: {  	_ =	shalt  }
0x86: {  	_ =	shalt  }
0x87: {  	_ =	shalt  }
.Lfunc_end0:
.L_simem_size_0:
called_computation_lowered:
.L_overlay_start_0:
0x88: {  	s2 =	sld [smem:$0x3FD9]  }
0x89: {  	s3 =	sld [smem:$0x3FFE];
	_ =	sdelay $0x1  }
0x8a: {  	s1 =	srdreg.scid  }
0x8b: {  	s0 =	sand.u32 $0x1, s1  }
0x8c: {  	s17 =	sshll.u32 s0, $0xA;
	s2 =	sadd.s32 s3, s2  }
0x8d: {  	s2 =	sadd.s32 s2, s17  }
0x8e: {  	[smem:$0x3FC0] =	sst s2  }
0x8f: {  	_ = 	snop  }
0x90: {  	s18 =	sld [smem:$0x3FC8]  }
0x91: {  	s4 =	sld [smem:$0x3FC7]  }
0x92: {  	s5 =	sld [smem:$0x3FC6]  }
0x93: {  	s6 =	sld [smem:$0x3FC5];
	(tm) =	ssettm $0x1  }
0x94: {  	s19 =	sld [smem:$0x3FFB];
	_ =	sdelay $0x3  }
0x95: {  	_ =	strace s19  }
0x96: {  	s2 =	sld [smem:$0x3FFC];
	_ =	sdelay $0x3  }
0x97: {  	_ =	strace s2  }
0x98: {  	s2 =	sld [smem:$0x3FFD];
	_ =	sdelay $0x3  }
0x99: {  	_ =	strace s2  }
0x9a: {  	_ =	strace $0x8FFFFFFF  }
0x9b: {  	s20 =	sld [smem:$0x3FDB];
	_ =	sdelay $0x1  }
0x9c: {  	s7 =	simm.s32 $_scs_section_size  }
0x9d: {  	s8 =	simm.s32 $_size__tile_overlayer_lowered;
	s9 =	simm.s32 $_tile_overlayer_lowered  }
0x9e: {  	s10 =	simm.s32 $0x1BFF;
	s21 =	sshll.u32 s9, $0x1;
	s7 =	sadd.s32 s7, s20  }
0x9f: {  	s22 =	simm.s32 $0x0;
	s8 =	sshll.u32 s8, $0x1;
	s9 =	sadd.s32 s21, s7  }
0xa0: {  	[timem:s22], [sflag:s10] =	dma.local [hbm:s9], s8  }
0xa1: {  	_ =	swait.ge [sflag:s10], s8  }
0xa2: {  	s8 =	ssub.s32 $0x0, s8;
	[sflag:s10] =	ssyncset.done $0x0  }
0xa3: {  	[sflag:s10] =	ssyncadd.s32 s8;
	_ =	sdelay $0x1  }
0xa4: {  	s23 =	simm.s32 $0x1B8B  }
0xa5: {  	_ =	swait.ge [sflag:s23], $0x1  }
0xa6: {  	[sflag:s23] =	ssyncset.done $0x0  }
0xa7: {  	[sflag:s23] =	ssyncadd.s32 $0xFFFFFFFF  }
0xa8: {  	s8 =	sld [smem:$0x0]  }
0xa9: {  	s9 =	sand.u32 $0xFFFFFFFE, s1  }
0xaa: {  	p0 =	sne.s32 s1, s9  }
0xab: {  	s9 =	sshll.u32 @p0 s9, $0xE  }
0xac: {  	s9 =	sadd.s32 @p0 $0x11B8D, s9;
	s10 =	sshll.u32 @p0 s8, $0x11  }
0xad: {  	s9 =	sor.u32 @p0 s10, s9  }
0xae: {  	[sflag:s9] =	ssyncadd.remote.s32 @p0 $0x1;
	_ =	sdelay $0x1  }
0xaf: {  	s9 =	simm.s32 @p0 $0x1B8D  }
0xb0: {  	_ =	swait.eq @p0 [sflag:s9], $0x1  }
0xb1: {  	[sflag:s9] =	ssyncadd.s32 @p0 $0xFFFFFFFF  }
0xb2: {  	s10 =	sshll.u32 @!p0 s1, $0xE  }
0xb3: {  	s10 =	sor.u32 @!p0 $0x4000, s10;
	s9 =	simm.s32 @!p0 $0x1B8D  }
0xb4: {  	s8 =	sshll.u32 @!p0 s8, $0x11;
	s10 =	sadd.s32 @!p0 $0x11B8D, s10;
	_ =	swait.eq @!p0 [sflag:s9], $0x1  }
0xb5: {  	s8 =	sor.u32 @!p0 s8, s10;
	[sflag:s9] =	ssyncadd.s32 @!p0 $0xFFFFFFFF  }
0xb6: {  	s25 =	simm.s32 $0x1B8E;
	s24 =	sld [smem:$0x3FFE];
	[sflag:s8] =	ssyncadd.remote.s32 @!p0 $0x1  }
0xb7: {  	s26 =	simm.s32 $execute0_lowered;
	[smem:$0x3FD2] =	sst s25  }
0xb8: {  	s9 =	sshll.u32 s26, $0x1;
	_ =	strace $0x80000049;
	[dreg:$0x1] =	wrdreg $0xFFFFFFFF  }
0xb9: {  	s28 =	simm.s32 $_size_execute0_lowered;
	s7 =	sadd.s32 s7, s9;
	[dreg:$0x0] =	wrdreg $0x0  }
0xba: {  	s9 =	sshll.u32 s28, $0x1;
	[dreg:$0x2] =	wrdreg s7  }
0xbb: {  	[dreg:$0x3] =	wrdreg s9  }
0xbc: {  	[dreg:$0x4] =	wrdreg $0xC0  }
0xbd: {  	_ =	task [dreg:s22], $0x5FFFF  }
0xbe: {  	[dreg:$0x1] =	wrdreg $0xFFFFFFFF  }
0xbf: {  	[dreg:$0x0] =	wrdreg $0x60  }
0xc0: {  	[dreg:$0x2] =	wrdreg s18  }
0xc1: {  	[dreg:$0x3] =	wrdreg s4  }
0xc2: {  	[dreg:$0x4] =	wrdreg s5  }
0xc3: {  	[dreg:$0x5] =	wrdreg s6  }
0xc4: {  	[dreg:$0x6] =	wrdreg s24  }
0xc5: {  	[dreg:$0x7] =	wrdreg $0x180000  }
0xc6: {  	[dreg:$0x8] =	wrdreg $0x9  }
0xc7: {  	_ =	task.clear_ibuf [dreg:s22], $0x9FFFF;
	_ =	strace $0x90000049  }
0xc8: {  	s29 =	simm.s32 $0x9;
	_ =	strace $0x8000004B  }
0xc9: {  	_ =	swait.ge [sflag:s29], $0x1  }
0xca: {  	[sflag:s29] =	ssyncadd.s32 $0xFFFFFFFF  }
0xcb: {  	_ =	strace $0x9000004B  }
0xcc: {  	_ =	sfence  }
0xcd: {  	s30 =	sld [smem:$0x0];
	_ =	sdelay $0x2  }
0xce: {  	s31 =	sshll.u32 s1, $0xD;
	s1 =	sshrl.u32 s1, $0x2  }
0xcf: {  	s4 =	sand.u32 $0x4000, s31;
	s1 =	sadd.s32 s1, s30  }
0xd0: {  	s0 =	sor.u32 s4, s0;
	s1 =	sshll.u32 s1, $0x11  }
0xd1: {  	s0 =	sor.u32 s1, s0  }
0xd2: {  	s0 =	sadd.s32 $0x8F2B, s0  }
0xd3: {  	[sflag:s0] =	ssyncadd.remote.s32 $0x1  }
0xd4: {  	_ =	sfence.sel $0xFFFF  }
0xd5: {  	[dreg:$0x0] =	wrdreg $0xFFFFFFFF;
	(pc) =	sbr.abs _section_cstart, $3  }
0xd6: {  	[dreg:$0x1] =	wrdreg $0xFFFFFFFF  }
0xd7: {  	_ =	task.clear_ibuf [dreg:s22], $0x2FFFF;
	_ =	strace $0x9FFFFFFF  }
0xd8: {  	(tm) =	ssettm $0x7FFFFFFF  }
0xd9: {  	_ =	shalt  }
tec
execute0_lowered:
.L_overlay_start_1:
0x0: {  	(tag) =	ssettag $0x1  }
0x1: {  	s1 =	rddreg [dreg:$0x0]  }
0x2: {  	s2 =	rddreg [dreg:$0x1]  }
0x3: {  	s3 =	rddreg [dreg:$0x2]  }
0x4: {  	s0 =	rddreg [dreg:$0x3]  }
0x5: {  	s7 =	rddreg [dreg:$0x4]  }
0x6: {  	s5 =	rddreg [dreg:$0x5]  }
0x7: {  	s4 =	stileid.u32;
	s6 =	simm.s32 $0x0;
	s8 =	srdreg.scid  }
0x8: {  	s15 =	simm.s32 $0xF000;
	s16 =	simm.s32 $0x3;
	s17 =	simm.s32 $0x80  }
0x9: {  	s18 =	simm.s32 $0x400;
	s20 =	simm.s32 $0x12000;
	s21 =	simm.s32 $0x0  }
0xa: {  	s9 =	sshll.u32 s4, $0x1;
	[smem:$0x7FF] =	sst s6;
	s8 =	sand.u32 $0x1, s8  }
0xb: {  	s10 =	sshrl.u32 s4, $0x2;
	s11 =	sshll.u32 s4, $0x8;
	s19 =	smul.u32 $0x3000, s4  }
0xc: {  	s26 =	sshrl.u32 s4, $0x1;
	s9 =	sand.u32 $0x2, s9;
	s10 =	smul.u32 $0x18000, s10  }
0xd: {  	s11 =	sand.u32 $0x200, s11;
	_ =	strace $0x8000004A;
	s9 =	sor.u32 s8, s9  }
0xe: {  	s28 =	sshll.u32 s26, $0x7;
	s8 =	ssub.s32 $0x2, s8;
	s12 =	sshll.u32 s9, $0x7  }
0xf: {  	s31 =	sshll.u32 s26, $0x4;
	s29 =	sshrl.u32 s8, $0x1;
	s11 =	sor.u32 s11, s12  }
0x10: {  	s9 =	smul.u32 $0x60000, s9;
	s14 =	ssub.s32 s8, s29;
	s10 =	sor.u32 s10, s11  }
0x11: {  	s12 =	sadd.s32 s0, s31;
	s11 =	sadd.s32 s19, s5;
	s10 =	sshrl.u32 s10, $0x3  }
0x12: {  	s14 =	smax.u32 s14, $0x1;
	s13 =	sadd.s32 s10, s7;
	s7 =	sor.u32 s28, s9  }
0x13: {  	v0 =	vmov s19;
	s19 =	simm.s32 $0x2;
	s30 =	sshrl.u32 s7, $0x3;
	s13 =	sadd.s32 $0xCE00, s13  }
0x14: {  	v1 =	vimm.f32 $0.0e+00;
	s8 =	sadd.s32 s1, s30;
	s9 =	sadd.s32 s2, s30;
	s10 =	sadd.s32 s3, s30  }
.LBB2_1:
0x15: {  	s22 =	simm.s32 $0x3000  }
0x16: {  	s23 =	simm.s32 $0x80;
	s25 =	sadd.s32 $0x0, s8;
	s24 =	simm.s32 $0x3100  }
.LBB2_2:
0x17: {  	[tilespmem:s22], [sflag:$0x1] =	stream.linear.gather [hbm4b:s25+s6], $0x80, $0x38;
	[tilespmem:$0x1B000] =	vst v63  }
0x18: {  	s0 =	smov.u32 s23;
	s22 =	smov.u32 s24;
	p0 =	sne.s32 s23, $0x1F80  }
.Ltmp0:
0x19: {  	s23 =	sadd.s32 $0x80, s23;
	(pc) =	sbr.rel @p0 .LBB2_2-.Ltmp0, $2  }
0x1a: {  	_ =	sdelay $0x2  }
0x1b: {  	s24 =	sadd.s32 $0x100, s24;
	s25 =	sadd.s32 s0, s8  }
0x1c: {  	[tilespmem:s22], [sflag:$0x1] =	stream.linear.gather [hbm4b:s25+s6], $0x80, $0x38;
	[tilespmem:$0x1B000] =	vst v63  }
0x1d: {  	s22 =	simm.s32 $0x7000  }
0x1e: {  	s23 =	simm.s32 $0x80;
	s25 =	sadd.s32 $0x0, s9;
	s24 =	simm.s32 $0x7100  }
.LBB2_4:
0x1f: {  	[tilespmem:s22], [sflag:$0x1] =	stream.linear.gather [hbm4b:s25+s6], $0x80, $0x38;
	[tilespmem:$0x1B000] =	vst v63  }
0x20: {  	s0 =	smov.u32 s23;
	s22 =	smov.u32 s24;
	p0 =	sne.s32 s23, $0x1F80  }
.Ltmp1:
0x21: {  	s23 =	sadd.s32 $0x80, s23;
	(pc) =	sbr.rel @p0 .LBB2_4-.Ltmp1, $2  }
0x22: {  	_ =	sdelay $0x2  }
0x23: {  	s24 =	sadd.s32 $0x100, s24;
	s25 =	sadd.s32 s0, s9  }
0x24: {  	[tilespmem:s22], [sflag:$0x1] =	stream.linear.gather [hbm4b:s25+s6], $0x80, $0x38;
	[tilespmem:$0x1B000] =	vst v63  }
0x25: {  	s22 =	simm.s32 $0x0;
	s23 =	simm.s32 $0xB000  }
0x26: {  	s24 =	simm.s32 $0x80;
	s26 =	sadd.s32 $0x0, s10;
	s25 =	simm.s32 $0xB100  }
.LBB2_6:
0x27: {  	[tilespmem:s23], [sflag:$0x1] =	stream.linear.gather [hbm4b:s26+s22], $0x80, $0x38;
	[tilespmem:$0x1B000] =	vst v63  }
0x28: {  	s0 =	smov.u32 s24;
	s23 =	smov.u32 s25;
	p0 =	sne.s32 s24, $0x1F80  }
.Ltmp2:
0x29: {  	s24 =	sadd.s32 $0x80, s24;
	(pc) =	sbr.rel @p0 .LBB2_6-.Ltmp2, $2  }
0x2a: {  	_ =	sdelay $0x2  }
0x2b: {  	s25 =	sadd.s32 $0x100, s25;
	s26 =	sadd.s32 s0, s10  }
0x2c: {  	[tilespmem:s23], [sflag:$0x1] =	stream.linear.gather [hbm4b:s26+s22], $0x80, $0x38;
	[tilespmem:$0x1B000] =	vst v63  }
0x2d: {  	s22 =	simm.s32 $0x40;
	s0 =	simm.s32 $0x0  }
.LBB2_8:
0x2e: {  	p0 =	sne.s32 s22, $0xBFC0;
	[tilespmem:s0+$0xF000] =	vst v1;
	s0 =	smov.u32 s22;
	s22 =	sadd.s32 $0x40, s22  }
.Ltmp3:
0x2f: {  	(pc) =	sbr.rel @p0 .LBB2_8-.Ltmp3, $2  }
0x30: {  	_ =	sdelay $0x2  }
0x31: {  	s0 =	sshra.s32 s0, $0x2  }
0x32: {  	[tilespmem:s0+$0xF000] =	vst v1  }
0x33: {  	[spmem:s11] =	stream.linear.scatter [tilespmem:s15], [sflag:$0x3], $0x3000, $0x38;
	[tilespmem:$0x1B000] =	vst v63  }
0x34: {  	_ =	swait.ge [sflag:s16], $0x3000  }
0x35: {  	[sflag:s16] =	ssyncset.done $0x0  }
0x36: {  	s23 =	simm.s32 $0x0;
	[sflag:s16] =	ssyncadd.s32 $0xFFFFD000  }
0x37: {  	[tilespmem:s23], [sflag:$0x3] =	stream.strided.gather [hbm4b:s12+s17], $0x3000, s18, s17, $0x38;
	[tilespmem:$0x1B000] =	vst v63  }
0x38: {  	_ =	swait.ge [sflag:s16], $0x3000  }
0x39: {  	[sflag:s16] =	ssyncset.done $0x0  }
0x3a: {  	s22 =	simm.s32 $0x0;
	[sflag:s16] =	ssyncadd.s32 $0xFFFFD000  }
0x3b: {  	s24 =	simm.s32 $0x40;
	v2 =	vld [tilespmem:s22+$0x0]  }
.LBB2_10:
0x3c: {  	p0 =	seq.s32 s24, $0xBFC0  }
.Ltmp4:
0x3d: {  	_ = 	snop;
	(pc) =	sbr.rel @!p0 .LBB2_10-.Ltmp4, $3  }
0x3e: {  	_ =	sdelay $0x1  }
0x3f: {  	s0 =	sshra.s32 s24, $0x2;
	s24 =	sadd.s32 $0x40, s24;
	v3 =	vshll.u32 v2, $0xC  }
0x40: {  	v2 =	vld [tilespmem:s0+$0x0];
	[tilespmem:s22+$0x0] =	vst v3;
	s22 =	smov.u32 s0  }
0x41: {  	_ =	sdelay $0x3  }
0x42: {  	v2 =	vshll.u32 v2, $0xC  }
0x43: {  	[tilespmem:s22+$0x0] =	vst v2  }
.LBB2_13:
0x44: {  	s22 =	simm.s32 $0x1  }
0x45: {  	_ =	swait.ge [sflag:s22], $0x2000  }
0x46: {  	[sflag:s22] =	ssyncset.done $0x0  }
0x47: {  	[sflag:s22] =	ssyncadd.s32 $0xFFFFE000  }
0x48: {  	p0 =	seq.s32 s23, $0x0;
	_ =	swait.ge [sflag:s22], $0x2000  }
.Ltmp5:
0x49: {  	[sflag:s22] =	ssyncset.done $0x0;
	(pc) =	sbr.rel @p0 .LBB2_18-.Ltmp5, $4  }
0x4a: {  	[sflag:s22] =	ssyncadd.s32 $0xFFFFE000  }
0x4b: {  	_ =	swait.ge [sflag:s22], $0x2000  }
0x4c: {  	s0 =	sshll.u32 s23, $0x7;
	[sflag:s22] =	ssyncset.done $0x0  }
0x4d: {  	s24 =	sand.u32 $0x80, s0;
	s0 =	simm.s32 $0x30;
	[sflag:s22] =	ssyncadd.s32 $0xFFFFE000  }
0x4e: {  	_ =	swait.ge [sflag:s19], $0x80  }
0x4f: {  	s22 =	sadd.s32 $0xFFFFFFFF, s0;
	[sflag:s19] =	ssyncset.done $0x0  }
.LBB2_15:
0x50: {  	p0 =	sne.s32 s22, $0x1;
	s22 =	sadd.s32 $0xFFFFFFFF, s22;
	[sflag:s19] =	ssyncadd.s32 $0xFFFFFF80  }
.Ltmp6:
0x51: {  	(pc) =	sbr.rel @p0 .LBB2_15-.Ltmp6, $3  }
0x52: {  	_ =	sdelay $0x1  }
0x53: {  	_ =	swait.ge [sflag:s19], $0x80  }
0x54: {  	[sflag:s19] =	ssyncset.done $0x0  }
0x55: {  	p0 =	seq.s32 s23, $0x5  }
.Ltmp7:
0x56: {  	_ = 	snop;
	(pc) =	sbr.rel @p0 .LBB2_25-.Ltmp7, $2  }
0x57: {  	_ =	sdelay $0x2  }
0x58: {  	[sflag:s19] =	ssyncadd.s32 $0xFFFFFF80;
	s22 =	simm.s32 $0x6  }
0x59: {  	s22 =	sadd.s32 $0x1, s23  }
.LBB2_18:
0x5a: {  	s0 =	sshll.u32 s22, $0x10  }
0x5b: {  	s0 =	sadd.s32 s7, s0  }
0x5c: {  	s25 =	sxor.u32 $0x80, s24;
	s26 =	sshrl.u32 s0, $0x3  }
0x5d: {  	s28 =	sor.u32 $0x3000, s25;
	s29 =	sadd.s32 s1, s26  }
0x5e: {  	s30 =	simm.s32 $0x80;
	s31 =	sadd.s32 $0x100, s28;
	s0 =	sadd.s32 $0x0, s29  }
.LBB2_19:
0x5f: {  	[tilespmem:s28], [sflag:$0x1] =	stream.linear.gather [hbm4b:s0+s6], $0x80, $0x38;
	[tilespmem:$0x1B000] =	vst v63  }
0x60: {  	s0 =	smov.u32 s30;
	s28 =	smov.u32 s31;
	p0 =	sne.s32 s30, $0x1F80  }
.Ltmp8:
0x61: {  	s30 =	sadd.s32 $0x80, s30;
	(pc) =	sbr.rel @p0 .LBB2_19-.Ltmp8, $2  }
0x62: {  	_ =	sdelay $0x2  }
0x63: {  	s31 =	sadd.s32 $0x100, s31;
	s0 =	sadd.s32 s0, s29  }
0x64: {  	[tilespmem:s28], [sflag:$0x1] =	stream.linear.gather [hbm4b:s0+s6], $0x80, $0x38;
	[tilespmem:$0x1B000] =	vst v63  }
0x65: {  	s28 =	sor.u32 $0x7000, s25;
	s29 =	sadd.s32 s2, s26  }
0x66: {  	s30 =	simm.s32 $0x80;
	s0 =	sadd.s32 $0x0, s29;
	s31 =	sadd.s32 $0x100, s28  }
.LBB2_21:
0x67: {  	[tilespmem:s28], [sflag:$0x1] =	stream.linear.gather [hbm4b:s0+s6], $0x80, $0x38;
	[tilespmem:$0x1B000] =	vst v63  }
0x68: {  	s0 =	smov.u32 s30;
	s28 =	smov.u32 s31;
	p0 =	sne.s32 s30, $0x1F80  }
.Ltmp9:
0x69: {  	s30 =	sadd.s32 $0x80, s30;
	(pc) =	sbr.rel @p0 .LBB2_21-.Ltmp9, $2  }
0x6a: {  	_ =	sdelay $0x2  }
0x6b: {  	s31 =	sadd.s32 $0x100, s31;
	s0 =	sadd.s32 s0, s29  }
0x6c: {  	[tilespmem:s28], [sflag:$0x1] =	stream.linear.gather [hbm4b:s0+s6], $0x80, $0x38;
	[tilespmem:$0x1B000] =	vst v63  }
0x6d: {  	s25 =	sor.u32 $0xB000, s25;
	s26 =	sadd.s32 s3, s26  }
0x6e: {  	s28 =	simm.s32 $0x80;
	s0 =	sadd.s32 $0x0, s26;
	s29 =	sadd.s32 $0x100, s25  }
.LBB2_23:
0x6f: {  	[tilespmem:s25], [sflag:$0x1] =	stream.linear.gather [hbm4b:s0+s6], $0x80, $0x38;
	[tilespmem:$0x1B000] =	vst v63  }
0x70: {  	s0 =	smov.u32 s28;
	s25 =	smov.u32 s29;
	p0 =	sne.s32 s28, $0x1F80  }
.Ltmp10:
0x71: {  	s28 =	sadd.s32 $0x80, s28;
	(pc) =	sbr.rel @p0 .LBB2_23-.Ltmp10, $2  }
0x72: {  	_ =	sdelay $0x2  }
0x73: {  	s29 =	sadd.s32 $0x100, s29;
	s0 =	sadd.s32 s0, s26  }
0x74: {  	[tilespmem:s25], [sflag:$0x1] =	stream.linear.gather [hbm4b:s0+s6], $0x80, $0x38;
	[tilespmem:$0x1B000] =	vst v63  }
.LBB2_25:
0x75: {  	s0 =	sand.u32 $0x1, s23;
	s26 =	sor.u32 $0x4000, s24  }
0x76: {  	p0 =	seq.s32 s0, $0x1;
	s0 =	simm.s32 $0x6000;
	v2 =	vmov s26  }
0x77: {  	s0 =	simm.s32 @!p0 $0x0  }
0x78: {  	s31 =	sor.u32 $0x8000, s24;
	s23 =	sshrl.u32 s0, $0x2  }
0x79: {  	s25 =	simm.s32 $0x0;
	v3 =	vmov s31;
	s24 =	sadd.s32 $0x15040, s23  }
.LBB2_26:
0x7a: {  	s0 =	sshra.s32 s25, $0x2  }
0x7b: {  	v4 =	vld.idx.msk [tilespmem:v2+s0+$0x0 ss:$0x1], $0xffff;
	_ =	sdelay $0x6  }
0x7c: {  	v5 =	vld.idx.msk [tilespmem:v3+s0+$0x0 ss:$0x1], $0xffff  }
0x7d: {  	v4 =	vld.idx.msk [tilespmem:v4+s6+$0x0], $0xffff;
	_ =	sdelay $0x3  }
0x7e: {  	v5 =	vadd.s32 v0, v5  }
0x7f: {  	v4 =	vadd.s32 v4, v5  }
0x80: {  	[tilespmem:s24+$0xFFFFFFC0] =	vst v4  }
0x81: {  	v4 =	vld.idx.msk [tilespmem:v2+s0+$0x10 ss:$0x1], $0xffff;
	_ =	sdelay $0x6  }
0x82: {  	v5 =	vld.idx.msk [tilespmem:v3+s0+$0x10 ss:$0x1], $0xffff  }
0x83: {  	v4 =	vld.idx.msk [tilespmem:v4+s6+$0x0], $0xffff;
	_ =	sdelay $0x3  }
0x84: {  	v5 =	vadd.s32 v0, v5  }
0x85: {  	v4 =	vadd.s32 v4, v5  }
0x86: {  	[tilespmem:s24+$0xFFFFFFD0] =	vst v4  }
0x87: {  	v4 =	vld.idx.msk [tilespmem:v2+s0+$0x20 ss:$0x1], $0xffff;
	_ =	sdelay $0x6  }
0x88: {  	v5 =	vld.idx.msk [tilespmem:v3+s0+$0x20 ss:$0x1], $0xffff  }
0x89: {  	v4 =	vld.idx.msk [tilespmem:v4+s6+$0x0], $0xffff;
	_ =	sdelay $0x3  }
0x8a: {  	v5 =	vadd.s32 v0, v5  }
0x8b: {  	v4 =	vadd.s32 v4, v5  }
0x8c: {  	[tilespmem:s24+$0xFFFFFFE0] =	vst v4  }
0x8d: {  	v4 =	vld.idx.msk [tilespmem:v2+s0+$0x30 ss:$0x1], $0xffff;
	_ =	sdelay $0x6  }
0x8e: {  	v5 =	vld.idx.msk [tilespmem:v3+s0+$0x30 ss:$0x1], $0xffff  }
0x8f: {  	v4 =	vld.idx.msk [tilespmem:v4+s6+$0x0], $0xffff;
	_ =	sdelay $0x3  }
0x90: {  	v5 =	vadd.s32 v0, v5  }
0x91: {  	v4 =	vadd.s32 v4, v5  }
0x92: {  	[tilespmem:s24+$0xFFFFFFF0] =	vst v4  }
0x93: {  	v4 =	vld.idx.msk [tilespmem:v2+s0+$0x40 ss:$0x1], $0xffff;
	_ =	sdelay $0x6  }
0x94: {  	v5 =	vld.idx.msk [tilespmem:v3+s0+$0x40 ss:$0x1], $0xffff  }
0x95: {  	v4 =	vld.idx.msk [tilespmem:v4+s6+$0x0], $0xffff;
	_ =	sdelay $0x3  }
0x96: {  	v5 =	vadd.s32 v0, v5  }
0x97: {  	v4 =	vadd.s32 v4, v5  }
0x98: {  	[tilespmem:s24+$0x0] =	vst v4  }
0x99: {  	v4 =	vld.idx.msk [tilespmem:v2+s0+$0x50 ss:$0x1], $0xffff;
	_ =	sdelay $0x6  }
0x9a: {  	v5 =	vld.idx.msk [tilespmem:v3+s0+$0x50 ss:$0x1], $0xffff  }
0x9b: {  	v4 =	vld.idx.msk [tilespmem:v4+s6+$0x0], $0xffff;
	_ =	sdelay $0x3  }
0x9c: {  	v5 =	vadd.s32 v0, v5  }
0x9d: {  	v4 =	vadd.s32 v4, v5  }
0x9e: {  	[tilespmem:s24+$0x10] =	vst v4  }
0x9f: {  	v4 =	vld.idx.msk [tilespmem:v2+s0+$0x60 ss:$0x1], $0xffff;
	_ =	sdelay $0x6  }
0xa0: {  	v5 =	vld.idx.msk [tilespmem:v3+s0+$0x60 ss:$0x1], $0xffff  }
0xa1: {  	v4 =	vld.idx.msk [tilespmem:v4+s6+$0x0], $0xffff;
	_ =	sdelay $0x3  }
0xa2: {  	v5 =	vadd.s32 v0, v5  }
0xa3: {  	v4 =	vadd.s32 v4, v5  }
0xa4: {  	[tilespmem:s24+$0x20] =	vst v4  }
0xa5: {  	v4 =	vld.idx.msk [tilespmem:v2+s0+$0x70 ss:$0x1], $0xffff;
	_ =	sdelay $0x6  }
0xa6: {  	v5 =	vld.idx.msk [tilespmem:v3+s0+$0x70 ss:$0x1], $0xffff  }
0xa7: {  	v4 =	vld.idx.msk [tilespmem:v4+s6+$0x0], $0xffff  }
0xa8: {  	p1 =	sne.s32 s25, $0xBC00  }
.Ltmp11:
0xa9: {  	_ = 	snop;
	(pc) =	sbr.rel @p1 .LBB2_26-.Ltmp11, $4  }
0xaa: {  	_ = 	snop  }
0xab: {  	v5 =	vadd.s32 v0, v5  }
0xac: {  	v4 =	vadd.s32 v4, v5  }
0xad: {  	s25 =	sadd.s32 $0x400, s25;
	[tilespmem:s24+$0x30] =	vst v4;
	s24 =	sadd.s32 $0x80, s24  }
0xae: {  	s0 =	simm.s32 $0x1  }
0xaf: {  	s0 =	simm.s32 @!p0 $0x0  }
0xb0: {  	s0 =	sshll.u32 s0, $0x9  }
0xb1: {  	s23 =	sadd.s32 $0x15000, s23;
	s24 =	sshrl.u32 s0, $0x2  }
0xb2: {  	s26 =	simm.s32 $0x200;
	s31 =	sadd.s32 $0x0, s23;
	s25 =	sor.u32 $0xC000, s24  }
0xb3: {  	[spmem:s5] =	stream.indirect.scatter.add.f32 [tilespmem:s25], [sflag:$0x2], $0x1, s31, s17, $0xb8;
	[tilespmem:$0x1B000] =	vst v63  }
.LBB2_28:
0xb4: {  	p0 =	sne.s32 s26, $0x5E00  }
.Ltmp12:
0xb5: {  	_ = 	snop;
	(pc) =	sbr.rel @p0 .LBB2_28-.Ltmp12, $4  }
0xb6: {  	_ = 	snop  }
0xb7: {  	s0 =	sshra.s32 s26, $0x2;
	s26 =	sadd.s32 $0x200, s26  }
0xb8: {  	s25 =	sadd.s32 $0x100, s25;
	s0 =	sadd.s32 s0, s23  }
0xb9: {  	[spmem:s5] =	stream.indirect.scatter.add.f32 [tilespmem:s25], [sflag:$0x2], $0x1, s0, s17, $0xb8;
	[tilespmem:$0x1B000] =	vst v63  }
0xba: {  	s0 =	sor.u32 $0x3100, s24  }
0xbb: {  	v2 =	vmov s0;
	_ =	sdelay $0x1  }
0xbc: {  	s25 =	sor.u32 $0x7100, s24;
	s31 =	sor.u32 $0xB100, s24  }
0xbd: {  	s23 =	simm.s32 $0x0;
	v3 =	vmov s25;
	v4 =	vmov s31  }
.LBB2_30:
0xbe: {  	s24 =	sshra.s32 s23, $0x2  }
0xbf: {  	v5 =	vld.idx.msk [tilespmem:v2+s24+$0xFFFFFF00 ss:$0x1], $0xffff;
	_ =	sdelay $0x6  }
0xc0: {  	v6 =	vld.idx.msk [tilespmem:v3+s24+$0xFFFFFF00 ss:$0x1], $0xffff  }
0xc1: {  	v5 =	vld.idx.msk [tilespmem:v5+s6+$0x0], $0xffff;
	_ =	sdelay $0x4  }
0xc2: {  	v7 =	vld.idx.msk [tilespmem:v4+s24+$0xFFFFFF00 ss:$0x1], $0xffff;
	v5 =	vadd.s32 v6, v5;
	_ =	sdelay $0x4  }
0xc3: {  	[tilespmem:v5+s15+$0x0] =	vst.idx.add.f32.msk $0xffff, v7  }
0xc4: {  	v5 =	vld.idx.msk [tilespmem:v2+s24+$0xFFFFFF10 ss:$0x1], $0xffff;
	_ =	sdelay $0x6  }
0xc5: {  	v6 =	vld.idx.msk [tilespmem:v3+s24+$0xFFFFFF10 ss:$0x1], $0xffff  }
0xc6: {  	v5 =	vld.idx.msk [tilespmem:v5+s6+$0x0], $0xffff;
	_ =	sdelay $0x4  }
0xc7: {  	v7 =	vld.idx.msk [tilespmem:v4+s24+$0xFFFFFF10 ss:$0x1], $0xffff;
	v5 =	vadd.s32 v6, v5;
	_ =	sdelay $0x4  }
0xc8: {  	[tilespmem:v5+s15+$0x0] =	vst.idx.add.f32.msk $0xffff, v7  }
0xc9: {  	v5 =	vld.idx.msk [tilespmem:v2+s24+$0xFFFFFF20 ss:$0x1], $0xffff;
	_ =	sdelay $0x6  }
0xca: {  	v6 =	vld.idx.msk [tilespmem:v3+s24+$0xFFFFFF20 ss:$0x1], $0xffff  }
0xcb: {  	v5 =	vld.idx.msk [tilespmem:v5+s6+$0x0], $0xffff;
	_ =	sdelay $0x4  }
0xcc: {  	v7 =	vld.idx.msk [tilespmem:v4+s24+$0xFFFFFF20 ss:$0x1], $0xffff;
	v5 =	vadd.s32 v6, v5;
	_ =	sdelay $0x4  }
0xcd: {  	[tilespmem:v5+s15+$0x0] =	vst.idx.add.f32.msk $0xffff, v7  }
0xce: {  	v5 =	vld.idx.msk [tilespmem:v2+s24+$0xFFFFFF30 ss:$0x1], $0xffff;
	_ =	sdelay $0x6  }
0xcf: {  	v6 =	vld.idx.msk [tilespmem:v3+s24+$0xFFFFFF30 ss:$0x1], $0xffff  }
0xd0: {  	v5 =	vld.idx.msk [tilespmem:v5+s6+$0x0], $0xffff;
	_ =	sdelay $0x4  }
0xd1: {  	v7 =	vld.idx.msk [tilespmem:v4+s24+$0xFFFFFF30 ss:$0x1], $0xffff;
	v5 =	vadd.s32 v6, v5;
	_ =	sdelay $0x4  }
0xd2: {  	[tilespmem:v5+s15+$0x0] =	vst.idx.add.f32.msk $0xffff, v7  }
0xd3: {  	v5 =	vld.idx.msk [tilespmem:v2+s24+$0xFFFFFF40 ss:$0x1], $0xffff;
	_ =	sdelay $0x6  }
0xd4: {  	v6 =	vld.idx.msk [tilespmem:v3+s24+$0xFFFFFF40 ss:$0x1], $0xffff  }
0xd5: {  	v5 =	vld.idx.msk [tilespmem:v5+s6+$0x0], $0xffff;
	_ =	sdelay $0x4  }
0xd6: {  	v7 =	vld.idx.msk [tilespmem:v4+s24+$0xFFFFFF40 ss:$0x1], $0xffff;
	v5 =	vadd.s32 v6, v5;
	_ =	sdelay $0x4  }
0xd7: {  	[tilespmem:v5+s15+$0x0] =	vst.idx.add.f32.msk $0xffff, v7  }
0xd8: {  	v5 =	vld.idx.msk [tilespmem:v2+s24+$0xFFFFFF50 ss:$0x1], $0xffff;
	_ =	sdelay $0x6  }
0xd9: {  	v6 =	vld.idx.msk [tilespmem:v3+s24+$0xFFFFFF50 ss:$0x1], $0xffff  }
0xda: {  	v5 =	vld.idx.msk [tilespmem:v5+s6+$0x0], $0xffff;
	_ =	sdelay $0x4  }
0xdb: {  	v7 =	vld.idx.msk [tilespmem:v4+s24+$0xFFFFFF50 ss:$0x1], $0xffff;
	v5 =	vadd.s32 v6, v5;
	_ =	sdelay $0x4  }
0xdc: {  	[tilespmem:v5+s15+$0x0] =	vst.idx.add.f32.msk $0xffff, v7  }
0xdd: {  	v5 =	vld.idx.msk [tilespmem:v2+s24+$0xFFFFFF60 ss:$0x1], $0xffff;
	_ =	sdelay $0x6  }
0xde: {  	v6 =	vld.idx.msk [tilespmem:v3+s24+$0xFFFFFF60 ss:$0x1], $0xffff  }
0xdf: {  	v5 =	vld.idx.msk [tilespmem:v5+s6+$0x0], $0xffff;
	_ =	sdelay $0x4  }
0xe0: {  	v7 =	vld.idx.msk [tilespmem:v4+s24+$0xFFFFFF60 ss:$0x1], $0xffff;
	v5 =	vadd.s32 v6, v5;
	_ =	sdelay $0x4  }
0xe1: {  	[tilespmem:v5+s15+$0x0] =	vst.idx.add.f32.msk $0xffff, v7  }
0xe2: {  	v5 =	vld.idx.msk [tilespmem:v2+s24+$0xFFFFFF70 ss:$0x1], $0xffff;
	_ =	sdelay $0x6  }
0xe3: {  	v6 =	vld.idx.msk [tilespmem:v3+s24+$0xFFFFFF70 ss:$0x1], $0xffff  }
0xe4: {  	v5 =	vld.idx.msk [tilespmem:v5+s6+$0x0], $0xffff;
	_ =	sdelay $0x4  }
0xe5: {  	v7 =	vld.idx.msk [tilespmem:v4+s24+$0xFFFFFF70 ss:$0x1], $0xffff;
	v5 =	vadd.s32 v6, v5;
	_ =	sdelay $0x4  }
0xe6: {  	[tilespmem:v5+s15+$0x0] =	vst.idx.add.f32.msk $0xffff, v7  }
0xe7: {  	v5 =	vld.idx.msk [tilespmem:v2+s24+$0x0 ss:$0x1], $0xffff;
	_ =	sdelay $0x6  }
0xe8: {  	v6 =	vld.idx.msk [tilespmem:v3+s24+$0x0 ss:$0x1], $0xffff  }
0xe9: {  	v5 =	vld.idx.msk [tilespmem:v5+s6+$0x0], $0xffff;
	_ =	sdelay $0x4  }
0xea: {  	v7 =	vld.idx.msk [tilespmem:v4+s24+$0x0 ss:$0x1], $0xffff;
	v5 =	vadd.s32 v6, v5;
	_ =	sdelay $0x4  }
0xeb: {  	[tilespmem:v5+s15+$0x0] =	vst.idx.add.f32.msk $0xffff, v7  }
0xec: {  	v5 =	vld.idx.msk [tilespmem:v2+s24+$0x10 ss:$0x1], $0xffff;
	_ =	sdelay $0x6  }
0xed: {  	v6 =	vld.idx.msk [tilespmem:v3+s24+$0x10 ss:$0x1], $0xffff  }
0xee: {  	v5 =	vld.idx.msk [tilespmem:v5+s6+$0x0], $0xffff;
	_ =	sdelay $0x4  }
0xef: {  	v7 =	vld.idx.msk [tilespmem:v4+s24+$0x10 ss:$0x1], $0xffff;
	v5 =	vadd.s32 v6, v5;
	_ =	sdelay $0x4  }
0xf0: {  	[tilespmem:v5+s15+$0x0] =	vst.idx.add.f32.msk $0xffff, v7  }
0xf1: {  	v5 =	vld.idx.msk [tilespmem:v2+s24+$0x20 ss:$0x1], $0xffff;
	_ =	sdelay $0x6  }
0xf2: {  	v6 =	vld.idx.msk [tilespmem:v3+s24+$0x20 ss:$0x1], $0xffff  }
0xf3: {  	v5 =	vld.idx.msk [tilespmem:v5+s6+$0x0], $0xffff;
	_ =	sdelay $0x4  }
0xf4: {  	v7 =	vld.idx.msk [tilespmem:v4+s24+$0x20 ss:$0x1], $0xffff;
	v5 =	vadd.s32 v6, v5;
	_ =	sdelay $0x4  }
0xf5: {  	[tilespmem:v5+s15+$0x0] =	vst.idx.add.f32.msk $0xffff, v7  }
0xf6: {  	v5 =	vld.idx.msk [tilespmem:v2+s24+$0x30 ss:$0x1], $0xffff;
	_ =	sdelay $0x6  }
0xf7: {  	v6 =	vld.idx.msk [tilespmem:v3+s24+$0x30 ss:$0x1], $0xffff  }
0xf8: {  	v5 =	vld.idx.msk [tilespmem:v5+s6+$0x0], $0xffff;
	_ =	sdelay $0x4  }
0xf9: {  	v7 =	vld.idx.msk [tilespmem:v4+s24+$0x30 ss:$0x1], $0xffff;
	v5 =	vadd.s32 v6, v5;
	_ =	sdelay $0x4  }
0xfa: {  	[tilespmem:v5+s15+$0x0] =	vst.idx.add.f32.msk $0xffff, v7  }
0xfb: {  	v5 =	vld.idx.msk [tilespmem:v2+s24+$0x40 ss:$0x1], $0xffff;
	_ =	sdelay $0x6  }
0xfc: {  	v6 =	vld.idx.msk [tilespmem:v3+s24+$0x40 ss:$0x1], $0xffff  }
0xfd: {  	v5 =	vld.idx.msk [tilespmem:v5+s6+$0x0], $0xffff;
	_ =	sdelay $0x4  }
0xfe: {  	v7 =	vld.idx.msk [tilespmem:v4+s24+$0x40 ss:$0x1], $0xffff;
	v5 =	vadd.s32 v6, v5;
	_ =	sdelay $0x4  }
0xff: {  	[tilespmem:v5+s15+$0x0] =	vst.idx.add.f32.msk $0xffff, v7  }
0x100: {  	v5 =	vld.idx.msk [tilespmem:v2+s24+$0x50 ss:$0x1], $0xffff;
	_ =	sdelay $0x6  }
0x101: {  	v6 =	vld.idx.msk [tilespmem:v3+s24+$0x50 ss:$0x1], $0xffff  }
0x102: {  	v5 =	vld.idx.msk [tilespmem:v5+s6+$0x0], $0xffff;
	_ =	sdelay $0x4  }
0x103: {  	v7 =	vld.idx.msk [tilespmem:v4+s24+$0x50 ss:$0x1], $0xffff;
	v5 =	vadd.s32 v6, v5;
	_ =	sdelay $0x4  }
0x104: {  	[tilespmem:v5+s15+$0x0] =	vst.idx.add.f32.msk $0xffff, v7  }
0x105: {  	v5 =	vld.idx.msk [tilespmem:v2+s24+$0x60 ss:$0x1], $0xffff;
	_ =	sdelay $0x6  }
0x106: {  	v6 =	vld.idx.msk [tilespmem:v3+s24+$0x60 ss:$0x1], $0xffff  }
0x107: {  	v5 =	vld.idx.msk [tilespmem:v5+s6+$0x0], $0xffff;
	_ =	sdelay $0x4  }
0x108: {  	v7 =	vld.idx.msk [tilespmem:v4+s24+$0x60 ss:$0x1], $0xffff;
	v5 =	vadd.s32 v6, v5;
	_ =	sdelay $0x4  }
0x109: {  	[tilespmem:v5+s15+$0x0] =	vst.idx.add.f32.msk $0xffff, v7  }
0x10a: {  	v5 =	vld.idx.msk [tilespmem:v2+s24+$0x70 ss:$0x1], $0xffff;
	_ =	sdelay $0x6  }
0x10b: {  	v6 =	vld.idx.msk [tilespmem:v3+s24+$0x70 ss:$0x1], $0xffff  }
0x10c: {  	v5 =	vld.idx.msk [tilespmem:v5+s6+$0x0], $0xffff;
	_ =	sdelay $0x4  }
0x10d: {  	p0 =	seq.s32 s23, $0x3800;
	v7 =	vld.idx.msk [tilespmem:v4+s24+$0x70 ss:$0x1], $0xffff;
	v5 =	vadd.s32 v6, v5  }
.Ltmp13:
0x10e: {  	_ = 	snop;
	(pc) =	sbr.rel @!p0 .LBB2_30-.Ltmp13, $2  }
0x10f: {  	_ =	sdelay $0x2  }
0x110: {  	s23 =	sadd.s32 $0x800, s23;
	[tilespmem:v5+s15+$0x0] =	vst.idx.add.f32.msk $0xffff, v7  }
0x111: {  	p0 =	sgt.u32 s22, $0x5  }
.Ltmp14:
0x112: {  	_ = 	snop;
	(pc) =	sbr.rel @!p0 .LBB2_13-.Ltmp14, $2  }
0x113: {  	_ =	sdelay $0x2  }
0x114: {  	s0 =	simm.s32 $0x30;
	s23 =	smov.u32 s22  }
0x115: {  	_ =	swait.ge [sflag:s19], $0x80  }
0x116: {  	s22 =	sadd.s32 $0xFFFFFFFF, s0;
	[sflag:s19] =	ssyncset.done $0x0  }
.LBB2_32:
0x117: {  	p0 =	sne.s32 s22, $0x1;
	s22 =	sadd.s32 $0xFFFFFFFF, s22;
	[sflag:s19] =	ssyncadd.s32 $0xFFFFFF80  }
.Ltmp15:
0x118: {  	(pc) =	sbr.rel @p0 .LBB2_32-.Ltmp15, $3  }
0x119: {  	_ =	sdelay $0x1  }
0x11a: {  	_ =	swait.ge [sflag:s19], $0x80  }
0x11b: {  	[sflag:s19] =	ssyncset.done $0x0  }
0x11c: {  	[sflag:s19] =	ssyncadd.s32 $0xFFFFFF80  }
0x11d: {  	[tilespmem:s20], [sflag:$0x3] =	stream.linear.gather [spmem:s11], $0x3000, $0x38;
	[tilespmem:$0x1B000] =	vst v63  }
0x11e: {  	_ =	swait.ge [sflag:s16], $0x3000  }
0x11f: {  	[sflag:s16] =	ssyncset.done $0x0  }
0x120: {  	s22 =	simm.s32 $0x0;
	[sflag:s16] =	ssyncadd.s32 $0xFFFFD000  }
0x121: {  	v2 =	vld [tilespmem:s22+$0xF000]  }
0x122: {  	s23 =	simm.s32 $0x40;
	v3 =	vld [tilespmem:s22+$0x12000]  }
.LBB2_34:
0x123: {  	_ = 	snop  }
0x124: {  	p0 =	sne.s32 s23, $0xBFC0  }
.Ltmp16:
0x125: {  	_ = 	snop;
	(pc) =	sbr.rel @p0 .LBB2_34-.Ltmp16, $4  }
0x126: {  	_ = 	snop  }
0x127: {  	s0 =	sshra.s32 s23, $0x2;
	v4 =	vadd.f32 v3, v2  }
0x128: {  	v2 =	vld [tilespmem:s0+$0xF000]  }
0x129: {  	s23 =	sadd.s32 $0x40, s23;
	v3 =	vld [tilespmem:s0+$0x12000];
	[tilespmem:s22+$0xF000] =	vst v4;
	s22 =	smov.u32 s0  }
0x12a: {  	_ =	sdelay $0x3  }
0x12b: {  	s21 =	sadd.s32 $0x1, s21;
	v2 =	vadd.f32 v3, v2  }
0x12c: {  	p0 =	sne.s32 s21, s14  }
.Ltmp17:
0x12d: {  	[tilespmem:s22+$0xF000] =	vst v2;
	(pc) =	sbr.rel @p0 .LBB2_1-.Ltmp17, $4  }
0x12e: {  	[hbm4b:s13+s17] =	stream.strided.scatter [tilespmem:s15], [sflag:$0x3], $0x3000, s18, s17, $0x38;
	[tilespmem:$0x1B000] =	vst v63  }
0x12f: {  	_ =	swait.ge [sflag:s16], $0x3000  }
0x130: {  	[sflag:s16] =	ssyncset.done $0x0  }
0x131: {  	[sflag:s16] =	ssyncadd.s32 $0xFFFFD000  }
0x132: {  	_ =	sfence.sel $0x180000  }
0x133: {  	[bflag:$0x0] =	sbarrier.arrive $0xFFFF  }
0x134: {  	_ =	strace $0x9000004A  }
0x135: {  	[bflag:$0x2] =	sbarrier.arrive $0xFFFF  }
0x136: {  	p0 =	sne.s32 s4, $0x0;
	s0 =	rddreg [dreg:$0x6]  }
0x137: {  	s0 =	sadd.s32 @!p0 $0x100000, s0  }
0x138: {  	[sflag:s0] =	ssyncadd.tile.s32 @!p0 $0x1;
	_ =	shalt  }
.Lfunc_end2:
_tile_overlayer_lowered:
.L_overlay_start_2:
0x139: {  	(tag) =	ssettag $0x2  }
0x13a: {  	s0 =	rddreg [dreg:$0x0];
	s2 =	stileid.u32  }
0x13b: {  	s1 =	rddreg [dreg:$0x1];
	p0 =	sne.s32 s2, $0x0  }
0x13c: {  	s3 =	rddreg [dreg:$0x2];
	[bflag:$0x3] =	sbarrier.arrive $0xFFFF;
	s2 =	simm.s32 @!p0 $0x1C03  }
0x13d: {  	[timem:s3], [sflag:s2] =	dma.local @!p0 [hbm:s0], s1  }
0x13e: {  	s0 =	simm.s32 @!p0 $0x3  }
0x13f: {  	_ =	swait.ge @!p0 [sflag:s0], s1  }
0x140: {  	s1 =	ssub.s32 @!p0 $0x0, s1;
	[sflag:s0] =	ssyncset.done @!p0 $0x0  }
0x141: {  	[sflag:s0] =	ssyncadd.s32 @!p0 s1  }
0x142: {  	[bflag:$0x3] =	sbarrier.arrive $0xFFFF  }
0x143: {  	_ =	shalt  }

// kernel: kernel.9.cloned.1.call-start
scs
__scs_entry_jumppad:
0x0: {  	(pc) =	sbr.rel $0x88, $3  }
0x1: {  	(tag) =	ssettag $0x0;
	lr =	simm.s32 $0x1  }
0x2: {  	[smem:$0x3F99] =	sst lr;
	_ =	strace $0xD0000000  }
0x3: {  	_ = 	snop  }
0x4: {  	_ = 	snop  }
0x5: {  	_ = 	snop  }
0x6: {  	_ = 	snop  }
0x7: {  	_ = 	snop  }
__scs_overlays_trampoline_lowered:
0x8: {  	[smem:$0x3FA8] =	sst s0  }
0x9: {  	[smem:$0x3FA9] =	sst s1  }
0xa: {  	[smem:$0x3FAA] =	sst s2  }
0xb: {  	[smem:$0x3FAB] =	sst s3  }
0xc: {  	[smem:$0x3FAC] =	sst s4  }
0xd: {  	[smem:$0x3FAD] =	sst s5  }
0xe: {  	[smem:$0x3FAE] =	sst s6  }
0xf: {  	[smem:$0x3FAF] =	sst s7  }
0x10: {  	[smem:$0x3FB0] =	sst s8  }
0x11: {  	[smem:$0x3FB1] =	sst s9;
	s0 =	simm.s32 @!p0 $0x0  }
0x12: {  	s1 =	sld [smem:$0x3F97];
	s0 =	simm.s32 @p0 $0x1  }
0x13: {  	[smem:$0x3FB2] =	sst s0;
	s0 =	simm.s32 @!p1 $0x0  }
0x14: {  	s2 =	sld [smem:$0x3F96];
	s0 =	simm.s32 @p1 $0x1  }
0x15: {  	[smem:$0x3FB3] =	sst s0;
	s0 =	simm.s32 @!p2 $0x0  }
0x16: {  	s3 =	sld [smem:$0x3FDB];
	s0 =	simm.s32 @p2 $0x1  }
0x17: {  	s4 =	simm.s32 $0x1BF5;
	[smem:$0x3FB5] =	sst s0  }
0x18: {  	s0 =	sld [smem:$0x3F98];
	_ =	swait.ge [sflag:s4], $0x0  }
0x19: {  	s7 =	sld [smem:$0x3F99]  }
0x1a: {  	s8 =	sadd.s32 $0xFFFFE003, lr  }
0x1b: {  	s9 =	sadd.s32 $0xFFFFFEF7, lr;
	s5 =	simm.s32 $0xFFFFFFFF;
	p2 =	slt.u32 s8, $0xFFFFF086  }
0x1c: {  	p1 =	slt.u32 s9, $0xF7A;
	s5 =	simm.s32 @!p2 $0x0  }
0x1d: {  	s5 =	simm.s32 @p1 $0x1;
	p0 =	seq.s32 s7, s2  }
0x1e: {  	s7 =	smul.u32 @!p0 $0xF7A, s2;
	p2 =	seq.s32 @!p0 s5, $0x0  }
0x1f: {  	s9 =	smul.u32 $0xF7A, s1;
	s8 =	simm.s32 @!p0 $0x1BF5;
	p2 =	por !p2, p0  }
0x20: {  	[sflag:s8] =	ssyncset.s32 @!p0 $0xFFFFF086;
	s6 =	sadd.s32 @!p0 s3, s7;
	s7 =	simm.s32 @!p0 $0x108  }
0x21: {  	s3 =	sadd.s32 s3, s9;
	s6 =	sadd.s32 @!p0 $0x88, s6;
	s7 =	simm.s32 @p2 $0x1082  }
0x22: {  	[simem:s7], [sflag:s8] =	dma.local @!p0 [hbm:s6], $0xF7A  }
0x23: {  	s9 =	sor.u32 $0xD0000000, s2;
	s6 =	simm.s32 $0x108;
	_ =	swait.ge @!p0 [sflag:s8], $0x0  }
0x24: {  	s3 =	sadd.s32 $0x88, s3;
	s6 =	simm.s32 @!p1 $0x1082;
	[sflag:s4] =	ssyncset.s32 $0xFFFFF086  }
0x25: {  	[simem:s6], [sflag:s4] =	dma.local [hbm:s3], $0xF7A  }
0x26: {  	[smem:$0x3F99] =	sst s1;
	(tag) =	ssettag s2;
	_ =	strace s9  }
0x27: {  	s1 =	sld [smem:$0x3FA9]  }
0x28: {  	s2 =	sld [smem:$0x3FAA]  }
0x29: {  	s4 =	sld [smem:$0x3FAC]  }
0x2a: {  	p0 =	seq.s32 s5, $0x0;
	s5 =	sld [smem:$0x3FAD]  }
0x2b: {  	s6 =	sld [smem:$0x3FAE]  }
0x2c: {  	s7 =	sld [smem:$0x3FAF]  }
0x2d: {  	s3 =	simm.s32 $0x108;
	s8 =	sld [smem:$0x3FB0]  }
0x2e: {  	s3 =	simm.s32 @!p0 $0x1082;
	s9 =	sld [smem:$0x3FB1]  }
0x2f: {  	lr =	sadd.s32 s0, s3;
	s0 =	sld [smem:$0x3FA8]  }
0x30: {  	s3 =	sld [smem:$0x3FAB]  }
0x31: {  	[smem:$0x3FB4] =	sst s10  }
0x32: {  	s10 =	sld [smem:$0x3FB2];
	_ =	sdelay $0x3  }
0x33: {  	p0 =	seq.s32 s10, $0x1;
	s10 =	sld [smem:$0x3FB4];
	_ =	sdelay $0x3  }
0x34: {  	[smem:$0x3FB4] =	sst s10  }
0x35: {  	s10 =	sld [smem:$0x3FB3];
	_ =	sdelay $0x3  }
0x36: {  	p1 =	seq.s32 s10, $0x1;
	s10 =	sld [smem:$0x3FB4];
	_ =	sdelay $0x3  }
0x37: {  	[smem:$0x3FB4] =	sst s10  }
0x38: {  	s10 =	sld [smem:$0x3FB5]  }
0x39: {  	_ = 	snop;
	(pc) =	sbr.ind lr, $3  }
0x3a: {  	_ = 	snop  }
0x3b: {  	_ = 	snop  }
0x3c: {  	p2 =	seq.s32 s10, $0x1;
	s10 =	sld [smem:$0x3FB4]  }
0x3d: {  	_ =	shalt  }
0x3e: {  	_ =	shalt  }
0x3f: {  	_ =	shalt  }
0x40: {  	_ =	shalt  }
0x41: {  	_ =	shalt  }
0x42: {  	_ =	shalt  }
0x43: {  	_ =	shalt  }
0x44: {  	_ =	shalt  }
0x45: {  	_ =	shalt  }
0x46: {  	_ =	shalt  }
0x47: {  	_ =	shalt  }
0x48: {  	_ =	shalt  }
0x49: {  	_ =	shalt  }
0x4a: {  	_ =	shalt  }
0x4b: {  	_ =	shalt  }
0x4c: {  	_ =	shalt  }
0x4d: {  	_ =	shalt  }
0x4e: {  	_ =	shalt  }
0x4f: {  	_ =	shalt  }
0x50: {  	_ =	shalt  }
0x51: {  	_ =	shalt  }
0x52: {  	_ =	shalt  }
0x53: {  	_ =	shalt  }
0x54: {  	_ =	shalt  }
0x55: {  	_ =	shalt  }
0x56: {  	_ =	shalt  }
0x57: {  	_ =	shalt  }
0x58: {  	_ =	shalt  }
0x59: {  	_ =	shalt  }
0x5a: {  	_ =	shalt  }
0x5b: {  	_ =	shalt  }
0x5c: {  	_ =	shalt  }
0x5d: {  	_ =	shalt  }
0x5e: {  	_ =	shalt  }
0x5f: {  	_ =	shalt  }
0x60: {  	_ =	shalt  }
0x61: {  	_ =	shalt  }
0x62: {  	_ =	shalt  }
0x63: {  	_ =	shalt  }
0x64: {  	_ =	shalt  }
0x65: {  	_ =	shalt  }
0x66: {  	_ =	shalt  }
0x67: {  	_ =	shalt  }
0x68: {  	_ =	shalt  }
0x69: {  	_ =	shalt  }
0x6a: {  	_ =	shalt  }
0x6b: {  	_ =	shalt  }
0x6c: {  	_ =	shalt  }
0x6d: {  	_ =	shalt  }
0x6e: {  	_ =	shalt  }
0x6f: {  	_ =	shalt  }
0x70: {  	_ =	shalt  }
0x71: {  	_ =	shalt  }
0x72: {  	_ =	shalt  }
0x73: {  	_ =	shalt  }
0x74: {  	_ =	shalt  }
0x75: {  	_ =	shalt  }
0x76: {  	_ =	shalt  }
0x77: {  	_ =	shalt  }
0x78: {  	_ =	shalt  }
0x79: {  	_ =	shalt  }
0x7a: {  	_ =	shalt  }
0x7b: {  	_ =	shalt  }
0x7c: {  	_ =	shalt  }
0x7d: {  	_ =	shalt  }
0x7e: {  	_ =	shalt  }
0x7f: {  	_ =	shalt  }
0x80: {  	_ =	shalt  }
0x81: {  	_ =	shalt  }
0x82: {  	_ =	shalt  }
0x83: {  	_ =	shalt  }
0x84: {  	_ =	shalt  }
0x85: {  	_ =	shalt  }
0x86: {  	_ =	shalt  }
0x87: {  	_ =	shalt  }
.Lfunc_end0:
.L_simem_size_0:
called_computation.1_lowered:
.L_overlay_start_0:
0x88: {  	s2 =	sld [smem:$0x3FD9]  }
0x89: {  	s3 =	sld [smem:$0x3FFE];
	_ =	sdelay $0x1  }
0x8a: {  	s1 =	srdreg.scid  }
0x8b: {  	s0 =	sand.u32 $0x1, s1  }
0x8c: {  	s17 =	sshll.u32 s0, $0xA;
	s2 =	sadd.s32 s3, s2  }
0x8d: {  	s2 =	sadd.s32 s2, s17  }
0x8e: {  	[smem:$0x3FC0] =	sst s2  }
0x8f: {  	_ = 	snop  }
0x90: {  	s2 =	sld [smem:$0x3FC8]  }
0x91: {  	s18 =	sld [smem:$0x3FC7]  }
0x92: {  	s4 =	sld [smem:$0x3FC6]  }
0x93: {  	s5 =	sld [smem:$0x3FC5];
	(tm) =	ssettm $0x1  }
0x94: {  	s6 =	sld [smem:$0x3FFB];
	_ =	sdelay $0x3  }
0x95: {  	_ =	strace s6  }
0x96: {  	s6 =	sld [smem:$0x3FFC];
	_ =	sdelay $0x3  }
0x97: {  	_ =	strace s6  }
0x98: {  	s6 =	sld [smem:$0x3FFD];
	_ =	sdelay $0x3  }
0x99: {  	_ =	strace s6  }
0x9a: {  	_ =	strace $0x8FFFFFFF  }
0x9b: {  	s19 =	sld [smem:$0x3FDB];
	_ =	sdelay $0x1  }
0x9c: {  	s7 =	simm.s32 $_scs_section_size  }
0x9d: {  	s8 =	simm.s32 $_size__tile_overlayer_lowered;
	s9 =	simm.s32 $_tile_overlayer_lowered  }
0x9e: {  	s22 =	simm.s32 $0x1BFF;
	s21 =	sshll.u32 s9, $0x1;
	s6 =	sadd.s32 s7, s19  }
0x9f: {  	s10 =	simm.s32 $0x0;
	s20 =	sshll.u32 s8, $0x1;
	s8 =	sadd.s32 s21, s6  }
0xa0: {  	[timem:s10], [sflag:s22] =	dma.local [hbm:s8], s20  }
0xa1: {  	_ =	swait.ge [sflag:s22], s20  }
0xa2: {  	s7 =	ssub.s32 $0x0, s20;
	[sflag:s22] =	ssyncset.done $0x0  }
0xa3: {  	[sflag:s22] =	ssyncadd.s32 s7;
	_ =	sdelay $0x1  }
0xa4: {  	s23 =	simm.s32 $0x1B8B  }
0xa5: {  	_ =	swait.ge [sflag:s23], $0x1  }
0xa6: {  	[sflag:s23] =	ssyncset.done $0x0  }
0xa7: {  	s25 =	simm.s32 $0x1B8E;
	s24 =	sld [smem:$0x3FFE];
	[sflag:s23] =	ssyncadd.s32 $0xFFFFFFFF  }
0xa8: {  	s26 =	simm.s32 $execute0_lowered;
	[smem:$0x3FD2] =	sst s25  }
0xa9: {  	s8 =	sshll.u32 s26, $0x1;
	_ =	strace $0x80000046;
	[dreg:$0x1] =	wrdreg $0xFFFFFFFF  }
0xaa: {  	s28 =	simm.s32 $_size_execute0_lowered;
	s6 =	sadd.s32 s6, s8;
	[dreg:$0x0] =	wrdreg $0x0  }
0xab: {  	s8 =	sshll.u32 s28, $0x1;
	[dreg:$0x2] =	wrdreg s6  }
0xac: {  	[dreg:$0x3] =	wrdreg s8  }
0xad: {  	[dreg:$0x4] =	wrdreg $0xC0  }
0xae: {  	_ =	task [dreg:s10], $0x5FFFF  }
0xaf: {  	[dreg:$0x1] =	wrdreg $0xFFFFFFFF  }
0xb0: {  	[dreg:$0x0] =	wrdreg $0x60  }
0xb1: {  	[dreg:$0x2] =	wrdreg s2  }
0xb2: {  	[dreg:$0x3] =	wrdreg s18  }
0xb3: {  	[dreg:$0x4] =	wrdreg s4  }
0xb4: {  	[dreg:$0x5] =	wrdreg s5  }
0xb5: {  	[dreg:$0x6] =	wrdreg s24  }
0xb6: {  	[dreg:$0x7] =	wrdreg $0x180000  }
0xb7: {  	[dreg:$0x8] =	wrdreg $0xA  }
0xb8: {  	_ =	task.clear_ibuf [dreg:s10], $0x9FFFF;
	_ =	strace $0x90000046  }
0xb9: {  	s29 =	simm.s32 $0xA;
	_ =	strace $0x80000048  }
0xba: {  	_ =	swait.ge [sflag:s29], $0x1  }
0xbb: {  	[sflag:s29] =	ssyncadd.s32 $0xFFFFFFFF  }
0xbc: {  	_ =	strace $0x90000048  }
0xbd: {  	_ =	sfence  }
0xbe: {  	s30 =	sld [smem:$0x0];
	_ =	sdelay $0x2  }
0xbf: {  	s31 =	sshll.u32 s1, $0xD;
	s1 =	sshrl.u32 s1, $0x2  }
0xc0: {  	s3 =	sand.u32 $0x4000, s31;
	s1 =	sadd.s32 s1, s30  }
0xc1: {  	s0 =	sor.u32 s3, s0;
	s1 =	sshll.u32 s1, $0x11  }
0xc2: {  	s0 =	sor.u32 s1, s0  }
0xc3: {  	s0 =	sadd.s32 $0x8F2B, s0  }
0xc4: {  	[sflag:s0] =	ssyncadd.remote.s32 $0x1  }
0xc5: {  	_ =	sfence.sel $0xFFFF  }
0xc6: {  	[dreg:$0x0] =	wrdreg $0xFFFFFFFF;
	(pc) =	sbr.abs _section_cstart, $3  }
0xc7: {  	[dreg:$0x1] =	wrdreg $0xFFFFFFFF  }
0xc8: {  	_ =	task.clear_ibuf [dreg:s10], $0x2FFFF;
	_ =	strace $0x9FFFFFFF  }
0xc9: {  	(tm) =	ssettm $0x7FFFFFFF  }
tec
execute0_lowered:
.L_overlay_start_1:
0x0: {  	(tag) =	ssettag $0x1  }
0x1: {  	s1 =	rddreg [dreg:$0x0]  }
0x2: {  	s2 =	rddreg [dreg:$0x1]  }
0x3: {  	s3 =	rddreg [dreg:$0x2]  }
0x4: {  	s0 =	rddreg [dreg:$0x3]  }
0x5: {  	s7 =	rddreg [dreg:$0x4]  }
0x6: {  	s5 =	rddreg [dreg:$0x5];
	s6 =	simm.s32 $0x0;
	s4 =	stileid.u32  }
0x7: {  	s8 =	srdreg.scid;
	s16 =	simm.s32 $0x3;
	s17 =	simm.s32 $0x80  }
0x8: {  	s18 =	simm.s32 $0x400;
	s20 =	simm.s32 $0x12000;
	s21 =	simm.s32 $0x0  }
0x9: {  	[smem:$0x7FF] =	sst s6;
	s9 =	sshll.u32 s4, $0x1;
	s8 =	sand.u32 $0x1, s8  }
0xa: {  	s10 =	sshrl.u32 s4, $0x2;
	s11 =	sshll.u32 s4, $0x8;
	s28 =	sshrl.u32 s4, $0x1  }
0xb: {  	s19 =	smul.u32 $0x3000, s4;
	_ =	strace $0x80000047;
	s9 =	sand.u32 $0x2, s9  }
0xc: {  	s10 =	smul.u32 $0x18000, s10;
	s11 =	sand.u32 $0x200, s11;
	s9 =	sor.u32 s8, s9  }
0xd: {  	s29 =	sshll.u32 s28, $0x7;
	s31 =	sshll.u32 s28, $0x4;
	s12 =	sshll.u32 s9, $0x7  }
0xe: {  	s8 =	ssub.s32 $0x2, s8;
	s9 =	smul.u32 $0x60000, s9;
	s11 =	sor.u32 s11, s12  }
0xf: {  	s0 =	sadd.s32 s31, s0;
	s13 =	sshrl.u32 s8, $0x1;
	s10 =	sor.u32 s10, s11  }
0x10: {  	s15 =	ssub.s32 s8, s13;
	s9 =	sor.u32 s29, s9;
	s10 =	sshrl.u32 s10, $0x3  }
0x11: {  	s12 =	sadd.s32 $0x3000, s0;
	s14 =	sadd.s32 s10, s7;
	s7 =	sadd.s32 $0x180000, s9  }
0x12: {  	v0 =	vmov s19;
	s11 =	sadd.s32 s19, s5;
	s19 =	simm.s32 $0x2;
	s30 =	sshrl.u32 s7, $0x3  }
0x13: {  	s13 =	sadd.s32 $0xE00, s14;
	s14 =	smax.u32 s15, $0x1;
	s15 =	simm.s32 $0xF000  }
0x14: {  	v1 =	vimm.f32 $0.0e+00;
	s8 =	sadd.s32 s1, s30;
	s9 =	sadd.s32 s2, s30;
	s10 =	sadd.s32 s3, s30  }
.LBB2_1:
0x15: {  	s22 =	simm.s32 $0x3000  }
0x16: {  	s23 =	simm.s32 $0x80;
	s25 =	sadd.s32 $0x0, s8;
	s24 =	simm.s32 $0x3100  }
.LBB2_2:
0x17: {  	[tilespmem:s22], [sflag:$0x1] =	stream.linear.gather [hbm4b:s25+s6], $0x80, $0x38;
	[tilespmem:$0x1B000] =	vst v63  }
0x18: {  	s0 =	smov.u32 s23;
	s22 =	smov.u32 s24;
	p0 =	sne.s32 s23, $0x1F80  }
.Ltmp0:
0x19: {  	s23 =	sadd.s32 $0x80, s23;
	(pc) =	sbr.rel @p0 .LBB2_2-.Ltmp0, $2  }
0x1a: {  	_ =	sdelay $0x2  }
0x1b: {  	s24 =	sadd.s32 $0x100, s24;
	s25 =	sadd.s32 s0, s8  }
0x1c: {  	[tilespmem:s22], [sflag:$0x1] =	stream.linear.gather [hbm4b:s25+s6], $0x80, $0x38;
	[tilespmem:$0x1B000] =	vst v63  }
0x1d: {  	s22 =	simm.s32 $0x7000  }
0x1e: {  	s23 =	simm.s32 $0x80;
	s25 =	sadd.s32 $0x0, s9;
	s24 =	simm.s32 $0x7100  }
.LBB2_4:
0x1f: {  	[tilespmem:s22], [sflag:$0x1] =	stream.linear.gather [hbm4b:s25+s6], $0x80, $0x38;
	[tilespmem:$0x1B000] =	vst v63  }
0x20: {  	s0 =	smov.u32 s23;
	s22 =	smov.u32 s24;
	p0 =	sne.s32 s23, $0x1F80  }
.Ltmp1:
0x21: {  	s23 =	sadd.s32 $0x80, s23;
	(pc) =	sbr.rel @p0 .LBB2_4-.Ltmp1, $2  }
0x22: {  	_ =	sdelay $0x2  }
0x23: {  	s24 =	sadd.s32 $0x100, s24;
	s25 =	sadd.s32 s0, s9  }
0x24: {  	[tilespmem:s22], [sflag:$0x1] =	stream.linear.gather [hbm4b:s25+s6], $0x80, $0x38;
	[tilespmem:$0x1B000] =	vst v63  }
0x25: {  	s22 =	simm.s32 $0x0;
	s23 =	simm.s32 $0xB000  }
0x26: {  	s24 =	simm.s32 $0x80;
	s26 =	sadd.s32 $0x0, s10;
	s25 =	simm.s32 $0xB100  }
.LBB2_6:
0x27: {  	[tilespmem:s23], [sflag:$0x1] =	stream.linear.gather [hbm4b:s26+s22], $0x80, $0x38;
	[tilespmem:$0x1B000] =	vst v63  }
0x28: {  	s0 =	smov.u32 s24;
	s23 =	smov.u32 s25;
	p0 =	sne.s32 s24, $0x1F80  }
.Ltmp2:
0x29: {  	s24 =	sadd.s32 $0x80, s24;
	(pc) =	sbr.rel @p0 .LBB2_6-.Ltmp2, $2  }
0x2a: {  	_ =	sdelay $0x2  }
0x2b: {  	s25 =	sadd.s32 $0x100, s25;
	s26 =	sadd.s32 s0, s10  }
0x2c: {  	[tilespmem:s23], [sflag:$0x1] =	stream.linear.gather [hbm4b:s26+s22], $0x80, $0x38;
	[tilespmem:$0x1B000] =	vst v63  }
0x2d: {  	s22 =	simm.s32 $0x40;
	s0 =	simm.s32 $0x0  }
.LBB2_8:
0x2e: {  	p0 =	sne.s32 s22, $0xBFC0;
	[tilespmem:s0+$0xF000] =	vst v1;
	s0 =	smov.u32 s22;
	s22 =	sadd.s32 $0x40, s22  }
.Ltmp3:
0x2f: {  	(pc) =	sbr.rel @p0 .LBB2_8-.Ltmp3, $2  }
0x30: {  	_ =	sdelay $0x2  }
0x31: {  	s0 =	sshra.s32 s0, $0x2  }
0x32: {  	[tilespmem:s0+$0xF000] =	vst v1  }
0x33: {  	[spmem:s11] =	stream.linear.scatter [tilespmem:s15], [sflag:$0x3], $0x3000, $0x38;
	[tilespmem:$0x1B000] =	vst v63  }
0x34: {  	_ =	swait.ge [sflag:s16], $0x3000  }
0x35: {  	[sflag:s16] =	ssyncset.done $0x0  }
0x36: {  	s23 =	simm.s32 $0x0;
	[sflag:s16] =	ssyncadd.s32 $0xFFFFD000  }
0x37: {  	[tilespmem:s23], [sflag:$0x3] =	stream.strided.gather [hbm4b:s12+s17], $0x3000, s18, s17, $0x38;
	[tilespmem:$0x1B000] =	vst v63  }
0x38: {  	_ =	swait.ge [sflag:s16], $0x3000  }
0x39: {  	[sflag:s16] =	ssyncset.done $0x0  }
0x3a: {  	s22 =	simm.s32 $0x0;
	[sflag:s16] =	ssyncadd.s32 $0xFFFFD000  }
0x3b: {  	s24 =	simm.s32 $0x40;
	v2 =	vld [tilespmem:s22+$0x0]  }
.LBB2_10:
0x3c: {  	p0 =	seq.s32 s24, $0xBFC0  }
.Ltmp4:
0x3d: {  	_ = 	snop;
	(pc) =	sbr.rel @!p0 .LBB2_10-.Ltmp4, $3  }
0x3e: {  	_ =	sdelay $0x1  }
0x3f: {  	s0 =	sshra.s32 s24, $0x2;
	s24 =	sadd.s32 $0x40, s24;
	v3 =	vshll.u32 v2, $0xC  }
0x40: {  	v2 =	vld [tilespmem:s0+$0x0];
	[tilespmem:s22+$0x0] =	vst v3;
	s22 =	smov.u32 s0  }
0x41: {  	_ =	sdelay $0x3  }
0x42: {  	v2 =	vshll.u32 v2, $0xC  }
0x43: {  	[tilespmem:s22+$0x0] =	vst v2  }
.LBB2_13:
0x44: {  	s22 =	simm.s32 $0x1  }
0x45: {  	_ =	swait.ge [sflag:s22], $0x2000  }
0x46: {  	[sflag:s22] =	ssyncset.done $0x0  }
0x47: {  	[sflag:s22] =	ssyncadd.s32 $0xFFFFE000  }
0x48: {  	p0 =	seq.s32 s23, $0x0;
	_ =	swait.ge [sflag:s22], $0x2000  }
.Ltmp5:
0x49: {  	[sflag:s22] =	ssyncset.done $0x0;
	(pc) =	sbr.rel @p0 .LBB2_18-.Ltmp5, $4  }
0x4a: {  	[sflag:s22] =	ssyncadd.s32 $0xFFFFE000  }
0x4b: {  	_ =	swait.ge [sflag:s22], $0x2000  }
0x4c: {  	s0 =	sshll.u32 s23, $0x7;
	[sflag:s22] =	ssyncset.done $0x0  }
0x4d: {  	s24 =	sand.u32 $0x80, s0;
	s0 =	simm.s32 $0x30;
	[sflag:s22] =	ssyncadd.s32 $0xFFFFE000  }
0x4e: {  	_ =	swait.ge [sflag:s19], $0x80  }
0x4f: {  	s22 =	sadd.s32 $0xFFFFFFFF, s0;
	[sflag:s19] =	ssyncset.done $0x0  }
.LBB2_15:
0x50: {  	p0 =	sne.s32 s22, $0x1;
	s22 =	sadd.s32 $0xFFFFFFFF, s22;
	[sflag:s19] =	ssyncadd.s32 $0xFFFFFF80  }
.Ltmp6:
0x51: {  	(pc) =	sbr.rel @p0 .LBB2_15-.Ltmp6, $3  }
0x52: {  	_ =	sdelay $0x1  }
0x53: {  	_ =	swait.ge [sflag:s19], $0x80  }
0x54: {  	[sflag:s19] =	ssyncset.done $0x0  }
0x55: {  	p0 =	seq.s32 s23, $0x5  }
.Ltmp7:
0x56: {  	_ = 	snop;
	(pc) =	sbr.rel @p0 .LBB2_25-.Ltmp7, $2  }
0x57: {  	_ =	sdelay $0x2  }
0x58: {  	[sflag:s19] =	ssyncadd.s32 $0xFFFFFF80;
	s22 =	simm.s32 $0x6  }
0x59: {  	s22 =	sadd.s32 $0x1, s23  }
.LBB2_18:
0x5a: {  	s0 =	sshll.u32 s22, $0x10  }
0x5b: {  	s0 =	sadd.s32 s0, s7  }
0x5c: {  	s25 =	sxor.u32 $0x80, s24;
	s26 =	sshrl.u32 s0, $0x3  }
0x5d: {  	s28 =	sor.u32 $0x3000, s25;
	s29 =	sadd.s32 s1, s26  }
0x5e: {  	s30 =	simm.s32 $0x80;
	s31 =	sadd.s32 $0x100, s28;
	s0 =	sadd.s32 $0x0, s29  }
.LBB2_19:
0x5f: {  	[tilespmem:s28], [sflag:$0x1] =	stream.linear.gather [hbm4b:s0+s6], $0x80, $0x38;
	[tilespmem:$0x1B000] =	vst v63  }
0x60: {  	s0 =	smov.u32 s30;
	s28 =	smov.u32 s31;
	p0 =	sne.s32 s30, $0x1F80  }
.Ltmp8:
0x61: {  	s30 =	sadd.s32 $0x80, s30;
	(pc) =	sbr.rel @p0 .LBB2_19-.Ltmp8, $2  }
0x62: {  	_ =	sdelay $0x2  }
0x63: {  	s31 =	sadd.s32 $0x100, s31;
	s0 =	sadd.s32 s0, s29  }
0x64: {  	[tilespmem:s28], [sflag:$0x1] =	stream.linear.gather [hbm4b:s0+s6], $0x80, $0x38;
	[tilespmem:$0x1B000] =	vst v63  }
0x65: {  	s28 =	sor.u32 $0x7000, s25;
	s29 =	sadd.s32 s2, s26  }
0x66: {  	s30 =	simm.s32 $0x80;
	s0 =	sadd.s32 $0x0, s29;
	s31 =	sadd.s32 $0x100, s28  }
.LBB2_21:
0x67: {  	[tilespmem:s28], [sflag:$0x1] =	stream.linear.gather [hbm4b:s0+s6], $0x80, $0x38;
	[tilespmem:$0x1B000] =	vst v63  }
0x68: {  	s0 =	smov.u32 s30;
	s28 =	smov.u32 s31;
	p0 =	sne.s32 s30, $0x1F80  }
.Ltmp9:
0x69: {  	s30 =	sadd.s32 $0x80, s30;
	(pc) =	sbr.rel @p0 .LBB2_21-.Ltmp9, $2  }
0x6a: {  	_ =	sdelay $0x2  }
0x6b: {  	s31 =	sadd.s32 $0x100, s31;
	s0 =	sadd.s32 s0, s29  }
0x6c: {  	[tilespmem:s28], [sflag:$0x1] =	stream.linear.gather [hbm4b:s0+s6], $0x80, $0x38;
	[tilespmem:$0x1B000] =	vst v63  }
0x6d: {  	s25 =	sor.u32 $0xB000, s25;
	s26 =	sadd.s32 s3, s26  }
0x6e: {  	s28 =	simm.s32 $0x80;
	s0 =	sadd.s32 $0x0, s26;
	s29 =	sadd.s32 $0x100, s25  }
.LBB2_23:
0x6f: {  	[tilespmem:s25], [sflag:$0x1] =	stream.linear.gather [hbm4b:s0+s6], $0x80, $0x38;
	[tilespmem:$0x1B000] =	vst v63  }
0x70: {  	s0 =	smov.u32 s28;
	s25 =	smov.u32 s29;
	p0 =	sne.s32 s28, $0x1F80  }
.Ltmp10:
0x71: {  	s28 =	sadd.s32 $0x80, s28;
	(pc) =	sbr.rel @p0 .LBB2_23-.Ltmp10, $2  }
0x72: {  	_ =	sdelay $0x2  }
0x73: {  	s29 =	sadd.s32 $0x100, s29;
	s0 =	sadd.s32 s0, s26  }
0x74: {  	[tilespmem:s25], [sflag:$0x1] =	stream.linear.gather [hbm4b:s0+s6], $0x80, $0x38;
	[tilespmem:$0x1B000] =	vst v63  }
.LBB2_25:
0x75: {  	s0 =	sand.u32 $0x1, s23;
	s26 =	sor.u32 $0x4000, s24  }
0x76: {  	p0 =	seq.s32 s0, $0x1;
	s0 =	simm.s32 $0x6000;
	v2 =	vmov s26  }
0x77: {  	s0 =	simm.s32 @!p0 $0x0  }
0x78: {  	s31 =	sor.u32 $0x8000, s24;
	s23 =	sshrl.u32 s0, $0x2  }
0x79: {  	s25 =	simm.s32 $0x0;
	v3 =	vmov s31;
	s24 =	sadd.s32 $0x15040, s23  }
.LBB2_26:
0x7a: {  	s0 =	sshra.s32 s25, $0x2  }
0x7b: {  	v4 =	vld.idx.msk [tilespmem:v2+s0+$0x0 ss:$0x1], $0xffff;
	_ =	sdelay $0x6  }
0x7c: {  	v5 =	vld.idx.msk [tilespmem:v3+s0+$0x0 ss:$0x1], $0xffff  }
0x7d: {  	v4 =	vld.idx.msk [tilespmem:v4+s6+$0x0], $0xffff;
	_ =	sdelay $0x3  }
0x7e: {  	v5 =	vadd.s32 v0, v5  }
0x7f: {  	v4 =	vadd.s32 v4, v5  }
0x80: {  	[tilespmem:s24+$0xFFFFFFC0] =	vst v4  }
0x81: {  	v4 =	vld.idx.msk [tilespmem:v2+s0+$0x10 ss:$0x1], $0xffff;
	_ =	sdelay $0x6  }
0x82: {  	v5 =	vld.idx.msk [tilespmem:v3+s0+$0x10 ss:$0x1], $0xffff  }
0x83: {  	v4 =	vld.idx.msk [tilespmem:v4+s6+$0x0], $0xffff;
	_ =	sdelay $0x3  }
0x84: {  	v5 =	vadd.s32 v0, v5  }
0x85: {  	v4 =	vadd.s32 v4, v5  }
0x86: {  	[tilespmem:s24+$0xFFFFFFD0] =	vst v4  }
0x87: {  	v4 =	vld.idx.msk [tilespmem:v2+s0+$0x20 ss:$0x1], $0xffff;
	_ =	sdelay $0x6  }
0x88: {  	v5 =	vld.idx.msk [tilespmem:v3+s0+$0x20 ss:$0x1], $0xffff  }
0x89: {  	v4 =	vld.idx.msk [tilespmem:v4+s6+$0x0], $0xffff;
	_ =	sdelay $0x3  }
0x8a: {  	v5 =	vadd.s32 v0, v5  }
0x8b: {  	v4 =	vadd.s32 v4, v5  }
0x8c: {  	[tilespmem:s24+$0xFFFFFFE0] =	vst v4  }
0x8d: {  	v4 =	vld.idx.msk [tilespmem:v2+s0+$0x30 ss:$0x1], $0xffff;
	_ =	sdelay $0x6  }
0x8e: {  	v5 =	vld.idx.msk [tilespmem:v3+s0+$0x30 ss:$0x1], $0xffff  }
0x8f: {  	v4 =	vld.idx.msk [tilespmem:v4+s6+$0x0], $0xffff;
	_ =	sdelay $0x3  }
0x90: {  	v5 =	vadd.s32 v0, v5  }
0x91: {  	v4 =	vadd.s32 v4, v5  }
0x92: {  	[tilespmem:s24+$0xFFFFFFF0] =	vst v4  }
0x93: {  	v4 =	vld.idx.msk [tilespmem:v2+s0+$0x40 ss:$0x1], $0xffff;
	_ =	sdelay $0x6  }
0x94: {  	v5 =	vld.idx.msk [tilespmem:v3+s0+$0x40 ss:$0x1], $0xffff  }
0x95: {  	v4 =	vld.idx.msk [tilespmem:v4+s6+$0x0], $0xffff;
	_ =	sdelay $0x3  }
0x96: {  	v5 =	vadd.s32 v0, v5  }
0x97: {  	v4 =	vadd.s32 v4, v5  }
0x98: {  	[tilespmem:s24+$0x0] =	vst v4  }
0x99: {  	v4 =	vld.idx.msk [tilespmem:v2+s0+$0x50 ss:$0x1], $0xffff;
	_ =	sdelay $0x6  }
0x9a: {  	v5 =	vld.idx.msk [tilespmem:v3+s0+$0x50 ss:$0x1], $0xffff  }
0x9b: {  	v4 =	vld.idx.msk [tilespmem:v4+s6+$0x0], $0xffff;
	_ =	sdelay $0x3  }
0x9c: {  	v5 =	vadd.s32 v0, v5  }
0x9d: {  	v4 =	vadd.s32 v4, v5  }
0x9e: {  	[tilespmem:s24+$0x10] =	vst v4  }
0x9f: {  	v4 =	vld.idx.msk [tilespmem:v2+s0+$0x60 ss:$0x1], $0xffff;
	_ =	sdelay $0x6  }
0xa0: {  	v5 =	vld.idx.msk [tilespmem:v3+s0+$0x60 ss:$0x1], $0xffff  }
0xa1: {  	v4 =	vld.idx.msk [tilespmem:v4+s6+$0x0], $0xffff;
	_ =	sdelay $0x3  }
0xa2: {  	v5 =	vadd.s32 v0, v5  }
0xa3: {  	v4 =	vadd.s32 v4, v5  }
0xa4: {  	[tilespmem:s24+$0x20] =	vst v4  }
0xa5: {  	v4 =	vld.idx.msk [tilespmem:v2+s0+$0x70 ss:$0x1], $0xffff;
	_ =	sdelay $0x6  }
0xa6: {  	v5 =	vld.idx.msk [tilespmem:v3+s0+$0x70 ss:$0x1], $0xffff  }
0xa7: {  	v4 =	vld.idx.msk [tilespmem:v4+s6+$0x0], $0xffff  }
0xa8: {  	p1 =	sne.s32 s25, $0xBC00  }
.Ltmp11:
0xa9: {  	_ = 	snop;
	(pc) =	sbr.rel @p1 .LBB2_26-.Ltmp11, $4  }
0xaa: {  	_ = 	snop  }
0xab: {  	v5 =	vadd.s32 v0, v5  }
0xac: {  	v4 =	vadd.s32 v4, v5  }
0xad: {  	s25 =	sadd.s32 $0x400, s25;
	[tilespmem:s24+$0x30] =	vst v4;
	s24 =	sadd.s32 $0x80, s24  }
0xae: {  	s0 =	simm.s32 $0x1  }
0xaf: {  	s0 =	simm.s32 @!p0 $0x0  }
0xb0: {  	s0 =	sshll.u32 s0, $0x9  }
0xb1: {  	s23 =	sadd.s32 $0x15000, s23;
	s24 =	sshrl.u32 s0, $0x2  }
0xb2: {  	s26 =	simm.s32 $0x200;
	s31 =	sadd.s32 $0x0, s23;
	s25 =	sor.u32 $0xC000, s24  }
0xb3: {  	[spmem:s5] =	stream.indirect.scatter.add.f32 [tilespmem:s25], [sflag:$0x2], $0x1, s31, s17, $0xb8;
	[tilespmem:$0x1B000] =	vst v63  }
.LBB2_28:
0xb4: {  	p0 =	sne.s32 s26, $0x5E00  }
.Ltmp12:
0xb5: {  	_ = 	snop;
	(pc) =	sbr.rel @p0 .LBB2_28-.Ltmp12, $4  }
0xb6: {  	_ = 	snop  }
0xb7: {  	s0 =	sshra.s32 s26, $0x2;
	s26 =	sadd.s32 $0x200, s26  }
0xb8: {  	s25 =	sadd.s32 $0x100, s25;
	s0 =	sadd.s32 s0, s23  }
0xb9: {  	[spmem:s5] =	stream.indirect.scatter.add.f32 [tilespmem:s25], [sflag:$0x2], $0x1, s0, s17, $0xb8;
	[tilespmem:$0x1B000] =	vst v63  }
0xba: {  	s0 =	sor.u32 $0x3100, s24  }
0xbb: {  	v2 =	vmov s0;
	_ =	sdelay $0x1  }
0xbc: {  	s25 =	sor.u32 $0x7100, s24;
	s31 =	sor.u32 $0xB100, s24  }
0xbd: {  	s23 =	simm.s32 $0x0;
	v3 =	vmov s25;
	v4 =	vmov s31  }
.LBB2_30:
0xbe: {  	s24 =	sshra.s32 s23, $0x2  }
0xbf: {  	v5 =	vld.idx.msk [tilespmem:v2+s24+$0xFFFFFF00 ss:$0x1], $0xffff;
	_ =	sdelay $0x6  }
0xc0: {  	v6 =	vld.idx.msk [tilespmem:v3+s24+$0xFFFFFF00 ss:$0x1], $0xffff  }
0xc1: {  	v5 =	vld.idx.msk [tilespmem:v5+s6+$0x0], $0xffff;
	_ =	sdelay $0x4  }
0xc2: {  	v7 =	vld.idx.msk [tilespmem:v4+s24+$0xFFFFFF00 ss:$0x1], $0xffff;
	v5 =	vadd.s32 v6, v5;
	_ =	sdelay $0x4  }
0xc3: {  	[tilespmem:v5+s15+$0x0] =	vst.idx.add.f32.msk $0xffff, v7  }
0xc4: {  	v5 =	vld.idx.msk [tilespmem:v2+s24+$0xFFFFFF10 ss:$0x1], $0xffff;
	_ =	sdelay $0x6  }
0xc5: {  	v6 =	vld.idx.msk [tilespmem:v3+s24+$0xFFFFFF10 ss:$0x1], $0xffff  }
0xc6: {  	v5 =	vld.idx.msk [tilespmem:v5+s6+$0x0], $0xffff;
	_ =	sdelay $0x4  }
0xc7: {  	v7 =	vld.idx.msk [tilespmem:v4+s24+$0xFFFFFF10 ss:$0x1], $0xffff;
	v5 =	vadd.s32 v6, v5;
	_ =	sdelay $0x4  }
0xc8: {  	[tilespmem:v5+s15+$0x0] =	vst.idx.add.f32.msk $0xffff, v7  }
0xc9: {  	v5 =	vld.idx.msk [tilespmem:v2+s24+$0xFFFFFF20 ss:$0x1], $0xffff;
	_ =	sdelay $0x6  }
0xca: {  	v6 =	vld.idx.msk [tilespmem:v3+s24+$0xFFFFFF20 ss:$0x1], $0xffff  }
0xcb: {  	v5 =	vld.idx.msk [tilespmem:v5+s6+$0x0], $0xffff;
	_ =	sdelay $0x4  }
0xcc: {  	v7 =	vld.idx.msk [tilespmem:v4+s24+$0xFFFFFF20 ss:$0x1], $0xffff;
	v5 =	vadd.s32 v6, v5;
	_ =	sdelay $0x4  }
0xcd: {  	[tilespmem:v5+s15+$0x0] =	vst.idx.add.f32.msk $0xffff, v7  }
0xce: {  	v5 =	vld.idx.msk [tilespmem:v2+s24+$0xFFFFFF30 ss:$0x1], $0xffff;
	_ =	sdelay $0x6  }
0xcf: {  	v6 =	vld.idx.msk [tilespmem:v3+s24+$0xFFFFFF30 ss:$0x1], $0xffff  }
0xd0: {  	v5 =	vld.idx.msk [tilespmem:v5+s6+$0x0], $0xffff;
	_ =	sdelay $0x4  }
0xd1: {  	v7 =	vld.idx.msk [tilespmem:v4+s24+$0xFFFFFF30 ss:$0x1], $0xffff;
	v5 =	vadd.s32 v6, v5;
	_ =	sdelay $0x4  }
0xd2: {  	[tilespmem:v5+s15+$0x0] =	vst.idx.add.f32.msk $0xffff, v7  }
0xd3: {  	v5 =	vld.idx.msk [tilespmem:v2+s24+$0xFFFFFF40 ss:$0x1], $0xffff;
	_ =	sdelay $0x6  }
0xd4: {  	v6 =	vld.idx.msk [tilespmem:v3+s24+$0xFFFFFF40 ss:$0x1], $0xffff  }
0xd5: {  	v5 =	vld.idx.msk [tilespmem:v5+s6+$0x0], $0xffff;
	_ =	sdelay $0x4  }
0xd6: {  	v7 =	vld.idx.msk [tilespmem:v4+s24+$0xFFFFFF40 ss:$0x1], $0xffff;
	v5 =	vadd.s32 v6, v5;
	_ =	sdelay $0x4  }
0xd7: {  	[tilespmem:v5+s15+$0x0] =	vst.idx.add.f32.msk $0xffff, v7  }
0xd8: {  	v5 =	vld.idx.msk [tilespmem:v2+s24+$0xFFFFFF50 ss:$0x1], $0xffff;
	_ =	sdelay $0x6  }
0xd9: {  	v6 =	vld.idx.msk [tilespmem:v3+s24+$0xFFFFFF50 ss:$0x1], $0xffff  }
0xda: {  	v5 =	vld.idx.msk [tilespmem:v5+s6+$0x0], $0xffff;
	_ =	sdelay $0x4  }
0xdb: {  	v7 =	vld.idx.msk [tilespmem:v4+s24+$0xFFFFFF50 ss:$0x1], $0xffff;
	v5 =	vadd.s32 v6, v5;
	_ =	sdelay $0x4  }
0xdc: {  	[tilespmem:v5+s15+$0x0] =	vst.idx.add.f32.msk $0xffff, v7  }
0xdd: {  	v5 =	vld.idx.msk [tilespmem:v2+s24+$0xFFFFFF60 ss:$0x1], $0xffff;
	_ =	sdelay $0x6  }
0xde: {  	v6 =	vld.idx.msk [tilespmem:v3+s24+$0xFFFFFF60 ss:$0x1], $0xffff  }
0xdf: {  	v5 =	vld.idx.msk [tilespmem:v5+s6+$0x0], $0xffff;
	_ =	sdelay $0x4  }
0xe0: {  	v7 =	vld.idx.msk [tilespmem:v4+s24+$0xFFFFFF60 ss:$0x1], $0xffff;
	v5 =	vadd.s32 v6, v5;
	_ =	sdelay $0x4  }
0xe1: {  	[tilespmem:v5+s15+$0x0] =	vst.idx.add.f32.msk $0xffff, v7  }
0xe2: {  	v5 =	vld.idx.msk [tilespmem:v2+s24+$0xFFFFFF70 ss:$0x1], $0xffff;
	_ =	sdelay $0x6  }
0xe3: {  	v6 =	vld.idx.msk [tilespmem:v3+s24+$0xFFFFFF70 ss:$0x1], $0xffff  }
0xe4: {  	v5 =	vld.idx.msk [tilespmem:v5+s6+$0x0], $0xffff;
	_ =	sdelay $0x4  }
0xe5: {  	v7 =	vld.idx.msk [tilespmem:v4+s24+$0xFFFFFF70 ss:$0x1], $0xffff;
	v5 =	vadd.s32 v6, v5;
	_ =	sdelay $0x4  }
0xe6: {  	[tilespmem:v5+s15+$0x0] =	vst.idx.add.f32.msk $0xffff, v7  }
0xe7: {  	v5 =	vld.idx.msk [tilespmem:v2+s24+$0x0 ss:$0x1], $0xffff;
	_ =	sdelay $0x6  }
0xe8: {  	v6 =	vld.idx.msk [tilespmem:v3+s24+$0x0 ss:$0x1], $0xffff  }
0xe9: {  	v5 =	vld.idx.msk [tilespmem:v5+s6+$0x0], $0xffff;
	_ =	sdelay $0x4  }
0xea: {  	v7 =	vld.idx.msk [tilespmem:v4+s24+$0x0 ss:$0x1], $0xffff;
	v5 =	vadd.s32 v6, v5;
	_ =	sdelay $0x4  }
0xeb: {  	[tilespmem:v5+s15+$0x0] =	vst.idx.add.f32.msk $0xffff, v7  }
0xec: {  	v5 =	vld.idx.msk [tilespmem:v2+s24+$0x10 ss:$0x1], $0xffff;
	_ =	sdelay $0x6  }
0xed: {  	v6 =	vld.idx.msk [tilespmem:v3+s24+$0x10 ss:$0x1], $0xffff  }
0xee: {  	v5 =	vld.idx.msk [tilespmem:v5+s6+$0x0], $0xffff;
	_ =	sdelay $0x4  }
0xef: {  	v7 =	vld.idx.msk [tilespmem:v4+s24+$0x10 ss:$0x1], $0xffff;
	v5 =	vadd.s32 v6, v5;
	_ =	sdelay $0x4  }
0xf0: {  	[tilespmem:v5+s15+$0x0] =	vst.idx.add.f32.msk $0xffff, v7  }
0xf1: {  	v5 =	vld.idx.msk [tilespmem:v2+s24+$0x20 ss:$0x1], $0xffff;
	_ =	sdelay $0x6  }
0xf2: {  	v6 =	vld.idx.msk [tilespmem:v3+s24+$0x20 ss:$0x1], $0xffff  }
0xf3: {  	v5 =	vld.idx.msk [tilespmem:v5+s6+$0x0], $0xffff;
	_ =	sdelay $0x4  }
0xf4: {  	v7 =	vld.idx.msk [tilespmem:v4+s24+$0x20 ss:$0x1], $0xffff;
	v5 =	vadd.s32 v6, v5;
	_ =	sdelay $0x4  }
0xf5: {  	[tilespmem:v5+s15+$0x0] =	vst.idx.add.f32.msk $0xffff, v7  }
0xf6: {  	v5 =	vld.idx.msk [tilespmem:v2+s24+$0x30 ss:$0x1], $0xffff;
	_ =	sdelay $0x6  }
0xf7: {  	v6 =	vld.idx.msk [tilespmem:v3+s24+$0x30 ss:$0x1], $0xffff  }
0xf8: {  	v5 =	vld.idx.msk [tilespmem:v5+s6+$0x0], $0xffff;
	_ =	sdelay $0x4  }
0xf9: {  	v7 =	vld.idx.msk [tilespmem:v4+s24+$0x30 ss:$0x1], $0xffff;
	v5 =	vadd.s32 v6, v5;
	_ =	sdelay $0x4  }
0xfa: {  	[tilespmem:v5+s15+$0x0] =	vst.idx.add.f32.msk $0xffff, v7  }
0xfb: {  	v5 =	vld.idx.msk [tilespmem:v2+s24+$0x40 ss:$0x1], $0xffff;
	_ =	sdelay $0x6  }
0xfc: {  	v6 =	vld.idx.msk [tilespmem:v3+s24+$0x40 ss:$0x1], $0xffff  }
0xfd: {  	v5 =	vld.idx.msk [tilespmem:v5+s6+$0x0], $0xffff;
	_ =	sdelay $0x4  }
0xfe: {  	v7 =	vld.idx.msk [tilespmem:v4+s24+$0x40 ss:$0x1], $0xffff;
	v5 =	vadd.s32 v6, v5;
	_ =	sdelay $0x4  }
0xff: {  	[tilespmem:v5+s15+$0x0] =	vst.idx.add.f32.msk $0xffff, v7  }
0x100: {  	v5 =	vld.idx.msk [tilespmem:v2+s24+$0x50 ss:$0x1], $0xffff;
	_ =	sdelay $0x6  }
0x101: {  	v6 =	vld.idx.msk [tilespmem:v3+s24+$0x50 ss:$0x1], $0xffff  }
0x102: {  	v5 =	vld.idx.msk [tilespmem:v5+s6+$0x0], $0xffff;
	_ =	sdelay $0x4  }
0x103: {  	v7 =	vld.idx.msk [tilespmem:v4+s24+$0x50 ss:$0x1], $0xffff;
	v5 =	vadd.s32 v6, v5;
	_ =	sdelay $0x4  }
0x104: {  	[tilespmem:v5+s15+$0x0] =	vst.idx.add.f32.msk $0xffff, v7  }
0x105: {  	v5 =	vld.idx.msk [tilespmem:v2+s24+$0x60 ss:$0x1], $0xffff;
	_ =	sdelay $0x6  }
0x106: {  	v6 =	vld.idx.msk [tilespmem:v3+s24+$0x60 ss:$0x1], $0xffff  }
0x107: {  	v5 =	vld.idx.msk [tilespmem:v5+s6+$0x0], $0xffff;
	_ =	sdelay $0x4  }
0x108: {  	v7 =	vld.idx.msk [tilespmem:v4+s24+$0x60 ss:$0x1], $0xffff;
	v5 =	vadd.s32 v6, v5;
	_ =	sdelay $0x4  }
0x109: {  	[tilespmem:v5+s15+$0x0] =	vst.idx.add.f32.msk $0xffff, v7  }
0x10a: {  	v5 =	vld.idx.msk [tilespmem:v2+s24+$0x70 ss:$0x1], $0xffff;
	_ =	sdelay $0x6  }
0x10b: {  	v6 =	vld.idx.msk [tilespmem:v3+s24+$0x70 ss:$0x1], $0xffff  }
0x10c: {  	v5 =	vld.idx.msk [tilespmem:v5+s6+$0x0], $0xffff;
	_ =	sdelay $0x4  }
0x10d: {  	p0 =	seq.s32 s23, $0x3800;
	v7 =	vld.idx.msk [tilespmem:v4+s24+$0x70 ss:$0x1], $0xffff;
	v5 =	vadd.s32 v6, v5  }
.Ltmp13:
0x10e: {  	_ = 	snop;
	(pc) =	sbr.rel @!p0 .LBB2_30-.Ltmp13, $2  }
0x10f: {  	_ =	sdelay $0x2  }
0x110: {  	s23 =	sadd.s32 $0x800, s23;
	[tilespmem:v5+s15+$0x0] =	vst.idx.add.f32.msk $0xffff, v7  }
0x111: {  	p0 =	sgt.u32 s22, $0x5  }
.Ltmp14:
0x112: {  	_ = 	snop;
	(pc) =	sbr.rel @!p0 .LBB2_13-.Ltmp14, $2  }
0x113: {  	_ =	sdelay $0x2  }
0x114: {  	s0 =	simm.s32 $0x30;
	s23 =	smov.u32 s22  }
0x115: {  	_ =	swait.ge [sflag:s19], $0x80  }
0x116: {  	s22 =	sadd.s32 $0xFFFFFFFF, s0;
	[sflag:s19] =	ssyncset.done $0x0  }
.LBB2_32:
0x117: {  	p0 =	sne.s32 s22, $0x1;
	s22 =	sadd.s32 $0xFFFFFFFF, s22;
	[sflag:s19] =	ssyncadd.s32 $0xFFFFFF80  }
.Ltmp15:
0x118: {  	(pc) =	sbr.rel @p0 .LBB2_32-.Ltmp15, $3  }
0x119: {  	_ =	sdelay $0x1  }
0x11a: {  	_ =	swait.ge [sflag:s19], $0x80  }
0x11b: {  	[sflag:s19] =	ssyncset.done $0x0  }
0x11c: {  	[sflag:s19] =	ssyncadd.s32 $0xFFFFFF80  }
0x11d: {  	[tilespmem:s20], [sflag:$0x3] =	stream.linear.gather [spmem:s11], $0x3000, $0x38;
	[tilespmem:$0x1B000] =	vst v63  }
0x11e: {  	_ =	swait.ge [sflag:s16], $0x3000  }
0x11f: {  	[sflag:s16] =	ssyncset.done $0x0  }
0x120: {  	s22 =	simm.s32 $0x0;
	[sflag:s16] =	ssyncadd.s32 $0xFFFFD000  }
0x121: {  	v2 =	vld [tilespmem:s22+$0xF000]  }
0x122: {  	s23 =	simm.s32 $0x40;
	v3 =	vld [tilespmem:s22+$0x12000]  }
.LBB2_34:
0x123: {  	_ = 	snop  }
0x124: {  	p0 =	sne.s32 s23, $0xBFC0  }
.Ltmp16:
0x125: {  	_ = 	snop;
	(pc) =	sbr.rel @p0 .LBB2_34-.Ltmp16, $4  }
0x126: {  	_ = 	snop  }
0x127: {  	s0 =	sshra.s32 s23, $0x2;
	v4 =	vadd.f32 v3, v2  }
0x128: {  	v2 =	vld [tilespmem:s0+$0xF000]  }
0x129: {  	s23 =	sadd.s32 $0x40, s23;
	v3 =	vld [tilespmem:s0+$0x12000];
	[tilespmem:s22+$0xF000] =	vst v4;
	s22 =	smov.u32 s0  }
0x12a: {  	_ =	sdelay $0x3  }
0x12b: {  	s21 =	sadd.s32 $0x1, s21;
	v2 =	vadd.f32 v3, v2  }
0x12c: {  	p0 =	sne.s32 s21, s14  }
.Ltmp17:
0x12d: {  	[tilespmem:s22+$0xF000] =	vst v2;
	(pc) =	sbr.rel @p0 .LBB2_1-.Ltmp17, $4  }
0x12e: {  	[hbm4b:s13+s17] =	stream.strided.scatter [tilespmem:s15], [sflag:$0x3], $0x3000, s18, s17, $0x38;
	[tilespmem:$0x1B000] =	vst v63  }
0x12f: {  	_ =	swait.ge [sflag:s16], $0x3000  }
0x130: {  	[sflag:s16] =	ssyncset.done $0x0  }
0x131: {  	[sflag:s16] =	ssyncadd.s32 $0xFFFFD000  }
0x132: {  	_ =	sfence.sel $0x180000  }
0x133: {  	[bflag:$0x0] =	sbarrier.arrive $0xFFFF  }
0x134: {  	_ =	strace $0x90000047  }
0x135: {  	[bflag:$0x2] =	sbarrier.arrive $0xFFFF  }
0x136: {  	p0 =	sne.s32 s4, $0x0;
	s0 =	rddreg [dreg:$0x6]  }
0x137: {  	s0 =	sadd.s32 @!p0 $0x100000, s0  }
0x138: {  	[sflag:s0] =	ssyncadd.tile.s32 @!p0 $0x1;
	_ =	shalt  }
.Lfunc_end2:
_tile_overlayer_lowered:
.L_overlay_start_2:
0x139: {  	(tag) =	ssettag $0x2  }
0x13a: {  	s0 =	rddreg [dreg:$0x0];
	s2 =	stileid.u32  }
0x13b: {  	s1 =	rddreg [dreg:$0x1];
	p0 =	sne.s32 s2, $0x0  }
0x13c: {  	s3 =	rddreg [dreg:$0x2];
	[bflag:$0x3] =	sbarrier.arrive $0xFFFF;
	s2 =	simm.s32 @!p0 $0x1C03  }
0x13d: {  	[timem:s3], [sflag:s2] =	dma.local @!p0 [hbm:s0], s1  }
0x13e: {  	s0 =	simm.s32 @!p0 $0x3  }
0x13f: {  	_ =	swait.ge @!p0 [sflag:s0], s1  }
0x140: {  	s1 =	ssub.s32 @!p0 $0x0, s1;
	[sflag:s0] =	ssyncset.done @!p0 $0x0  }
0x141: {  	[sflag:s0] =	ssyncadd.s32 @!p0 s1  }
0x142: {  	[bflag:$0x3] =	sbarrier.arrive $0xFFFF  }
0x143: {  	_ =	shalt  }

</sc_bundles>
